<compile_context>
chip_gen: v7x
topology: tpu7x:2x2x1
jax: 0.10.2.dev20260603
libtpu: 0.0.44.dev20260713+nightly
codegen_flags: <defaults>
</compile_context>

<pallas_src>
import functools

import jax
import jax.numpy as jnp
from jax import lax
from jax.experimental import pallas as pl
from jax.experimental.pallas import tpu as pltpu
from jax.experimental.pallas import tpu_sc as plsc

NC, NS, L = 2, 16, 16
NW = NC * NS

BATCH = 4096
SEQ = 200
EMBED_DIM = 64
TOTAL = BATCH * SEQ
PER_W = TOTAL // NW
PADD = 128
BLK = 128
NBLK = PER_W // BLK
GROUPS = NBLK // 4
ENC_ROWS = SEQ + BLK - 8


def _pos_encoding(seq_len, d):
    position = jnp.arange(0, seq_len, dtype=jnp.float32)[:, None]
    div_term = jnp.exp(jnp.arange(0, d, 2, dtype=jnp.float32) * -(jnp.log(10000.0) / d))
    enc = jnp.zeros((seq_len, d), dtype=jnp.float32)
    enc = enc.at[:, 0::2].set(jnp.sin(position * div_term))
    enc = enc.at[:, 1::2].set(jnp.cos(position * div_term[: d // 2]))
    return enc


def _body(weight_hbm, idx_hbm, enc_hbm, out_hbm, enc_v,
          ib0, ib1, ib2, ib3, gbuf0, gbuf1, gbuf2, gbuf3, sbuf0, sbuf1,
          i0, i1, i2, i3, g0, g1, g2, g3, s0, s1):
    idxbs = [ib0, ib1, ib2, ib3]
    gbufs = [gbuf0, gbuf1, gbuf2, gbuf3]
    sbufs = [sbuf0, sbuf1]
    isems = [i0, i1, i2, i3]
    gsems = [g0, g1, g2, g3]
    ssems = [s0, s1]
    wid = lax.axis_index("s") * NC + lax.axis_index("c")
    base = wid * PER_W

    pltpu.sync_copy(enc_hbm, enc_v)

    def start_idx(c, b):
        pltpu.async_copy(idx_hbm.at[wid * NBLK + c], idxbs[b], isems[b])

    def wait_idx(c, b):
        pltpu.make_async_copy(
            idx_hbm.at[wid * NBLK + c], idxbs[b], isems[b]
        ).wait()

    def start_gather(b):
        for k in range(BLK // L):
            iv = idxbs[b][pl.ds(k * L, L)]
            pltpu.async_copy(
                weight_hbm.at[plsc.Indices(iv)],
                gbufs[b].at[pl.ds(k * L, L), :],
                gsems[b],
            )

    def wait_gather(b):
        for k in range(BLK // L):
            iv = idxbs[b][pl.ds(k * L, L)]
            pltpu.make_async_copy(
                weight_hbm.at[plsc.Indices(iv)],
                gbufs[b].at[pl.ds(k * L, L), :],
                gsems[b],
            ).wait()

    def start_store(c, b):
        pltpu.async_copy(
            sbufs[b], out_hbm.at[pl.ds(base + c * BLK, BLK)], ssems[b]
        )

    def wait_store(c, b):
        pltpu.make_async_copy(
            sbufs[b], out_hbm.at[pl.ds(base + c * BLK, BLK)], ssems[b]
        ).wait()

    for b in range(4):
        start_idx(b, b)
    wait_idx(0, 0)
    start_gather(0)
    wait_idx(1, 1)
    start_gather(1)

    def group_body(g, carry):
        for b in range(4):
            c = g * 4 + b
            sb = b % 2
            nb = (b + 2) % 4
            wait_gather(b)
            if b < 2:
                wait_idx(c + 2, nb)
                start_gather(nb)
            else:

                @pl.when(g < GROUPS - 1)
                def _():
                    wait_idx(c + 2, nb)
                    start_gather(nb)

            @pl.when(g < GROUPS - 1)
            def _():
                start_idx(c + 4, b)

            if b < 2:

                @pl.when(g > 0)
                def _():
                    wait_store(c - 2, sb)

            else:
                wait_store(c - 2, sb)

            off2 = ((c * BLK) % SEQ) // 2
            gv = gbufs[b]
            sv = sbufs[sb]

            @plsc.parallel_loop(0, BLK // 2, unroll=4)
            def _(p):
                e = off2 + p
                for j in range(EMBED_DIM // L):
                    sl = pl.ds(j * L, L)
                    sh = pl.ds(EMBED_DIM + j * L, L)
                    sv[2 * p, sl] = gv[2 * p, sl] + enc_v[e, sl]
                    sv[2 * p + 1, sl] = gv[2 * p + 1, sl] + enc_v[e, sh]

            start_store(c, sb)
        return carry

    lax.fori_loop(0, GROUPS, group_body, 0)
    wait_store(NBLK - 2, 0)
    wait_store(NBLK - 1, 1)


@jax.jit
def _embed(text, weight, enc_pairs):
    wpad = jnp.pad(weight, ((0, 0), (0, PADD - EMBED_DIM)))
    idx2d = text.reshape(NBLK * NW, BLK).astype(jnp.int32)
    mesh = plsc.VectorSubcoreMesh(
        core_axis_name="c", subcore_axis_name="s", num_cores=NC, num_subcores=NS
    )
    out = pl.kernel(
        _body,
        out_type=jax.ShapeDtypeStruct((TOTAL, EMBED_DIM), jnp.float32),
        mesh=mesh,
        scratch_types=[
            pltpu.VMEM((ENC_ROWS // 2, 2 * EMBED_DIM), jnp.float32),
        ]
        + [pltpu.VMEM((BLK,), jnp.int32) for _ in range(4)]
        + [pltpu.VMEM((BLK, PADD), jnp.float32) for _ in range(4)]
        + [pltpu.VMEM((BLK, EMBED_DIM), jnp.float32) for _ in range(2)]
        + [pltpu.SemaphoreType.DMA for _ in range(10)],
    )(wpad, idx2d, enc_pairs)
    return out.reshape(BATCH, SEQ, EMBED_DIM)


def kernel(text, weight):
    enc = _pos_encoding(SEQ, EMBED_DIM)
    enc_ext = jnp.concatenate([enc, enc[: ENC_ROWS - SEQ]], axis=0)
    enc_pairs = enc_ext.reshape(ENC_ROWS // 2, 2 * EMBED_DIM)
    return _embed(text, weight, enc_pairs)

# --- scband reference (transcript-rebuilt; emitter-appended) ---
"""Pipeline reference for scband-embedding-layer-24275155157479 (READ-ONLY COPY).

The authoritative reference and input builder live on the scoring server;
editing this copy changes nothing except your own understanding.
"""

import jax, jax.numpy as jnp
import numpy as np

VOCAB = 1000000
EMBED_DIM = 64
BATCH = 4096
SEQ = 200


def setup_inputs(seed: int = 0) -> dict:
    key = jax.random.key(seed)
    k1, k2 = jax.random.split(key)
    text = jax.random.randint(k1, (BATCH, SEQ), 0, VOCAB, dtype=jnp.int64 if jax.config.jax_enable_x64 else jnp.int32)
    weight = jax.random.normal(k2, (VOCAB, EMBED_DIM), dtype=jnp.float32)
    return {"text": text, "weight": weight}


def _positional_encoding(seq_len, d):
    position = jnp.arange(0, seq_len, dtype=jnp.float32)[:, None]
    div_term = jnp.exp(jnp.arange(0, d, 2, dtype=jnp.float32) * -(jnp.log(10000.0) / d))
    enc = jnp.zeros((seq_len, d), dtype=jnp.float32)
    enc = enc.at[:, 0::2].set(jnp.sin(position * div_term))
    enc = enc.at[:, 1::2].set(jnp.cos(position * div_term[: d // 2]))
    return enc


def reference(text, weight):
    embedded = jnp.take(weight, text, axis=0)  # [B, S, D] gather
    enc = _positional_encoding(text.shape[1], weight.shape[1])
    return embedded + enc[None, :, :]

if __name__ == "__main__":
    import jax
    _d = setup_inputs()
    print(jax.jit(kernel)(*tuple(_d.values())))

</pallas_src>

<mosaic_0001>
#map = affine_map<(d0, d1) -> (0, 0)>
module attributes {stable_mosaic.version = 14 : i64} {
  func.func @_body(%arg0: i32, %arg1: i32, %arg2: memref<1000000x128xf32, #tpu.memory_space<hbm>>, %arg3: memref<6400x128xi32, #tpu.memory_space<hbm>>, %arg4: memref<160x128xf32, #tpu.memory_space<hbm>>, %arg5: memref<819200x64xf32, #tpu.memory_space<hbm>>, %arg6: memref<160x128xf32, #tpu.memory_space<vmem>>, %arg7: memref<128xi32, #tpu.memory_space<vmem>>, %arg8: memref<128xi32, #tpu.memory_space<vmem>>, %arg9: memref<128xi32, #tpu.memory_space<vmem>>, %arg10: memref<128xi32, #tpu.memory_space<vmem>>, %arg11: memref<128x128xf32, #tpu.memory_space<vmem>>, %arg12: memref<128x128xf32, #tpu.memory_space<vmem>>, %arg13: memref<128x128xf32, #tpu.memory_space<vmem>>, %arg14: memref<128x128xf32, #tpu.memory_space<vmem>>, %arg15: memref<128x64xf32, #tpu.memory_space<vmem>>, %arg16: memref<128x64xf32, #tpu.memory_space<vmem>>, %arg17: memref<!tpu.dma_semaphore, #tpu.memory_space<semaphore_mem>>, %arg18: memref<!tpu.dma_semaphore, #tpu.memory_space<semaphore_mem>>, %arg19: memref<!tpu.dma_semaphore, #tpu.memory_space<semaphore_mem>>, %arg20: memref<!tpu.dma_semaphore, #tpu.memory_space<semaphore_mem>>, %arg21: memref<!tpu.dma_semaphore, #tpu.memory_space<semaphore_mem>>, %arg22: memref<!tpu.dma_semaphore, #tpu.memory_space<semaphore_mem>>, %arg23: memref<!tpu.dma_semaphore, #tpu.memory_space<semaphore_mem>>, %arg24: memref<!tpu.dma_semaphore, #tpu.memory_space<semaphore_mem>>, %arg25: memref<!tpu.dma_semaphore, #tpu.memory_space<semaphore_mem>>, %arg26: memref<!tpu.dma_semaphore, #tpu.memory_space<semaphore_mem>>) attributes {dimension_semantics = [#tpu.dimension_semantics<core_parallel>, #tpu.dimension_semantics<subcore_parallel>], iteration_bounds = array<i64: 2, 16>, scalar_prefetch = 0 : i64, scratch_operands = 21 : i64, tpu.core_type = #tpu.core_type<sc_vector_subcore>, window_params = [{transform_indices = #map}, {transform_indices = #map}, {transform_indices = #map}, {transform_indices = #map}]} {
    %mul3A = arith.constant 2 : i32
    %mul3A_0 = arith.muli %arg1, %mul3A : i32
    %add3A = arith.addi %mul3A_0, %arg0 : i32
    %mul3A_1 = arith.constant 25600 : i32
    %mul3A_2 = arith.muli %add3A, %mul3A_1 : i32
    "tpu.region"() ({
      %run_scoped3A = tpu.sem_alloc : memref<!tpu.dma_semaphore, #tpu.memory_space<semaphore_mem>>
      tpu.enqueue_dma source(%arg4 : memref<160x128xf32, #tpu.memory_space<hbm>>) target(%arg6 : memref<160x128xf32, #tpu.memory_space<vmem>>) target_semaphore(%run_scoped3A : memref<!tpu.dma_semaphore, #tpu.memory_space<semaphore_mem>>)
      tpu.wait_dma2 semaphore(%run_scoped3A : memref<!tpu.dma_semaphore, #tpu.memory_space<semaphore_mem>>) src(%arg4 : memref<160x128xf32, #tpu.memory_space<hbm>>) dst(%arg6 : memref<160x128xf32, #tpu.memory_space<vmem>>)
      tpu.yield
    }) : () -> ()
    %mul3A_3 = arith.constant 200 : i32
    %mul3A_4 = arith.muli %add3A, %mul3A_3 : i32
    %add3A_5 = arith.constant 0 : i32
    %add3A_6 = arith.addi %mul3A_4, %add3A_5 : i32
    %dma_start3A = arith.constant 0 : i32
    %dma_start3A_7 = tpu.memref_slice %arg3[%add3A_6, %dma_start3A] : memref<6400x128xi32, #tpu.memory_space<hbm>> -> memref<1x128xi32, #tpu.memory_space<hbm>>
    %dma_start3A_8 = tpu.memref_squeeze %dma_start3A_7 : memref<1x128xi32, #tpu.memory_space<hbm>> -> memref<128xi32, #tpu.memory_space<hbm>>
    %dma_start3A_9 = arith.constant 0 : i32
    %dma_start3A_10 = tpu.memref_slice %arg3[%add3A_6, %dma_start3A_9] : memref<6400x128xi32, #tpu.memory_space<hbm>> -> memref<1x128xi32, #tpu.memory_space<hbm>>
    %dma_start3A_11 = tpu.memref_squeeze %dma_start3A_10 : memref<1x128xi32, #tpu.memory_space<hbm>> -> memref<128xi32, #tpu.memory_space<hbm>>
    tpu.enqueue_dma source(%dma_start3A_11 : memref<128xi32, #tpu.memory_space<hbm>>) target(%arg7 : memref<128xi32, #tpu.memory_space<vmem>>) target_semaphore(%arg17 : memref<!tpu.dma_semaphore, #tpu.memory_space<semaphore_mem>>)
    %mul3A_12 = arith.constant 200 : i32
    %mul3A_13 = arith.muli %add3A, %mul3A_12 : i32
    %add3A_14 = arith.constant 1 : i32
    %add3A_15 = arith.addi %mul3A_13, %add3A_14 : i32
    %dma_start3A_16 = arith.constant 0 : i32
    %dma_start3A_17 = tpu.memref_slice %arg3[%add3A_15, %dma_start3A_16] : memref<6400x128xi32, #tpu.memory_space<hbm>> -> memref<1x128xi32, #tpu.memory_space<hbm>>
    %dma_start3A_18 = tpu.memref_squeeze %dma_start3A_17 : memref<1x128xi32, #tpu.memory_space<hbm>> -> memref<128xi32, #tpu.memory_space<hbm>>
    %dma_start3A_19 = arith.constant 0 : i32
    %dma_start3A_20 = tpu.memref_slice %arg3[%add3A_15, %dma_start3A_19] : memref<6400x128xi32, #tpu.memory_space<hbm>> -> memref<1x128xi32, #tpu.memory_space<hbm>>
    %dma_start3A_21 = tpu.memref_squeeze %dma_start3A_20 : memref<1x128xi32, #tpu.memory_space<hbm>> -> memref<128xi32, #tpu.memory_space<hbm>>
    tpu.enqueue_dma source(%dma_start3A_21 : memref<128xi32, #tpu.memory_space<hbm>>) target(%arg8 : memref<128xi32, #tpu.memory_space<vmem>>) target_semaphore(%arg18 : memref<!tpu.dma_semaphore, #tpu.memory_space<semaphore_mem>>)
    %mul3A_22 = arith.constant 200 : i32
    %mul3A_23 = arith.muli %add3A, %mul3A_22 : i32
    %add3A_24 = arith.constant 2 : i32
    %add3A_25 = arith.addi %mul3A_23, %add3A_24 : i32
    %dma_start3A_26 = arith.constant 0 : i32
    %dma_start3A_27 = tpu.memref_slice %arg3[%add3A_25, %dma_start3A_26] : memref<6400x128xi32, #tpu.memory_space<hbm>> -> memref<1x128xi32, #tpu.memory_space<hbm>>
    %dma_start3A_28 = tpu.memref_squeeze %dma_start3A_27 : memref<1x128xi32, #tpu.memory_space<hbm>> -> memref<128xi32, #tpu.memory_space<hbm>>
    %dma_start3A_29 = arith.constant 0 : i32
    %dma_start3A_30 = tpu.memref_slice %arg3[%add3A_25, %dma_start3A_29] : memref<6400x128xi32, #tpu.memory_space<hbm>> -> memref<1x128xi32, #tpu.memory_space<hbm>>
    %dma_start3A_31 = tpu.memref_squeeze %dma_start3A_30 : memref<1x128xi32, #tpu.memory_space<hbm>> -> memref<128xi32, #tpu.memory_space<hbm>>
    tpu.enqueue_dma source(%dma_start3A_31 : memref<128xi32, #tpu.memory_space<hbm>>) target(%arg9 : memref<128xi32, #tpu.memory_space<vmem>>) target_semaphore(%arg19 : memref<!tpu.dma_semaphore, #tpu.memory_space<semaphore_mem>>)
    %mul3A_32 = arith.constant 200 : i32
    %mul3A_33 = arith.muli %add3A, %mul3A_32 : i32
    %add3A_34 = arith.constant 3 : i32
    %add3A_35 = arith.addi %mul3A_33, %add3A_34 : i32
    %dma_start3A_36 = arith.constant 0 : i32
    %dma_start3A_37 = tpu.memref_slice %arg3[%add3A_35, %dma_start3A_36] : memref<6400x128xi32, #tpu.memory_space<hbm>> -> memref<1x128xi32, #tpu.memory_space<hbm>>
    %dma_start3A_38 = tpu.memref_squeeze %dma_start3A_37 : memref<1x128xi32, #tpu.memory_space<hbm>> -> memref<128xi32, #tpu.memory_space<hbm>>
    %dma_start3A_39 = arith.constant 0 : i32
    %dma_start3A_40 = tpu.memref_slice %arg3[%add3A_35, %dma_start3A_39] : memref<6400x128xi32, #tpu.memory_space<hbm>> -> memref<1x128xi32, #tpu.memory_space<hbm>>
    %dma_start3A_41 = tpu.memref_squeeze %dma_start3A_40 : memref<1x128xi32, #tpu.memory_space<hbm>> -> memref<128xi32, #tpu.memory_space<hbm>>
    tpu.enqueue_dma source(%dma_start3A_41 : memref<128xi32, #tpu.memory_space<hbm>>) target(%arg10 : memref<128xi32, #tpu.memory_space<vmem>>) target_semaphore(%arg20 : memref<!tpu.dma_semaphore, #tpu.memory_space<semaphore_mem>>)
    %mul3A_42 = arith.constant 200 : i32
    %mul3A_43 = arith.muli %add3A, %mul3A_42 : i32
    %add3A_44 = arith.constant 0 : i32
    %add3A_45 = arith.addi %mul3A_43, %add3A_44 : i32
    %dma_wait3A = arith.constant 0 : i32
    %dma_wait3A_46 = tpu.memref_slice %arg3[%add3A_45, %dma_wait3A] : memref<6400x128xi32, #tpu.memory_space<hbm>> -> memref<1x128xi32, #tpu.memory_space<hbm>>
    %dma_wait3A_47 = tpu.memref_squeeze %dma_wait3A_46 : memref<1x128xi32, #tpu.memory_space<hbm>> -> memref<128xi32, #tpu.memory_space<hbm>>
    %dma_wait3A_48 = arith.constant 0 : i32
    %dma_wait3A_49 = tpu.memref_slice %arg3[%add3A_45, %dma_wait3A_48] : memref<6400x128xi32, #tpu.memory_space<hbm>> -> memref<1x128xi32, #tpu.memory_space<hbm>>
    %dma_wait3A_50 = tpu.memref_squeeze %dma_wait3A_49 : memref<1x128xi32, #tpu.memory_space<hbm>> -> memref<128xi32, #tpu.memory_space<hbm>>
    tpu.wait_dma2 semaphore(%arg17 : memref<!tpu.dma_semaphore, #tpu.memory_space<semaphore_mem>>) src(%dma_wait3A_50 : memref<128xi32, #tpu.memory_space<hbm>>) dst(%arg7 : memref<128xi32, #tpu.memory_space<vmem>>)
    %get3A = arith.constant 0 : index
    %get3A_51 = tpu.vector_load %arg7[%get3A] {strides = array<i32>} : memref<128xi32, #tpu.memory_space<vmem>>, vector<16xi32>,
    %get3A_52 = vector.shape_cast %get3A_51 : vector<16xi32> to vector<16xi32>
    %dma_start3A_53 = arith.constant 0 : i32
    %dma_start3A_54 = arith.constant 0 : i32
    %dma_start3A_55 = tpu.memref_slice %arg11[%dma_start3A_53, %dma_start3A_54] : memref<128x128xf32, #tpu.memory_space<vmem>> -> memref<16x128xf32, #tpu.memory_space<vmem>>
    %dma_start3A_56 = arith.constant 0 : i32
    %dma_start3A_57 = arith.constant 0 : i32
    %dma_start3A_58 = tpu.memref_slice %arg2[%dma_start3A_56, %dma_start3A_57] : memref<1000000x128xf32, #tpu.memory_space<hbm>> -> memref<1000000x128xf32, #tpu.memory_space<hbm>>
    tpu.enqueue_indirect_dma source(%dma_start3A_58 : memref<1000000x128xf32, #tpu.memory_space<hbm>>) target(%dma_start3A_55 : memref<16x128xf32, #tpu.memory_space<vmem>>) offsets(%get3A_52 : vector<16xi32>) semaphore(%arg21 : memref<!tpu.dma_semaphore, #tpu.memory_space<semaphore_mem>>)
    %get3A_59 = arith.constant 16 : index
    %get3A_60 = tpu.vector_load %arg7[%get3A_59] {strides = array<i32>} : memref<128xi32, #tpu.memory_space<vmem>>, vector<16xi32>,
    %get3A_61 = vector.shape_cast %get3A_60 : vector<16xi32> to vector<16xi32>
    %dma_start3A_62 = arith.constant 16 : i32
    %dma_start3A_63 = arith.constant 0 : i32
    %dma_start3A_64 = tpu.memref_slice %arg11[%dma_start3A_62, %dma_start3A_63] : memref<128x128xf32, #tpu.memory_space<vmem>> -> memref<16x128xf32, #tpu.memory_space<vmem>>
    %dma_start3A_65 = arith.constant 0 : i32
    %dma_start3A_66 = arith.constant 0 : i32
    %dma_start3A_67 = tpu.memref_slice %arg2[%dma_start3A_65, %dma_start3A_66] : memref<1000000x128xf32, #tpu.memory_space<hbm>> -> memref<1000000x128xf32, #tpu.memory_space<hbm>>
    tpu.enqueue_indirect_dma source(%dma_start3A_67 : memref<1000000x128xf32, #tpu.memory_space<hbm>>) target(%dma_start3A_64 : memref<16x128xf32, #tpu.memory_space<vmem>>) offsets(%get3A_61 : vector<16xi32>) semaphore(%arg21 : memref<!tpu.dma_semaphore, #tpu.memory_space<semaphore_mem>>)
    %get3A_68 = arith.constant 32 : index
    %get3A_69 = tpu.vector_load %arg7[%get3A_68] {strides = array<i32>} : memref<128xi32, #tpu.memory_space<vmem>>, vector<16xi32>,
    %get3A_70 = vector.shape_cast %get3A_69 : vector<16xi32> to vector<16xi32>
    %dma_start3A_71 = arith.constant 32 : i32
    %dma_start3A_72 = arith.constant 0 : i32
    %dma_start3A_73 = tpu.memref_slice %arg11[%dma_start3A_71, %dma_start3A_72] : memref<128x128xf32, #tpu.memory_space<vmem>> -> memref<16x128xf32, #tpu.memory_space<vmem>>
    %dma_start3A_74 = arith.constant 0 : i32
    %dma_start3A_75 = arith.constant 0 : i32
    %dma_start3A_76 = tpu.memref_slice %arg2[%dma_start3A_74, %dma_start3A_75] : memref<1000000x128xf32, #tpu.memory_space<hbm>> -> memref<1000000x128xf32, #tpu.memory_space<hbm>>
    tpu.enqueue_indirect_dma source(%dma_start3A_76 : memref<1000000x128xf32, #tpu.memory_space<hbm>>) target(%dma_start3A_73 : memref<16x128xf32, #tpu.memory_space<vmem>>) offsets(%get3A_70 : vector<16xi32>) semaphore(%arg21 : memref<!tpu.dma_semaphore, #tpu.memory_space<semaphore_mem>>)
    %get3A_77 = arith.constant 48 : index
    %get3A_78 = tpu.vector_load %arg7[%get3A_77] {strides = array<i32>} : memref<128xi32, #tpu.memory_space<vmem>>, vector<16xi32>,
    %get3A_79 = vector.shape_cast %get3A_78 : vector<16xi32> to vector<16xi32>
    %dma_start3A_80 = arith.constant 48 : i32
    %dma_start3A_81 = arith.constant 0 : i32
    %dma_start3A_82 = tpu.memref_slice %arg11[%dma_start3A_80, %dma_start3A_81] : memref<128x128xf32, #tpu.memory_space<vmem>> -> memref<16x128xf32, #tpu.memory_space<vmem>>
    %dma_start3A_83 = arith.constant 0 : i32
    %dma_start3A_84 = arith.constant 0 : i32
    %dma_start3A_85 = tpu.memref_slice %arg2[%dma_start3A_83, %dma_start3A_84] : memref<1000000x128xf32, #tpu.memory_space<hbm>> -> memref<1000000x128xf32, #tpu.memory_space<hbm>>
    tpu.enqueue_indirect_dma source(%dma_start3A_85 : memref<1000000x128xf32, #tpu.memory_space<hbm>>) target(%dma_start3A_82 : memref<16x128xf32, #tpu.memory_space<vmem>>) offsets(%get3A_79 : vector<16xi32>) semaphore(%arg21 : memref<!tpu.dma_semaphore, #tpu.memory_space<semaphore_mem>>)
    %get3A_86 = arith.constant 64 : index
    %get3A_87 = tpu.vector_load %arg7[%get3A_86] {strides = array<i32>} : memref<128xi32, #tpu.memory_space<vmem>>, vector<16xi32>,
    %get3A_88 = vector.shape_cast %get3A_87 : vector<16xi32> to vector<16xi32>
    %dma_start3A_89 = arith.constant 64 : i32
    %dma_start3A_90 = arith.constant 0 : i32
    %dma_start3A_91 = tpu.memref_slice %arg11[%dma_start3A_89, %dma_start3A_90] : memref<128x128xf32, #tpu.memory_space<vmem>> -> memref<16x128xf32, #tpu.memory_space<vmem>>
    %dma_start3A_92 = arith.constant 0 : i32
    %dma_start3A_93 = arith.constant 0 : i32
    %dma_start3A_94 = tpu.memref_slice %arg2[%dma_start3A_92, %dma_start3A_93] : memref<1000000x128xf32, #tpu.memory_space<hbm>> -> memref<1000000x128xf32, #tpu.memory_space<hbm>>
    tpu.enqueue_indirect_dma source(%dma_start3A_94 : memref<1000000x128xf32, #tpu.memory_space<hbm>>) target(%dma_start3A_91 : memref<16x128xf32, #tpu.memory_space<vmem>>) offsets(%get3A_88 : vector<16xi32>) semaphore(%arg21 : memref<!tpu.dma_semaphore, #tpu.memory_space<semaphore_mem>>)
    %get3A_95 = arith.constant 80 : index
    %get3A_96 = tpu.vector_load %arg7[%get3A_95] {strides = array<i32>} : memref<128xi32, #tpu.memory_space<vmem>>, vector<16xi32>,
    %get3A_97 = vector.shape_cast %get3A_96 : vector<16xi32> to vector<16xi32>
    %dma_start3A_98 = arith.constant 80 : i32
    %dma_start3A_99 = arith.constant 0 : i32
    %dma_start3A_100 = tpu.memref_slice %arg11[%dma_start3A_98, %dma_start3A_99] : memref<128x128xf32, #tpu.memory_space<vmem>> -> memref<16x128xf32, #tpu.memory_space<vmem>>
    %dma_start3A_101 = arith.constant 0 : i32
    %dma_start3A_102 = arith.constant 0 : i32
    %dma_start3A_103 = tpu.memref_slice %arg2[%dma_start3A_101, %dma_start3A_102] : memref<1000000x128xf32, #tpu.memory_space<hbm>> -> memref<1000000x128xf32, #tpu.memory_space<hbm>>
    tpu.enqueue_indirect_dma source(%dma_start3A_103 : memref<1000000x128xf32, #tpu.memory_space<hbm>>) target(%dma_start3A_100 : memref<16x128xf32, #tpu.memory_space<vmem>>) offsets(%get3A_97 : vector<16xi32>) semaphore(%arg21 : memref<!tpu.dma_semaphore, #tpu.memory_space<semaphore_mem>>)
    %get3A_104 = arith.constant 96 : index
    %get3A_105 = tpu.vector_load %arg7[%get3A_104] {strides = array<i32>} : memref<128xi32, #tpu.memory_space<vmem>>, vector<16xi32>,
    %get3A_106 = vector.shape_cast %get3A_105 : vector<16xi32> to vector<16xi32>
    %dma_start3A_107 = arith.constant 96 : i32
    %dma_start3A_108 = arith.constant 0 : i32
    %dma_start3A_109 = tpu.memref_slice %arg11[%dma_start3A_107, %dma_start3A_108] : memref<128x128xf32, #tpu.memory_space<vmem>> -> memref<16x128xf32, #tpu.memory_space<vmem>>
    %dma_start3A_110 = arith.constant 0 : i32
    %dma_start3A_111 = arith.constant 0 : i32
    %dma_start3A_112 = tpu.memref_slice %arg2[%dma_start3A_110, %dma_start3A_111] : memref<1000000x128xf32, #tpu.memory_space<hbm>> -> memref<1000000x128xf32, #tpu.memory_space<hbm>>
    tpu.enqueue_indirect_dma source(%dma_start3A_112 : memref<1000000x128xf32, #tpu.memory_space<hbm>>) target(%dma_start3A_109 : memref<16x128xf32, #tpu.memory_space<vmem>>) offsets(%get3A_106 : vector<16xi32>) semaphore(%arg21 : memref<!tpu.dma_semaphore, #tpu.memory_space<semaphore_mem>>)
    %get3A_113 = arith.constant 112 : index
    %get3A_114 = tpu.vector_load %arg7[%get3A_113] {strides = array<i32>} : memref<128xi32, #tpu.memory_space<vmem>>, vector<16xi32>,
    %get3A_115 = vector.shape_cast %get3A_114 : vector<16xi32> to vector<16xi32>
    %dma_start3A_116 = arith.constant 112 : i32
    %dma_start3A_117 = arith.constant 0 : i32
    %dma_start3A_118 = tpu.memref_slice %arg11[%dma_start3A_116, %dma_start3A_117] : memref<128x128xf32, #tpu.memory_space<vmem>> -> memref<16x128xf32, #tpu.memory_space<vmem>>
    %dma_start3A_119 = arith.constant 0 : i32
    %dma_start3A_120 = arith.constant 0 : i32
    %dma_start3A_121 = tpu.memref_slice %arg2[%dma_start3A_119, %dma_start3A_120] : memref<1000000x128xf32, #tpu.memory_space<hbm>> -> memref<1000000x128xf32, #tpu.memory_space<hbm>>
    tpu.enqueue_indirect_dma source(%dma_start3A_121 : memref<1000000x128xf32, #tpu.memory_space<hbm>>) target(%dma_start3A_118 : memref<16x128xf32, #tpu.memory_space<vmem>>) offsets(%get3A_115 : vector<16xi32>) semaphore(%arg21 : memref<!tpu.dma_semaphore, #tpu.memory_space<semaphore_mem>>)
    %mul3A_122 = arith.constant 200 : i32
    %mul3A_123 = arith.muli %add3A, %mul3A_122 : i32
    %add3A_124 = arith.constant 1 : i32
    %add3A_125 = arith.addi %mul3A_123, %add3A_124 : i32
    %dma_wait3A_126 = arith.constant 0 : i32
    %dma_wait3A_127 = tpu.memref_slice %arg3[%add3A_125, %dma_wait3A_126] : memref<6400x128xi32, #tpu.memory_space<hbm>> -> memref<1x128xi32, #tpu.memory_space<hbm>>
    %dma_wait3A_128 = tpu.memref_squeeze %dma_wait3A_127 : memref<1x128xi32, #tpu.memory_space<hbm>> -> memref<128xi32, #tpu.memory_space<hbm>>
    %dma_wait3A_129 = arith.constant 0 : i32
    %dma_wait3A_130 = tpu.memref_slice %arg3[%add3A_125, %dma_wait3A_129] : memref<6400x128xi32, #tpu.memory_space<hbm>> -> memref<1x128xi32, #tpu.memory_space<hbm>>
    %dma_wait3A_131 = tpu.memref_squeeze %dma_wait3A_130 : memref<1x128xi32, #tpu.memory_space<hbm>> -> memref<128xi32, #tpu.memory_space<hbm>>
    tpu.wait_dma2 semaphore(%arg18 : memref<!tpu.dma_semaphore, #tpu.memory_space<semaphore_mem>>) src(%dma_wait3A_131 : memref<128xi32, #tpu.memory_space<hbm>>) dst(%arg8 : memref<128xi32, #tpu.memory_space<vmem>>)
    %get3A_132 = arith.constant 0 : index
    %get3A_133 = tpu.vector_load %arg8[%get3A_132] {strides = array<i32>} : memref<128xi32, #tpu.memory_space<vmem>>, vector<16xi32>,
    %get3A_134 = vector.shape_cast %get3A_133 : vector<16xi32> to vector<16xi32>
    %dma_start3A_135 = arith.constant 0 : i32
    %dma_start3A_136 = arith.constant 0 : i32
    %dma_start3A_137 = tpu.memref_slice %arg12[%dma_start3A_135, %dma_start3A_136] : memref<128x128xf32, #tpu.memory_space<vmem>> -> memref<16x128xf32, #tpu.memory_space<vmem>>
    %dma_start3A_138 = arith.constant 0 : i32
    %dma_start3A_139 = arith.constant 0 : i32
    %dma_start3A_140 = tpu.memref_slice %arg2[%dma_start3A_138, %dma_start3A_139] : memref<1000000x128xf32, #tpu.memory_space<hbm>> -> memref<1000000x128xf32, #tpu.memory_space<hbm>>
    tpu.enqueue_indirect_dma source(%dma_start3A_140 : memref<1000000x128xf32, #tpu.memory_space<hbm>>) target(%dma_start3A_137 : memref<16x128xf32, #tpu.memory_space<vmem>>) offsets(%get3A_134 : vector<16xi32>) semaphore(%arg22 : memref<!tpu.dma_semaphore, #tpu.memory_space<semaphore_mem>>)
    %get3A_141 = arith.constant 16 : index
    %get3A_142 = tpu.vector_load %arg8[%get3A_141] {strides = array<i32>} : memref<128xi32, #tpu.memory_space<vmem>>, vector<16xi32>,
    %get3A_143 = vector.shape_cast %get3A_142 : vector<16xi32> to vector<16xi32>
    %dma_start3A_144 = arith.constant 16 : i32
    %dma_start3A_145 = arith.constant 0 : i32
    %dma_start3A_146 = tpu.memref_slice %arg12[%dma_start3A_144, %dma_start3A_145] : memref<128x128xf32, #tpu.memory_space<vmem>> -> memref<16x128xf32, #tpu.memory_space<vmem>>
    %dma_start3A_147 = arith.constant 0 : i32
    %dma_start3A_148 = arith.constant 0 : i32
    %dma_start3A_149 = tpu.memref_slice %arg2[%dma_start3A_147, %dma_start3A_148] : memref<1000000x128xf32, #tpu.memory_space<hbm>> -> memref<1000000x128xf32, #tpu.memory_space<hbm>>
    tpu.enqueue_indirect_dma source(%dma_start3A_149 : memref<1000000x128xf32, #tpu.memory_space<hbm>>) target(%dma_start3A_146 : memref<16x128xf32, #tpu.memory_space<vmem>>) offsets(%get3A_143 : vector<16xi32>) semaphore(%arg22 : memref<!tpu.dma_semaphore, #tpu.memory_space<semaphore_mem>>)
    %get3A_150 = arith.constant 32 : index
    %get3A_151 = tpu.vector_load %arg8[%get3A_150] {strides = array<i32>} : memref<128xi32, #tpu.memory_space<vmem>>, vector<16xi32>,
    %get3A_152 = vector.shape_cast %get3A_151 : vector<16xi32> to vector<16xi32>
    %dma_start3A_153 = arith.constant 32 : i32
    %dma_start3A_154 = arith.constant 0 : i32
    %dma_start3A_155 = tpu.memref_slice %arg12[%dma_start3A_153, %dma_start3A_154] : memref<128x128xf32, #tpu.memory_space<vmem>> -> memref<16x128xf32, #tpu.memory_space<vmem>>
    %dma_start3A_156 = arith.constant 0 : i32
    %dma_start3A_157 = arith.constant 0 : i32
    %dma_start3A_158 = tpu.memref_slice %arg2[%dma_start3A_156, %dma_start3A_157] : memref<1000000x128xf32, #tpu.memory_space<hbm>> -> memref<1000000x128xf32, #tpu.memory_space<hbm>>
    tpu.enqueue_indirect_dma source(%dma_start3A_158 : memref<1000000x128xf32, #tpu.memory_space<hbm>>) target(%dma_start3A_155 : memref<16x128xf32, #tpu.memory_space<vmem>>) offsets(%get3A_152 : vector<16xi32>) semaphore(%arg22 : memref<!tpu.dma_semaphore, #tpu.memory_space<semaphore_mem>>)
    %get3A_159 = arith.constant 48 : index
    %get3A_160 = tpu.vector_load %arg8[%get3A_159] {strides = array<i32>} : memref<128xi32, #tpu.memory_space<vmem>>, vector<16xi32>,
    %get3A_161 = vector.shape_cast %get3A_160 : vector<16xi32> to vector<16xi32>
    %dma_start3A_162 = arith.constant 48 : i32
    %dma_start3A_163 = arith.constant 0 : i32
    %dma_start3A_164 = tpu.memref_slice %arg12[%dma_start3A_162, %dma_start3A_163] : memref<128x128xf32, #tpu.memory_space<vmem>> -> memref<16x128xf32, #tpu.memory_space<vmem>>
    %dma_start3A_165 = arith.constant 0 : i32
    %dma_start3A_166 = arith.constant 0 : i32
    %dma_start3A_167 = tpu.memref_slice %arg2[%dma_start3A_165, %dma_start3A_166] : memref<1000000x128xf32, #tpu.memory_space<hbm>> -> memref<1000000x128xf32, #tpu.memory_space<hbm>>
    tpu.enqueue_indirect_dma source(%dma_start3A_167 : memref<1000000x128xf32, #tpu.memory_space<hbm>>) target(%dma_start3A_164 : memref<16x128xf32, #tpu.memory_space<vmem>>) offsets(%get3A_161 : vector<16xi32>) semaphore(%arg22 : memref<!tpu.dma_semaphore, #tpu.memory_space<semaphore_mem>>)
    %get3A_168 = arith.constant 64 : index
    %get3A_169 = tpu.vector_load %arg8[%get3A_168] {strides = array<i32>} : memref<128xi32, #tpu.memory_space<vmem>>, vector<16xi32>,
    %get3A_170 = vector.shape_cast %get3A_169 : vector<16xi32> to vector<16xi32>
    %dma_start3A_171 = arith.constant 64 : i32
    %dma_start3A_172 = arith.constant 0 : i32
    %dma_start3A_173 = tpu.memref_slice %arg12[%dma_start3A_171, %dma_start3A_172] : memref<128x128xf32, #tpu.memory_space<vmem>> -> memref<16x128xf32, #tpu.memory_space<vmem>>
    %dma_start3A_174 = arith.constant 0 : i32
    %dma_start3A_175 = arith.constant 0 : i32
    %dma_start3A_176 = tpu.memref_slice %arg2[%dma_start3A_174, %dma_start3A_175] : memref<1000000x128xf32, #tpu.memory_space<hbm>> -> memref<1000000x128xf32, #tpu.memory_space<hbm>>
    tpu.enqueue_indirect_dma source(%dma_start3A_176 : memref<1000000x128xf32, #tpu.memory_space<hbm>>) target(%dma_start3A_173 : memref<16x128xf32, #tpu.memory_space<vmem>>) offsets(%get3A_170 : vector<16xi32>) semaphore(%arg22 : memref<!tpu.dma_semaphore, #tpu.memory_space<semaphore_mem>>)
    %get3A_177 = arith.constant 80 : index
    %get3A_178 = tpu.vector_load %arg8[%get3A_177] {strides = array<i32>} : memref<128xi32, #tpu.memory_space<vmem>>, vector<16xi32>,
    %get3A_179 = vector.shape_cast %get3A_178 : vector<16xi32> to vector<16xi32>
    %dma_start3A_180 = arith.constant 80 : i32
    %dma_start3A_181 = arith.constant 0 : i32
    %dma_start3A_182 = tpu.memref_slice %arg12[%dma_start3A_180, %dma_start3A_181] : memref<128x128xf32, #tpu.memory_space<vmem>> -> memref<16x128xf32, #tpu.memory_space<vmem>>
    %dma_start3A_183 = arith.constant 0 : i32
    %dma_start3A_184 = arith.constant 0 : i32
    %dma_start3A_185 = tpu.memref_slice %arg2[%dma_start3A_183, %dma_start3A_184] : memref<1000000x128xf32, #tpu.memory_space<hbm>> -> memref<1000000x128xf32, #tpu.memory_space<hbm>>
    tpu.enqueue_indirect_dma source(%dma_start3A_185 : memref<1000000x128xf32, #tpu.memory_space<hbm>>) target(%dma_start3A_182 : memref<16x128xf32, #tpu.memory_space<vmem>>) offsets(%get3A_179 : vector<16xi32>) semaphore(%arg22 : memref<!tpu.dma_semaphore, #tpu.memory_space<semaphore_mem>>)
    %get3A_186 = arith.constant 96 : index
    %get3A_187 = tpu.vector_load %arg8[%get3A_186] {strides = array<i32>} : memref<128xi32, #tpu.memory_space<vmem>>, vector<16xi32>,
    %get3A_188 = vector.shape_cast %get3A_187 : vector<16xi32> to vector<16xi32>
    %dma_start3A_189 = arith.constant 96 : i32
    %dma_start3A_190 = arith.constant 0 : i32
    %dma_start3A_191 = tpu.memref_slice %arg12[%dma_start3A_189, %dma_start3A_190] : memref<128x128xf32, #tpu.memory_space<vmem>> -> memref<16x128xf32, #tpu.memory_space<vmem>>
    %dma_start3A_192 = arith.constant 0 : i32
    %dma_start3A_193 = arith.constant 0 : i32
    %dma_start3A_194 = tpu.memref_slice %arg2[%dma_start3A_192, %dma_start3A_193] : memref<1000000x128xf32, #tpu.memory_space<hbm>> -> memref<1000000x128xf32, #tpu.memory_space<hbm>>
    tpu.enqueue_indirect_dma source(%dma_start3A_194 : memref<1000000x128xf32, #tpu.memory_space<hbm>>) target(%dma_start3A_191 : memref<16x128xf32, #tpu.memory_space<vmem>>) offsets(%get3A_188 : vector<16xi32>) semaphore(%arg22 : memref<!tpu.dma_semaphore, #tpu.memory_space<semaphore_mem>>)
    %get3A_195 = arith.constant 112 : index
    %get3A_196 = tpu.vector_load %arg8[%get3A_195] {strides = array<i32>} : memref<128xi32, #tpu.memory_space<vmem>>, vector<16xi32>,
    %get3A_197 = vector.shape_cast %get3A_196 : vector<16xi32> to vector<16xi32>
    %dma_start3A_198 = arith.constant 112 : i32
    %dma_start3A_199 = arith.constant 0 : i32
    %dma_start3A_200 = tpu.memref_slice %arg12[%dma_start3A_198, %dma_start3A_199] : memref<128x128xf32, #tpu.memory_space<vmem>> -> memref<16x128xf32, #tpu.memory_space<vmem>>
    %dma_start3A_201 = arith.constant 0 : i32
    %dma_start3A_202 = arith.constant 0 : i32
    %dma_start3A_203 = tpu.memref_slice %arg2[%dma_start3A_201, %dma_start3A_202] : memref<1000000x128xf32, #tpu.memory_space<hbm>> -> memref<1000000x128xf32, #tpu.memory_space<hbm>>
    tpu.enqueue_indirect_dma source(%dma_start3A_203 : memref<1000000x128xf32, #tpu.memory_space<hbm>>) target(%dma_start3A_200 : memref<16x128xf32, #tpu.memory_space<vmem>>) offsets(%get3A_197 : vector<16xi32>) semaphore(%arg22 : memref<!tpu.dma_semaphore, #tpu.memory_space<semaphore_mem>>)
    %scan3A = arith.constant 0 : i32
    %scan3A_204 = arith.constant 0 : i32
    %scan3A_205 = arith.constant 50 : i32
    %scan3A_206 = arith.addi %scan3A_204, %scan3A_205 : i32
    %scan3A_207 = arith.constant 1 : i32
    scf.for %scan3A_221 = %scan3A_204 to %scan3A_206 step %scan3A_207  : i32 {
      %mul3A_222 = arith.constant 4 : i32
      %mul3A_223 = arith.muli %scan3A_221, %mul3A_222 : i32
      %add3A_224 = arith.constant 0 : i32
      %add3A_225 = arith.addi %mul3A_223, %add3A_224 : i32
      %get3A_226 = arith.constant 0 : index
      %get3A_227 = tpu.vector_load %arg7[%get3A_226] {strides = array<i32>} : memref<128xi32, #tpu.memory_space<vmem>>, vector<16xi32>,
      %get3A_228 = vector.shape_cast %get3A_227 : vector<16xi32> to vector<16xi32>
      %dma_wait3A_229 = arith.constant 0 : i32
      %dma_wait3A_230 = arith.constant 0 : i32
      %dma_wait3A_231 = tpu.memref_slice %arg11[%dma_wait3A_229, %dma_wait3A_230] : memref<128x128xf32, #tpu.memory_space<vmem>> -> memref<16x128xf32, #tpu.memory_space<vmem>>
      %dma_wait3A_232 = arith.constant 0 : i32
      %dma_wait3A_233 = arith.constant 0 : i32
      %dma_wait3A_234 = tpu.memref_slice %arg2[%dma_wait3A_232, %dma_wait3A_233] : memref<1000000x128xf32, #tpu.memory_space<hbm>> -> memref<1000000x128xf32, #tpu.memory_space<hbm>>
      tpu.wait_indirect_dma semaphore(%arg21 : memref<!tpu.dma_semaphore, #tpu.memory_space<semaphore_mem>>) src(%dma_wait3A_234 : memref<1000000x128xf32, #tpu.memory_space<hbm>>) dst(%dma_wait3A_231 : memref<16x128xf32, #tpu.memory_space<vmem>>)
      %get3A_235 = arith.constant 16 : index
      %get3A_236 = tpu.vector_load %arg7[%get3A_235] {strides = array<i32>} : memref<128xi32, #tpu.memory_space<vmem>>, vector<16xi32>,
      %get3A_237 = vector.shape_cast %get3A_236 : vector<16xi32> to vector<16xi32>
      %dma_wait3A_238 = arith.constant 16 : i32
      %dma_wait3A_239 = arith.constant 0 : i32
      %dma_wait3A_240 = tpu.memref_slice %arg11[%dma_wait3A_238, %dma_wait3A_239] : memref<128x128xf32, #tpu.memory_space<vmem>> -> memref<16x128xf32, #tpu.memory_space<vmem>>
      %dma_wait3A_241 = arith.constant 0 : i32
      %dma_wait3A_242 = arith.constant 0 : i32
      %dma_wait3A_243 = tpu.memref_slice %arg2[%dma_wait3A_241, %dma_wait3A_242] : memref<1000000x128xf32, #tpu.memory_space<hbm>> -> memref<1000000x128xf32, #tpu.memory_space<hbm>>
      tpu.wait_indirect_dma semaphore(%arg21 : memref<!tpu.dma_semaphore, #tpu.memory_space<semaphore_mem>>) src(%dma_wait3A_243 : memref<1000000x128xf32, #tpu.memory_space<hbm>>) dst(%dma_wait3A_240 : memref<16x128xf32, #tpu.memory_space<vmem>>)
      %get3A_244 = arith.constant 32 : index
      %get3A_245 = tpu.vector_load %arg7[%get3A_244] {strides = array<i32>} : memref<128xi32, #tpu.memory_space<vmem>>, vector<16xi32>,
      %get3A_246 = vector.shape_cast %get3A_245 : vector<16xi32> to vector<16xi32>
      %dma_wait3A_247 = arith.constant 32 : i32
      %dma_wait3A_248 = arith.constant 0 : i32
      %dma_wait3A_249 = tpu.memref_slice %arg11[%dma_wait3A_247, %dma_wait3A_248] : memref<128x128xf32, #tpu.memory_space<vmem>> -> memref<16x128xf32, #tpu.memory_space<vmem>>
      %dma_wait3A_250 = arith.constant 0 : i32
      %dma_wait3A_251 = arith.constant 0 : i32
      %dma_wait3A_252 = tpu.memref_slice %arg2[%dma_wait3A_250, %dma_wait3A_251] : memref<1000000x128xf32, #tpu.memory_space<hbm>> -> memref<1000000x128xf32, #tpu.memory_space<hbm>>
      tpu.wait_indirect_dma semaphore(%arg21 : memref<!tpu.dma_semaphore, #tpu.memory_space<semaphore_mem>>) src(%dma_wait3A_252 : memref<1000000x128xf32, #tpu.memory_space<hbm>>) dst(%dma_wait3A_249 : memref<16x128xf32, #tpu.memory_space<vmem>>)
      %get3A_253 = arith.constant 48 : index
      %get3A_254 = tpu.vector_load %arg7[%get3A_253] {strides = array<i32>} : memref<128xi32, #tpu.memory_space<vmem>>, vector<16xi32>,
      %get3A_255 = vector.shape_cast %get3A_254 : vector<16xi32> to vector<16xi32>
      %dma_wait3A_256 = arith.constant 48 : i32
      %dma_wait3A_257 = arith.constant 0 : i32
      %dma_wait3A_258 = tpu.memref_slice %arg11[%dma_wait3A_256, %dma_wait3A_257] : memref<128x128xf32, #tpu.memory_space<vmem>> -> memref<16x128xf32, #tpu.memory_space<vmem>>
      %dma_wait3A_259 = arith.constant 0 : i32
      %dma_wait3A_260 = arith.constant 0 : i32
      %dma_wait3A_261 = tpu.memref_slice %arg2[%dma_wait3A_259, %dma_wait3A_260] : memref<1000000x128xf32, #tpu.memory_space<hbm>> -> memref<1000000x128xf32, #tpu.memory_space<hbm>>
      tpu.wait_indirect_dma semaphore(%arg21 : memref<!tpu.dma_semaphore, #tpu.memory_space<semaphore_mem>>) src(%dma_wait3A_261 : memref<1000000x128xf32, #tpu.memory_space<hbm>>) dst(%dma_wait3A_258 : memref<16x128xf32, #tpu.memory_space<vmem>>)
      %get3A_262 = arith.constant 64 : index
      %get3A_263 = tpu.vector_load %arg7[%get3A_262] {strides = array<i32>} : memref<128xi32, #tpu.memory_space<vmem>>, vector<16xi32>,
      %get3A_264 = vector.shape_cast %get3A_263 : vector<16xi32> to vector<16xi32>
      %dma_wait3A_265 = arith.constant 64 : i32
      %dma_wait3A_266 = arith.constant 0 : i32
      %dma_wait3A_267 = tpu.memref_slice %arg11[%dma_wait3A_265, %dma_wait3A_266] : memref<128x128xf32, #tpu.memory_space<vmem>> -> memref<16x128xf32, #tpu.memory_space<vmem>>
      %dma_wait3A_268 = arith.constant 0 : i32
      %dma_wait3A_269 = arith.constant 0 : i32
      %dma_wait3A_270 = tpu.memref_slice %arg2[%dma_wait3A_268, %dma_wait3A_269] : memref<1000000x128xf32, #tpu.memory_space<hbm>> -> memref<1000000x128xf32, #tpu.memory_space<hbm>>
      tpu.wait_indirect_dma semaphore(%arg21 : memref<!tpu.dma_semaphore, #tpu.memory_space<semaphore_mem>>) src(%dma_wait3A_270 : memref<1000000x128xf32, #tpu.memory_space<hbm>>) dst(%dma_wait3A_267 : memref<16x128xf32, #tpu.memory_space<vmem>>)
      %get3A_271 = arith.constant 80 : index
      %get3A_272 = tpu.vector_load %arg7[%get3A_271] {strides = array<i32>} : memref<128xi32, #tpu.memory_space<vmem>>, vector<16xi32>,
      %get3A_273 = vector.shape_cast %get3A_272 : vector<16xi32> to vector<16xi32>
      %dma_wait3A_274 = arith.constant 80 : i32
      %dma_wait3A_275 = arith.constant 0 : i32
      %dma_wait3A_276 = tpu.memref_slice %arg11[%dma_wait3A_274, %dma_wait3A_275] : memref<128x128xf32, #tpu.memory_space<vmem>> -> memref<16x128xf32, #tpu.memory_space<vmem>>
      %dma_wait3A_277 = arith.constant 0 : i32
      %dma_wait3A_278 = arith.constant 0 : i32
      %dma_wait3A_279 = tpu.memref_slice %arg2[%dma_wait3A_277, %dma_wait3A_278] : memref<1000000x128xf32, #tpu.memory_space<hbm>> -> memref<1000000x128xf32, #tpu.memory_space<hbm>>
      tpu.wait_indirect_dma semaphore(%arg21 : memref<!tpu.dma_semaphore, #tpu.memory_space<semaphore_mem>>) src(%dma_wait3A_279 : memref<1000000x128xf32, #tpu.memory_space<hbm>>) dst(%dma_wait3A_276 : memref<16x128xf32, #tpu.memory_space<vmem>>)
      %get3A_280 = arith.constant 96 : index
      %get3A_281 = tpu.vector_load %arg7[%get3A_280] {strides = array<i32>} : memref<128xi32, #tpu.memory_space<vmem>>, vector<16xi32>,
      %get3A_282 = vector.shape_cast %get3A_281 : vector<16xi32> to vector<16xi32>
      %dma_wait3A_283 = arith.constant 96 : i32
      %dma_wait3A_284 = arith.constant 0 : i32
      %dma_wait3A_285 = tpu.memref_slice %arg11[%dma_wait3A_283, %dma_wait3A_284] : memref<128x128xf32, #tpu.memory_space<vmem>> -> memref<16x128xf32, #tpu.memory_space<vmem>>
      %dma_wait3A_286 = arith.constant 0 : i32
      %dma_wait3A_287 = arith.constant 0 : i32
      %dma_wait3A_288 = tpu.memref_slice %arg2[%dma_wait3A_286, %dma_wait3A_287] : memref<1000000x128xf32, #tpu.memory_space<hbm>> -> memref<1000000x128xf32, #tpu.memory_space<hbm>>
      tpu.wait_indirect_dma semaphore(%arg21 : memref<!tpu.dma_semaphore, #tpu.memory_space<semaphore_mem>>) src(%dma_wait3A_288 : memref<1000000x128xf32, #tpu.memory_space<hbm>>) dst(%dma_wait3A_285 : memref<16x128xf32, #tpu.memory_space<vmem>>)
      %get3A_289 = arith.constant 112 : index
      %get3A_290 = tpu.vector_load %arg7[%get3A_289] {strides = array<i32>} : memref<128xi32, #tpu.memory_space<vmem>>, vector<16xi32>,
      %get3A_291 = vector.shape_cast %get3A_290 : vector<16xi32> to vector<16xi32>
      %dma_wait3A_292 = arith.constant 112 : i32
      %dma_wait3A_293 = arith.constant 0 : i32
      %dma_wait3A_294 = tpu.memref_slice %arg11[%dma_wait3A_292, %dma_wait3A_293] : memref<128x128xf32, #tpu.memory_space<vmem>> -> memref<16x128xf32, #tpu.memory_space<vmem>>
      %dma_wait3A_295 = arith.constant 0 : i32
      %dma_wait3A_296 = arith.constant 0 : i32
      %dma_wait3A_297 = tpu.memref_slice %arg2[%dma_wait3A_295, %dma_wait3A_296] : memref<1000000x128xf32, #tpu.memory_space<hbm>> -> memref<1000000x128xf32, #tpu.memory_space<hbm>>
      tpu.wait_indirect_dma semaphore(%arg21 : memref<!tpu.dma_semaphore, #tpu.memory_space<semaphore_mem>>) src(%dma_wait3A_297 : memref<1000000x128xf32, #tpu.memory_space<hbm>>) dst(%dma_wait3A_294 : memref<16x128xf32, #tpu.memory_space<vmem>>)
      %add3A_298 = arith.constant 2 : i32
      %add3A_299 = arith.addi %add3A_225, %add3A_298 : i32
      %mul3A_300 = arith.constant 200 : i32
      %mul3A_301 = arith.muli %add3A, %mul3A_300 : i32
      %add3A_302 = arith.addi %mul3A_301, %add3A_299 : i32
      %dma_wait3A_303 = arith.constant 0 : i32
      %dma_wait3A_304 = tpu.memref_slice %arg3[%add3A_302, %dma_wait3A_303] : memref<6400x128xi32, #tpu.memory_space<hbm>> -> memref<1x128xi32, #tpu.memory_space<hbm>>
      %dma_wait3A_305 = tpu.memref_squeeze %dma_wait3A_304 : memref<1x128xi32, #tpu.memory_space<hbm>> -> memref<128xi32, #tpu.memory_space<hbm>>
      %dma_wait3A_306 = arith.constant 0 : i32
      %dma_wait3A_307 = tpu.memref_slice %arg3[%add3A_302, %dma_wait3A_306] : memref<6400x128xi32, #tpu.memory_space<hbm>> -> memref<1x128xi32, #tpu.memory_space<hbm>>
      %dma_wait3A_308 = tpu.memref_squeeze %dma_wait3A_307 : memref<1x128xi32, #tpu.memory_space<hbm>> -> memref<128xi32, #tpu.memory_space<hbm>>
      tpu.wait_dma2 semaphore(%arg19 : memref<!tpu.dma_semaphore, #tpu.memory_space<semaphore_mem>>) src(%dma_wait3A_308 : memref<128xi32, #tpu.memory_space<hbm>>) dst(%arg9 : memref<128xi32, #tpu.memory_space<vmem>>)
      %get3A_309 = arith.constant 0 : index
      %get3A_310 = tpu.vector_load %arg9[%get3A_309] {strides = array<i32>} : memref<128xi32, #tpu.memory_space<vmem>>, vector<16xi32>,
      %get3A_311 = vector.shape_cast %get3A_310 : vector<16xi32> to vector<16xi32>
      %dma_start3A_312 = arith.constant 0 : i32
      %dma_start3A_313 = arith.constant 0 : i32
      %dma_start3A_314 = tpu.memref_slice %arg13[%dma_start3A_312, %dma_start3A_313] : memref<128x128xf32, #tpu.memory_space<vmem>> -> memref<16x128xf32, #tpu.memory_space<vmem>>
      %dma_start3A_315 = arith.constant 0 : i32
      %dma_start3A_316 = arith.constant 0 : i32
      %dma_start3A_317 = tpu.memref_slice %arg2[%dma_start3A_315, %dma_start3A_316] : memref<1000000x128xf32, #tpu.memory_space<hbm>> -> memref<1000000x128xf32, #tpu.memory_space<hbm>>
      tpu.enqueue_indirect_dma source(%dma_start3A_317 : memref<1000000x128xf32, #tpu.memory_space<hbm>>) target(%dma_start3A_314 : memref<16x128xf32, #tpu.memory_space<vmem>>) offsets(%get3A_311 : vector<16xi32>) semaphore(%arg23 : memref<!tpu.dma_semaphore, #tpu.memory_space<semaphore_mem>>)
      %get3A_318 = arith.constant 16 : index
      %get3A_319 = tpu.vector_load %arg9[%get3A_318] {strides = array<i32>} : memref<128xi32, #tpu.memory_space<vmem>>, vector<16xi32>,
      %get3A_320 = vector.shape_cast %get3A_319 : vector<16xi32> to vector<16xi32>
      %dma_start3A_321 = arith.constant 16 : i32
      %dma_start3A_322 = arith.constant 0 : i32
      %dma_start3A_323 = tpu.memref_slice %arg13[%dma_start3A_321, %dma_start3A_322] : memref<128x128xf32, #tpu.memory_space<vmem>> -> memref<16x128xf32, #tpu.memory_space<vmem>>
      %dma_start3A_324 = arith.constant 0 : i32
      %dma_start3A_325 = arith.constant 0 : i32
      %dma_start3A_326 = tpu.memref_slice %arg2[%dma_start3A_324, %dma_start3A_325] : memref<1000000x128xf32, #tpu.memory_space<hbm>> -> memref<1000000x128xf32, #tpu.memory_space<hbm>>
      tpu.enqueue_indirect_dma source(%dma_start3A_326 : memref<1000000x128xf32, #tpu.memory_space<hbm>>) target(%dma_start3A_323 : memref<16x128xf32, #tpu.memory_space<vmem>>) offsets(%get3A_320 : vector<16xi32>) semaphore(%arg23 : memref<!tpu.dma_semaphore, #tpu.memory_space<semaphore_mem>>)
      %get3A_327 = arith.constant 32 : index
      %get3A_328 = tpu.vector_load %arg9[%get3A_327] {strides = array<i32>} : memref<128xi32, #tpu.memory_space<vmem>>, vector<16xi32>,
      %get3A_329 = vector.shape_cast %get3A_328 : vector<16xi32> to vector<16xi32>
      %dma_start3A_330 = arith.constant 32 : i32
      %dma_start3A_331 = arith.constant 0 : i32
      %dma_start3A_332 = tpu.memref_slice %arg13[%dma_start3A_330, %dma_start3A_331] : memref<128x128xf32, #tpu.memory_space<vmem>> -> memref<16x128xf32, #tpu.memory_space<vmem>>
      %dma_start3A_333 = arith.constant 0 : i32
      %dma_start3A_334 = arith.constant 0 : i32
      %dma_start3A_335 = tpu.memref_slice %arg2[%dma_start3A_333, %dma_start3A_334] : memref<1000000x128xf32, #tpu.memory_space<hbm>> -> memref<1000000x128xf32, #tpu.memory_space<hbm>>
      tpu.enqueue_indirect_dma source(%dma_start3A_335 : memref<1000000x128xf32, #tpu.memory_space<hbm>>) target(%dma_start3A_332 : memref<16x128xf32, #tpu.memory_space<vmem>>) offsets(%get3A_329 : vector<16xi32>) semaphore(%arg23 : memref<!tpu.dma_semaphore, #tpu.memory_space<semaphore_mem>>)
      %get3A_336 = arith.constant 48 : index
      %get3A_337 = tpu.vector_load %arg9[%get3A_336] {strides = array<i32>} : memref<128xi32, #tpu.memory_space<vmem>>, vector<16xi32>,
      %get3A_338 = vector.shape_cast %get3A_337 : vector<16xi32> to vector<16xi32>
      %dma_start3A_339 = arith.constant 48 : i32
      %dma_start3A_340 = arith.constant 0 : i32
      %dma_start3A_341 = tpu.memref_slice %arg13[%dma_start3A_339, %dma_start3A_340] : memref<128x128xf32, #tpu.memory_space<vmem>> -> memref<16x128xf32, #tpu.memory_space<vmem>>
      %dma_start3A_342 = arith.constant 0 : i32
      %dma_start3A_343 = arith.constant 0 : i32
      %dma_start3A_344 = tpu.memref_slice %arg2[%dma_start3A_342, %dma_start3A_343] : memref<1000000x128xf32, #tpu.memory_space<hbm>> -> memref<1000000x128xf32, #tpu.memory_space<hbm>>
      tpu.enqueue_indirect_dma source(%dma_start3A_344 : memref<1000000x128xf32, #tpu.memory_space<hbm>>) target(%dma_start3A_341 : memref<16x128xf32, #tpu.memory_space<vmem>>) offsets(%get3A_338 : vector<16xi32>) semaphore(%arg23 : memref<!tpu.dma_semaphore, #tpu.memory_space<semaphore_mem>>)
      %get3A_345 = arith.constant 64 : index
      %get3A_346 = tpu.vector_load %arg9[%get3A_345] {strides = array<i32>} : memref<128xi32, #tpu.memory_space<vmem>>, vector<16xi32>,
      %get3A_347 = vector.shape_cast %get3A_346 : vector<16xi32> to vector<16xi32>
      %dma_start3A_348 = arith.constant 64 : i32
      %dma_start3A_349 = arith.constant 0 : i32
      %dma_start3A_350 = tpu.memref_slice %arg13[%dma_start3A_348, %dma_start3A_349] : memref<128x128xf32, #tpu.memory_space<vmem>> -> memref<16x128xf32, #tpu.memory_space<vmem>>
      %dma_start3A_351 = arith.constant 0 : i32
      %dma_start3A_352 = arith.constant 0 : i32
      %dma_start3A_353 = tpu.memref_slice %arg2[%dma_start3A_351, %dma_start3A_352] : memref<1000000x128xf32, #tpu.memory_space<hbm>> -> memref<1000000x128xf32, #tpu.memory_space<hbm>>
      tpu.enqueue_indirect_dma source(%dma_start3A_353 : memref<1000000x128xf32, #tpu.memory_space<hbm>>) target(%dma_start3A_350 : memref<16x128xf32, #tpu.memory_space<vmem>>) offsets(%get3A_347 : vector<16xi32>) semaphore(%arg23 : memref<!tpu.dma_semaphore, #tpu.memory_space<semaphore_mem>>)
      %get3A_354 = arith.constant 80 : index
      %get3A_355 = tpu.vector_load %arg9[%get3A_354] {strides = array<i32>} : memref<128xi32, #tpu.memory_space<vmem>>, vector<16xi32>,
      %get3A_356 = vector.shape_cast %get3A_355 : vector<16xi32> to vector<16xi32>
      %dma_start3A_357 = arith.constant 80 : i32
      %dma_start3A_358 = arith.constant 0 : i32
      %dma_start3A_359 = tpu.memref_slice %arg13[%dma_start3A_357, %dma_start3A_358] : memref<128x128xf32, #tpu.memory_space<vmem>> -> memref<16x128xf32, #tpu.memory_space<vmem>>
      %dma_start3A_360 = arith.constant 0 : i32
      %dma_start3A_361 = arith.constant 0 : i32
      %dma_start3A_362 = tpu.memref_slice %arg2[%dma_start3A_360, %dma_start3A_361] : memref<1000000x128xf32, #tpu.memory_space<hbm>> -> memref<1000000x128xf32, #tpu.memory_space<hbm>>
      tpu.enqueue_indirect_dma source(%dma_start3A_362 : memref<1000000x128xf32, #tpu.memory_space<hbm>>) target(%dma_start3A_359 : memref<16x128xf32, #tpu.memory_space<vmem>>) offsets(%get3A_356 : vector<16xi32>) semaphore(%arg23 : memref<!tpu.dma_semaphore, #tpu.memory_space<semaphore_mem>>)
      %get3A_363 = arith.constant 96 : index
      %get3A_364 = tpu.vector_load %arg9[%get3A_363] {strides = array<i32>} : memref<128xi32, #tpu.memory_space<vmem>>, vector<16xi32>,
      %get3A_365 = vector.shape_cast %get3A_364 : vector<16xi32> to vector<16xi32>
      %dma_start3A_366 = arith.constant 96 : i32
      %dma_start3A_367 = arith.constant 0 : i32
      %dma_start3A_368 = tpu.memref_slice %arg13[%dma_start3A_366, %dma_start3A_367] : memref<128x128xf32, #tpu.memory_space<vmem>> -> memref<16x128xf32, #tpu.memory_space<vmem>>
      %dma_start3A_369 = arith.constant 0 : i32
      %dma_start3A_370 = arith.constant 0 : i32
      %dma_start3A_371 = tpu.memref_slice %arg2[%dma_start3A_369, %dma_start3A_370] : memref<1000000x128xf32, #tpu.memory_space<hbm>> -> memref<1000000x128xf32, #tpu.memory_space<hbm>>
      tpu.enqueue_indirect_dma source(%dma_start3A_371 : memref<1000000x128xf32, #tpu.memory_space<hbm>>) target(%dma_start3A_368 : memref<16x128xf32, #tpu.memory_space<vmem>>) offsets(%get3A_365 : vector<16xi32>) semaphore(%arg23 : memref<!tpu.dma_semaphore, #tpu.memory_space<semaphore_mem>>)
      %get3A_372 = arith.constant 112 : index
      %get3A_373 = tpu.vector_load %arg9[%get3A_372] {strides = array<i32>} : memref<128xi32, #tpu.memory_space<vmem>>, vector<16xi32>,
      %get3A_374 = vector.shape_cast %get3A_373 : vector<16xi32> to vector<16xi32>
      %dma_start3A_375 = arith.constant 112 : i32
      %dma_start3A_376 = arith.constant 0 : i32
      %dma_start3A_377 = tpu.memref_slice %arg13[%dma_start3A_375, %dma_start3A_376] : memref<128x128xf32, #tpu.memory_space<vmem>> -> memref<16x128xf32, #tpu.memory_space<vmem>>
      %dma_start3A_378 = arith.constant 0 : i32
      %dma_start3A_379 = arith.constant 0 : i32
      %dma_start3A_380 = tpu.memref_slice %arg2[%dma_start3A_378, %dma_start3A_379] : memref<1000000x128xf32, #tpu.memory_space<hbm>> -> memref<1000000x128xf32, #tpu.memory_space<hbm>>
      tpu.enqueue_indirect_dma source(%dma_start3A_380 : memref<1000000x128xf32, #tpu.memory_space<hbm>>) target(%dma_start3A_377 : memref<16x128xf32, #tpu.memory_space<vmem>>) offsets(%get3A_374 : vector<16xi32>) semaphore(%arg23 : memref<!tpu.dma_semaphore, #tpu.memory_space<semaphore_mem>>)
      %lt3A = arith.constant 49 : i32
      %lt3A_381 = arith.cmpi slt, %scan3A_221, %lt3A : i32
      %convert_element_type3A = arith.extui %lt3A_381 : i1 to i32
      %cond3A = arith.constant 0 : i32
      %cond3A_382 = arith.cmpi ne, %convert_element_type3A, %cond3A : i32
      scf.if %cond3A_382 {
        %add3A_944 = arith.constant 4 : i32
        %add3A_945 = arith.addi %add3A_225, %add3A_944 : i32
        %mul3A_946 = arith.constant 200 : i32
        %mul3A_947 = arith.muli %add3A, %mul3A_946 : i32
        %add3A_948 = arith.addi %mul3A_947, %add3A_945 : i32
        %dma_start3A_949 = arith.constant 0 : i32
        %dma_start3A_950 = tpu.memref_slice %arg3[%add3A_948, %dma_start3A_949] : memref<6400x128xi32, #tpu.memory_space<hbm>> -> memref<1x128xi32, #tpu.memory_space<hbm>>
        %dma_start3A_951 = tpu.memref_squeeze %dma_start3A_950 : memref<1x128xi32, #tpu.memory_space<hbm>> -> memref<128xi32, #tpu.memory_space<hbm>>
        %dma_start3A_952 = arith.constant 0 : i32
        %dma_start3A_953 = tpu.memref_slice %arg3[%add3A_948, %dma_start3A_952] : memref<6400x128xi32, #tpu.memory_space<hbm>> -> memref<1x128xi32, #tpu.memory_space<hbm>>
        %dma_start3A_954 = tpu.memref_squeeze %dma_start3A_953 : memref<1x128xi32, #tpu.memory_space<hbm>> -> memref<128xi32, #tpu.memory_space<hbm>>
        tpu.enqueue_dma source(%dma_start3A_954 : memref<128xi32, #tpu.memory_space<hbm>>) target(%arg7 : memref<128xi32, #tpu.memory_space<vmem>>) target_semaphore(%arg17 : memref<!tpu.dma_semaphore, #tpu.memory_space<semaphore_mem>>)
      } else {
      }
      %gt3A = arith.constant 0 : i32
      %gt3A_383 = arith.cmpi sgt, %scan3A_221, %gt3A : i32
      %convert_element_type3A_384 = arith.extui %gt3A_383 : i1 to i32
      %cond3A_385 = arith.constant 0 : i32
      %cond3A_386 = arith.cmpi ne, %convert_element_type3A_384, %cond3A_385 : i32
      scf.if %cond3A_386 {
        %sub3A_944 = arith.constant 2 : i32
        %sub3A_945 = arith.subi %add3A_225, %sub3A_944 : i32
        %mul3A_946 = arith.constant 128 : i32
        %mul3A_947 = arith.muli %sub3A_945, %mul3A_946 : i32
        %add3A_948 = arith.addi %mul3A_2, %mul3A_947 : i32
        %dma_wait3A_949 = arith.constant 0 : i32
        %dma_wait3A_950 = tpu.memref_slice %arg5[%add3A_948, %dma_wait3A_949] : memref<819200x64xf32, #tpu.memory_space<hbm>> -> memref<128x64xf32, #tpu.memory_space<hbm>>
        %dma_wait3A_951 = arith.constant 0 : i32
        %dma_wait3A_952 = tpu.memref_slice %arg5[%add3A_948, %dma_wait3A_951] : memref<819200x64xf32, #tpu.memory_space<hbm>> -> memref<128x64xf32, #tpu.memory_space<hbm>>
        tpu.wait_dma2 semaphore(%arg25 : memref<!tpu.dma_semaphore, #tpu.memory_space<semaphore_mem>>) src(%arg15 : memref<128x64xf32, #tpu.memory_space<vmem>>) dst(%dma_wait3A_952 : memref<128x64xf32, #tpu.memory_space<hbm>>)
      } else {
      }
      %mul3A_387 = arith.constant 128 : i32
      %mul3A_388 = arith.muli %add3A_225, %mul3A_387 : i32
      %jit3A = arith.constant 200 : i32
      %eq3A = arith.constant 0 : i32
      %eq3A_389 = arith.cmpi eq, %jit3A, %eq3A : i32
      %jit3A_390 = arith.constant 1 : i32
      %select_n3A = arith.select %eq3A_389, %jit3A_390, %jit3A : i32
      %rem3A = arith.remsi %mul3A_388, %select_n3A : i32
      %ne3A = arith.constant 0 : i32
      %ne3A_391 = arith.cmpi ne, %rem3A, %ne3A : i32
      %lt3A_392 = arith.constant 0 : i32
      %lt3A_393 = arith.cmpi slt, %rem3A, %lt3A_392 : i32
      %lt3A_394 = arith.constant 0 : i32
      %lt3A_395 = arith.cmpi slt, %select_n3A, %lt3A_394 : i32
      %ne3A_396 = arith.xori %lt3A_393, %lt3A_395 : i1
      %and3A = arith.andi %ne3A_396, %ne3A_391 : i1
      %add3A_397 = arith.addi %rem3A, %select_n3A : i32
      %select_n3A_398 = arith.select %and3A, %add3A_397, %rem3A : i32
      %jit3A_399 = arith.constant 2 : i32
      %div3A = arith.divsi %select_n3A_398, %jit3A_399 : i32
      %sign3A = arith.constant 0 : i32
      %sign3A_400 = arith.cmpi sgt, %select_n3A_398, %sign3A : i32
      %sign3A_401 = arith.extui %sign3A_400 : i1 to i32
      %sign3A_402 = arith.constant 0 : i32
      %sign3A_403 = arith.cmpi slt, %select_n3A_398, %sign3A_402 : i32
      %sign3A_404 = arith.extui %sign3A_403 : i1 to i32
      %sign3A_405 = arith.subi %sign3A_401, %sign3A_404 : i32
      %sign3A_406 = arith.constant 0 : i32
      %sign3A_407 = arith.cmpi sgt, %jit3A_399, %sign3A_406 : i32
      %sign3A_408 = arith.extui %sign3A_407 : i1 to i32
      %sign3A_409 = arith.constant 0 : i32
      %sign3A_410 = arith.cmpi slt, %jit3A_399, %sign3A_409 : i32
      %sign3A_411 = arith.extui %sign3A_410 : i1 to i32
      %sign3A_412 = arith.subi %sign3A_408, %sign3A_411 : i32
      %ne3A_413 = arith.cmpi ne, %sign3A_405, %sign3A_412 : i32
      %rem3A_414 = arith.remsi %select_n3A_398, %jit3A_399 : i32
      %ne3A_415 = arith.constant 0 : i32
      %ne3A_416 = arith.cmpi ne, %rem3A_414, %ne3A_415 : i32
      %and3A_417 = arith.andi %ne3A_413, %ne3A_416 : i1
      %sub3A = arith.constant 1 : i32
      %sub3A_418 = arith.subi %div3A, %sub3A : i32
      %select_n3A_419 = arith.select %and3A_417, %sub3A_418, %div3A : i32
      %parallel_loop3A = arith.constant 0 : i32
      %parallel_loop3A_420 = arith.constant 64 : i32
      %parallel_loop3A_421 = arith.constant 1 : i32
      scf.for %parallel_loop3A_944 = %parallel_loop3A to %parallel_loop3A_420 step %parallel_loop3A_421  : i32 {
        %parallel_loop3A_945 = arith.addi %select_n3A_419, %parallel_loop3A_944 : i32
        %parallel_loop3A_946 = arith.constant 2 : i32
        %parallel_loop3A_947 = arith.muli %parallel_loop3A_946, %parallel_loop3A_944 : i32
        %parallel_loop3A_948 = arith.index_cast %parallel_loop3A_947 : i32 to index
        %parallel_loop3A_949 = arith.constant 0 : index
        %parallel_loop3A_950 = tpu.vector_load %arg11[%parallel_loop3A_948, %parallel_loop3A_949] {strides = array<i32>} : memref<128x128xf32, #tpu.memory_space<vmem>>, vector<1x16xf32>,
        %parallel_loop3A_951 = vector.shape_cast %parallel_loop3A_950 : vector<1x16xf32> to vector<16xf32>
        %parallel_loop3A_952 = arith.index_cast %parallel_loop3A_945 : i32 to index
        %parallel_loop3A_953 = arith.constant 0 : index
        %parallel_loop3A_954 = tpu.vector_load %arg6[%parallel_loop3A_952, %parallel_loop3A_953] {strides = array<i32>} : memref<160x128xf32, #tpu.memory_space<vmem>>, vector<1x16xf32>,
        %parallel_loop3A_955 = vector.shape_cast %parallel_loop3A_954 : vector<1x16xf32> to vector<16xf32>
        %parallel_loop3A_956 = arith.addf %parallel_loop3A_951, %parallel_loop3A_955 : vector<16xf32>
        %parallel_loop3A_957 = arith.constant 2 : i32
        %parallel_loop3A_958 = arith.muli %parallel_loop3A_957, %parallel_loop3A_944 : i32
        %parallel_loop3A_959 = arith.index_cast %parallel_loop3A_958 : i32 to index
        %parallel_loop3A_960 = arith.constant 0 : index
        %parallel_loop3A_961 = tpu.vector_load %arg15[%parallel_loop3A_959, %parallel_loop3A_960] {strides = array<i32>} : memref<128x64xf32, #tpu.memory_space<vmem>>, vector<1x16xf32>,
        %parallel_loop3A_962 = vector.shape_cast %parallel_loop3A_961 : vector<1x16xf32> to vector<16xf32>
        %parallel_loop3A_963 = vector.shape_cast %parallel_loop3A_956 : vector<16xf32> to vector<1x16xf32>
        tpu.vector_store %arg15[%parallel_loop3A_959, %parallel_loop3A_960], %parallel_loop3A_963 {strides = array<i32>} : memref<128x64xf32, #tpu.memory_space<vmem>>, vector<1x16xf32>,
        %parallel_loop3A_964 = arith.constant 2 : i32
        %parallel_loop3A_965 = arith.muli %parallel_loop3A_964, %parallel_loop3A_944 : i32
        %parallel_loop3A_966 = arith.constant 1 : i32
        %parallel_loop3A_967 = arith.addi %parallel_loop3A_965, %parallel_loop3A_966 : i32
        %parallel_loop3A_968 = arith.index_cast %parallel_loop3A_967 : i32 to index
        %parallel_loop3A_969 = arith.constant 0 : index
        %parallel_loop3A_970 = tpu.vector_load %arg11[%parallel_loop3A_968, %parallel_loop3A_969] {strides = array<i32>} : memref<128x128xf32, #tpu.memory_space<vmem>>, vector<1x16xf32>,
        %parallel_loop3A_971 = vector.shape_cast %parallel_loop3A_970 : vector<1x16xf32> to vector<16xf32>
        %parallel_loop3A_972 = arith.index_cast %parallel_loop3A_945 : i32 to index
        %parallel_loop3A_973 = arith.constant 64 : index
        %parallel_loop3A_974 = tpu.vector_load %arg6[%parallel_loop3A_972, %parallel_loop3A_973] {strides = array<i32>} : memref<160x128xf32, #tpu.memory_space<vmem>>, vector<1x16xf32>,
        %parallel_loop3A_975 = vector.shape_cast %parallel_loop3A_974 : vector<1x16xf32> to vector<16xf32>
        %parallel_loop3A_976 = arith.addf %parallel_loop3A_971, %parallel_loop3A_975 : vector<16xf32>
        %parallel_loop3A_977 = arith.constant 2 : i32
        %parallel_loop3A_978 = arith.muli %parallel_loop3A_977, %parallel_loop3A_944 : i32
        %parallel_loop3A_979 = arith.constant 1 : i32
        %parallel_loop3A_980 = arith.addi %parallel_loop3A_978, %parallel_loop3A_979 : i32
        %parallel_loop3A_981 = arith.index_cast %parallel_loop3A_980 : i32 to index
        %parallel_loop3A_982 = arith.constant 0 : index
        %parallel_loop3A_983 = tpu.vector_load %arg15[%parallel_loop3A_981, %parallel_loop3A_982] {strides = array<i32>} : memref<128x64xf32, #tpu.memory_space<vmem>>, vector<1x16xf32>,
        %parallel_loop3A_984 = vector.shape_cast %parallel_loop3A_983 : vector<1x16xf32> to vector<16xf32>
        %parallel_loop3A_985 = vector.shape_cast %parallel_loop3A_976 : vector<16xf32> to vector<1x16xf32>
        tpu.vector_store %arg15[%parallel_loop3A_981, %parallel_loop3A_982], %parallel_loop3A_985 {strides = array<i32>} : memref<128x64xf32, #tpu.memory_space<vmem>>, vector<1x16xf32>,
        %parallel_loop3A_986 = arith.constant 2 : i32
        %parallel_loop3A_987 = arith.muli %parallel_loop3A_986, %parallel_loop3A_944 : i32
        %parallel_loop3A_988 = arith.index_cast %parallel_loop3A_987 : i32 to index
        %parallel_loop3A_989 = arith.constant 16 : index
        %parallel_loop3A_990 = tpu.vector_load %arg11[%parallel_loop3A_988, %parallel_loop3A_989] {strides = array<i32>} : memref<128x128xf32, #tpu.memory_space<vmem>>, vector<1x16xf32>,
        %parallel_loop3A_991 = vector.shape_cast %parallel_loop3A_990 : vector<1x16xf32> to vector<16xf32>
        %parallel_loop3A_992 = arith.index_cast %parallel_loop3A_945 : i32 to index
        %parallel_loop3A_993 = arith.constant 16 : index
        %parallel_loop3A_994 = tpu.vector_load %arg6[%parallel_loop3A_992, %parallel_loop3A_993] {strides = array<i32>} : memref<160x128xf32, #tpu.memory_space<vmem>>, vector<1x16xf32>,
        %parallel_loop3A_995 = vector.shape_cast %parallel_loop3A_994 : vector<1x16xf32> to vector<16xf32>
        %parallel_loop3A_996 = arith.addf %parallel_loop3A_991, %parallel_loop3A_995 : vector<16xf32>
        %parallel_loop3A_997 = arith.constant 2 : i32
        %parallel_loop3A_998 = arith.muli %parallel_loop3A_997, %parallel_loop3A_944 : i32
        %parallel_loop3A_999 = arith.index_cast %parallel_loop3A_998 : i32 to index
        %parallel_loop3A_1000 = arith.constant 16 : index
        %parallel_loop3A_1001 = tpu.vector_load %arg15[%parallel_loop3A_999, %parallel_loop3A_1000] {strides = array<i32>} : memref<128x64xf32, #tpu.memory_space<vmem>>, vector<1x16xf32>,
        %parallel_loop3A_1002 = vector.shape_cast %parallel_loop3A_1001 : vector<1x16xf32> to vector<16xf32>
        %parallel_loop3A_1003 = vector.shape_cast %parallel_loop3A_996 : vector<16xf32> to vector<1x16xf32>
        tpu.vector_store %arg15[%parallel_loop3A_999, %parallel_loop3A_1000], %parallel_loop3A_1003 {strides = array<i32>} : memref<128x64xf32, #tpu.memory_space<vmem>>, vector<1x16xf32>,
        %parallel_loop3A_1004 = arith.constant 2 : i32
        %parallel_loop3A_1005 = arith.muli %parallel_loop3A_1004, %parallel_loop3A_944 : i32
        %parallel_loop3A_1006 = arith.constant 1 : i32
        %parallel_loop3A_1007 = arith.addi %parallel_loop3A_1005, %parallel_loop3A_1006 : i32
        %parallel_loop3A_1008 = arith.index_cast %parallel_loop3A_1007 : i32 to index
        %parallel_loop3A_1009 = arith.constant 16 : index
        %parallel_loop3A_1010 = tpu.vector_load %arg11[%parallel_loop3A_1008, %parallel_loop3A_1009] {strides = array<i32>} : memref<128x128xf32, #tpu.memory_space<vmem>>, vector<1x16xf32>,
        %parallel_loop3A_1011 = vector.shape_cast %parallel_loop3A_1010 : vector<1x16xf32> to vector<16xf32>
        %parallel_loop3A_1012 = arith.index_cast %parallel_loop3A_945 : i32 to index
        %parallel_loop3A_1013 = arith.constant 80 : index
        %parallel_loop3A_1014 = tpu.vector_load %arg6[%parallel_loop3A_1012, %parallel_loop3A_1013] {strides = array<i32>} : memref<160x128xf32, #tpu.memory_space<vmem>>, vector<1x16xf32>,
        %parallel_loop3A_1015 = vector.shape_cast %parallel_loop3A_1014 : vector<1x16xf32> to vector<16xf32>
        %parallel_loop3A_1016 = arith.addf %parallel_loop3A_1011, %parallel_loop3A_1015 : vector<16xf32>
        %parallel_loop3A_1017 = arith.constant 2 : i32
        %parallel_loop3A_1018 = arith.muli %parallel_loop3A_1017, %parallel_loop3A_944 : i32
        %parallel_loop3A_1019 = arith.constant 1 : i32
        %parallel_loop3A_1020 = arith.addi %parallel_loop3A_1018, %parallel_loop3A_1019 : i32
        %parallel_loop3A_1021 = arith.index_cast %parallel_loop3A_1020 : i32 to index
        %parallel_loop3A_1022 = arith.constant 16 : index
        %parallel_loop3A_1023 = tpu.vector_load %arg15[%parallel_loop3A_1021, %parallel_loop3A_1022] {strides = array<i32>} : memref<128x64xf32, #tpu.memory_space<vmem>>, vector<1x16xf32>,
        %parallel_loop3A_1024 = vector.shape_cast %parallel_loop3A_1023 : vector<1x16xf32> to vector<16xf32>
        %parallel_loop3A_1025 = vector.shape_cast %parallel_loop3A_1016 : vector<16xf32> to vector<1x16xf32>
        tpu.vector_store %arg15[%parallel_loop3A_1021, %parallel_loop3A_1022], %parallel_loop3A_1025 {strides = array<i32>} : memref<128x64xf32, #tpu.memory_space<vmem>>, vector<1x16xf32>,
        %parallel_loop3A_1026 = arith.constant 2 : i32
        %parallel_loop3A_1027 = arith.muli %parallel_loop3A_1026, %parallel_loop3A_944 : i32
        %parallel_loop3A_1028 = arith.index_cast %parallel_loop3A_1027 : i32 to index
        %parallel_loop3A_1029 = arith.constant 32 : index
        %parallel_loop3A_1030 = tpu.vector_load %arg11[%parallel_loop3A_1028, %parallel_loop3A_1029] {strides = array<i32>} : memref<128x128xf32, #tpu.memory_space<vmem>>, vector<1x16xf32>,
        %parallel_loop3A_1031 = vector.shape_cast %parallel_loop3A_1030 : vector<1x16xf32> to vector<16xf32>
        %parallel_loop3A_1032 = arith.index_cast %parallel_loop3A_945 : i32 to index
        %parallel_loop3A_1033 = arith.constant 32 : index
        %parallel_loop3A_1034 = tpu.vector_load %arg6[%parallel_loop3A_1032, %parallel_loop3A_1033] {strides = array<i32>} : memref<160x128xf32, #tpu.memory_space<vmem>>, vector<1x16xf32>,
        %parallel_loop3A_1035 = vector.shape_cast %parallel_loop3A_1034 : vector<1x16xf32> to vector<16xf32>
        %parallel_loop3A_1036 = arith.addf %parallel_loop3A_1031, %parallel_loop3A_1035 : vector<16xf32>
        %parallel_loop3A_1037 = arith.constant 2 : i32
        %parallel_loop3A_1038 = arith.muli %parallel_loop3A_1037, %parallel_loop3A_944 : i32
        %parallel_loop3A_1039 = arith.index_cast %parallel_loop3A_1038 : i32 to index
        %parallel_loop3A_1040 = arith.constant 32 : index
        %parallel_loop3A_1041 = tpu.vector_load %arg15[%parallel_loop3A_1039, %parallel_loop3A_1040] {strides = array<i32>} : memref<128x64xf32, #tpu.memory_space<vmem>>, vector<1x16xf32>,
        %parallel_loop3A_1042 = vector.shape_cast %parallel_loop3A_1041 : vector<1x16xf32> to vector<16xf32>
        %parallel_loop3A_1043 = vector.shape_cast %parallel_loop3A_1036 : vector<16xf32> to vector<1x16xf32>
        tpu.vector_store %arg15[%parallel_loop3A_1039, %parallel_loop3A_1040], %parallel_loop3A_1043 {strides = array<i32>} : memref<128x64xf32, #tpu.memory_space<vmem>>, vector<1x16xf32>,
        %parallel_loop3A_1044 = arith.constant 2 : i32
        %parallel_loop3A_1045 = arith.muli %parallel_loop3A_1044, %parallel_loop3A_944 : i32
        %parallel_loop3A_1046 = arith.constant 1 : i32
        %parallel_loop3A_1047 = arith.addi %parallel_loop3A_1045, %parallel_loop3A_1046 : i32
        %parallel_loop3A_1048 = arith.index_cast %parallel_loop3A_1047 : i32 to index
        %parallel_loop3A_1049 = arith.constant 32 : index
        %parallel_loop3A_1050 = tpu.vector_load %arg11[%parallel_loop3A_1048, %parallel_loop3A_1049] {strides = array<i32>} : memref<128x128xf32, #tpu.memory_space<vmem>>, vector<1x16xf32>,
        %parallel_loop3A_1051 = vector.shape_cast %parallel_loop3A_1050 : vector<1x16xf32> to vector<16xf32>
        %parallel_loop3A_1052 = arith.index_cast %parallel_loop3A_945 : i32 to index
        %parallel_loop3A_1053 = arith.constant 96 : index
        %parallel_loop3A_1054 = tpu.vector_load %arg6[%parallel_loop3A_1052, %parallel_loop3A_1053] {strides = array<i32>} : memref<160x128xf32, #tpu.memory_space<vmem>>, vector<1x16xf32>,
        %parallel_loop3A_1055 = vector.shape_cast %parallel_loop3A_1054 : vector<1x16xf32> to vector<16xf32>
        %parallel_loop3A_1056 = arith.addf %parallel_loop3A_1051, %parallel_loop3A_1055 : vector<16xf32>
        %parallel_loop3A_1057 = arith.constant 2 : i32
        %parallel_loop3A_1058 = arith.muli %parallel_loop3A_1057, %parallel_loop3A_944 : i32
        %parallel_loop3A_1059 = arith.constant 1 : i32
        %parallel_loop3A_1060 = arith.addi %parallel_loop3A_1058, %parallel_loop3A_1059 : i32
        %parallel_loop3A_1061 = arith.index_cast %parallel_loop3A_1060 : i32 to index
        %parallel_loop3A_1062 = arith.constant 32 : index
        %parallel_loop3A_1063 = tpu.vector_load %arg15[%parallel_loop3A_1061, %parallel_loop3A_1062] {strides = array<i32>} : memref<128x64xf32, #tpu.memory_space<vmem>>, vector<1x16xf32>,
        %parallel_loop3A_1064 = vector.shape_cast %parallel_loop3A_1063 : vector<1x16xf32> to vector<16xf32>
        %parallel_loop3A_1065 = vector.shape_cast %parallel_loop3A_1056 : vector<16xf32> to vector<1x16xf32>
        tpu.vector_store %arg15[%parallel_loop3A_1061, %parallel_loop3A_1062], %parallel_loop3A_1065 {strides = array<i32>} : memref<128x64xf32, #tpu.memory_space<vmem>>, vector<1x16xf32>,
        %parallel_loop3A_1066 = arith.constant 2 : i32
        %parallel_loop3A_1067 = arith.muli %parallel_loop3A_1066, %parallel_loop3A_944 : i32
        %parallel_loop3A_1068 = arith.index_cast %parallel_loop3A_1067 : i32 to index
        %parallel_loop3A_1069 = arith.constant 48 : index
        %parallel_loop3A_1070 = tpu.vector_load %arg11[%parallel_loop3A_1068, %parallel_loop3A_1069] {strides = array<i32>} : memref<128x128xf32, #tpu.memory_space<vmem>>, vector<1x16xf32>,
        %parallel_loop3A_1071 = vector.shape_cast %parallel_loop3A_1070 : vector<1x16xf32> to vector<16xf32>
        %parallel_loop3A_1072 = arith.index_cast %parallel_loop3A_945 : i32 to index
        %parallel_loop3A_1073 = arith.constant 48 : index
        %parallel_loop3A_1074 = tpu.vector_load %arg6[%parallel_loop3A_1072, %parallel_loop3A_1073] {strides = array<i32>} : memref<160x128xf32, #tpu.memory_space<vmem>>, vector<1x16xf32>,
        %parallel_loop3A_1075 = vector.shape_cast %parallel_loop3A_1074 : vector<1x16xf32> to vector<16xf32>
        %parallel_loop3A_1076 = arith.addf %parallel_loop3A_1071, %parallel_loop3A_1075 : vector<16xf32>
        %parallel_loop3A_1077 = arith.constant 2 : i32
        %parallel_loop3A_1078 = arith.muli %parallel_loop3A_1077, %parallel_loop3A_944 : i32
        %parallel_loop3A_1079 = arith.index_cast %parallel_loop3A_1078 : i32 to index
        %parallel_loop3A_1080 = arith.constant 48 : index
        %parallel_loop3A_1081 = tpu.vector_load %arg15[%parallel_loop3A_1079, %parallel_loop3A_1080] {strides = array<i32>} : memref<128x64xf32, #tpu.memory_space<vmem>>, vector<1x16xf32>,
        %parallel_loop3A_1082 = vector.shape_cast %parallel_loop3A_1081 : vector<1x16xf32> to vector<16xf32>
        %parallel_loop3A_1083 = vector.shape_cast %parallel_loop3A_1076 : vector<16xf32> to vector<1x16xf32>
        tpu.vector_store %arg15[%parallel_loop3A_1079, %parallel_loop3A_1080], %parallel_loop3A_1083 {strides = array<i32>} : memref<128x64xf32, #tpu.memory_space<vmem>>, vector<1x16xf32>,
        %parallel_loop3A_1084 = arith.constant 2 : i32
        %parallel_loop3A_1085 = arith.muli %parallel_loop3A_1084, %parallel_loop3A_944 : i32
        %parallel_loop3A_1086 = arith.constant 1 : i32
        %parallel_loop3A_1087 = arith.addi %parallel_loop3A_1085, %parallel_loop3A_1086 : i32
        %parallel_loop3A_1088 = arith.index_cast %parallel_loop3A_1087 : i32 to index
        %parallel_loop3A_1089 = arith.constant 48 : index
        %parallel_loop3A_1090 = tpu.vector_load %arg11[%parallel_loop3A_1088, %parallel_loop3A_1089] {strides = array<i32>} : memref<128x128xf32, #tpu.memory_space<vmem>>, vector<1x16xf32>,
        %parallel_loop3A_1091 = vector.shape_cast %parallel_loop3A_1090 : vector<1x16xf32> to vector<16xf32>
        %parallel_loop3A_1092 = arith.index_cast %parallel_loop3A_945 : i32 to index
        %parallel_loop3A_1093 = arith.constant 112 : index
        %parallel_loop3A_1094 = tpu.vector_load %arg6[%parallel_loop3A_1092, %parallel_loop3A_1093] {strides = array<i32>} : memref<160x128xf32, #tpu.memory_space<vmem>>, vector<1x16xf32>,
        %parallel_loop3A_1095 = vector.shape_cast %parallel_loop3A_1094 : vector<1x16xf32> to vector<16xf32>
        %parallel_loop3A_1096 = arith.addf %parallel_loop3A_1091, %parallel_loop3A_1095 : vector<16xf32>
        %parallel_loop3A_1097 = arith.constant 2 : i32
        %parallel_loop3A_1098 = arith.muli %parallel_loop3A_1097, %parallel_loop3A_944 : i32
        %parallel_loop3A_1099 = arith.constant 1 : i32
        %parallel_loop3A_1100 = arith.addi %parallel_loop3A_1098, %parallel_loop3A_1099 : i32
        %parallel_loop3A_1101 = arith.index_cast %parallel_loop3A_1100 : i32 to index
        %parallel_loop3A_1102 = arith.constant 48 : index
        %parallel_loop3A_1103 = tpu.vector_load %arg15[%parallel_loop3A_1101, %parallel_loop3A_1102] {strides = array<i32>} : memref<128x64xf32, #tpu.memory_space<vmem>>, vector<1x16xf32>,
        %parallel_loop3A_1104 = vector.shape_cast %parallel_loop3A_1103 : vector<1x16xf32> to vector<16xf32>
        %parallel_loop3A_1105 = vector.shape_cast %parallel_loop3A_1096 : vector<16xf32> to vector<1x16xf32>
        tpu.vector_store %arg15[%parallel_loop3A_1101, %parallel_loop3A_1102], %parallel_loop3A_1105 {strides = array<i32>} : memref<128x64xf32, #tpu.memory_space<vmem>>, vector<1x16xf32>,
      } {sc.loop_unroll_factor = 4 : i64, sc.parallel_access}
      %mul3A_422 = arith.constant 128 : i32
      %mul3A_423 = arith.muli %add3A_225, %mul3A_422 : i32
      %add3A_424 = arith.addi %mul3A_2, %mul3A_423 : i32
      %dma_start3A_425 = arith.constant 0 : i32
      %dma_start3A_426 = tpu.memref_slice %arg5[%add3A_424, %dma_start3A_425] : memref<819200x64xf32, #tpu.memory_space<hbm>> -> memref<128x64xf32, #tpu.memory_space<hbm>>
      %dma_start3A_427 = arith.constant 0 : i32
      %dma_start3A_428 = tpu.memref_slice %arg5[%add3A_424, %dma_start3A_427] : memref<819200x64xf32, #tpu.memory_space<hbm>> -> memref<128x64xf32, #tpu.memory_space<hbm>>
      tpu.enqueue_dma source(%arg15 : memref<128x64xf32, #tpu.memory_space<vmem>>) target(%dma_start3A_428 : memref<128x64xf32, #tpu.memory_space<hbm>>) target_semaphore(%arg25 : memref<!tpu.dma_semaphore, #tpu.memory_space<semaphore_mem>>)
      %mul3A_429 = arith.constant 4 : i32
      %mul3A_430 = arith.muli %scan3A_221, %mul3A_429 : i32
      %add3A_431 = arith.constant 1 : i32
      %add3A_432 = arith.addi %mul3A_430, %add3A_431 : i32
      %get3A_433 = arith.constant 0 : index
      %get3A_434 = tpu.vector_load %arg8[%get3A_433] {strides = array<i32>} : memref<128xi32, #tpu.memory_space<vmem>>, vector<16xi32>,
      %get3A_435 = vector.shape_cast %get3A_434 : vector<16xi32> to vector<16xi32>
      %dma_wait3A_436 = arith.constant 0 : i32
      %dma_wait3A_437 = arith.constant 0 : i32
      %dma_wait3A_438 = tpu.memref_slice %arg12[%dma_wait3A_436, %dma_wait3A_437] : memref<128x128xf32, #tpu.memory_space<vmem>> -> memref<16x128xf32, #tpu.memory_space<vmem>>
      %dma_wait3A_439 = arith.constant 0 : i32
      %dma_wait3A_440 = arith.constant 0 : i32
      %dma_wait3A_441 = tpu.memref_slice %arg2[%dma_wait3A_439, %dma_wait3A_440] : memref<1000000x128xf32, #tpu.memory_space<hbm>> -> memref<1000000x128xf32, #tpu.memory_space<hbm>>
      tpu.wait_indirect_dma semaphore(%arg22 : memref<!tpu.dma_semaphore, #tpu.memory_space<semaphore_mem>>) src(%dma_wait3A_441 : memref<1000000x128xf32, #tpu.memory_space<hbm>>) dst(%dma_wait3A_438 : memref<16x128xf32, #tpu.memory_space<vmem>>)
      %get3A_442 = arith.constant 16 : index
      %get3A_443 = tpu.vector_load %arg8[%get3A_442] {strides = array<i32>} : memref<128xi32, #tpu.memory_space<vmem>>, vector<16xi32>,
      %get3A_444 = vector.shape_cast %get3A_443 : vector<16xi32> to vector<16xi32>
      %dma_wait3A_445 = arith.constant 16 : i32
      %dma_wait3A_446 = arith.constant 0 : i32
      %dma_wait3A_447 = tpu.memref_slice %arg12[%dma_wait3A_445, %dma_wait3A_446] : memref<128x128xf32, #tpu.memory_space<vmem>> -> memref<16x128xf32, #tpu.memory_space<vmem>>
      %dma_wait3A_448 = arith.constant 0 : i32
      %dma_wait3A_449 = arith.constant 0 : i32
      %dma_wait3A_450 = tpu.memref_slice %arg2[%dma_wait3A_448, %dma_wait3A_449] : memref<1000000x128xf32, #tpu.memory_space<hbm>> -> memref<1000000x128xf32, #tpu.memory_space<hbm>>
      tpu.wait_indirect_dma semaphore(%arg22 : memref<!tpu.dma_semaphore, #tpu.memory_space<semaphore_mem>>) src(%dma_wait3A_450 : memref<1000000x128xf32, #tpu.memory_space<hbm>>) dst(%dma_wait3A_447 : memref<16x128xf32, #tpu.memory_space<vmem>>)
      %get3A_451 = arith.constant 32 : index
      %get3A_452 = tpu.vector_load %arg8[%get3A_451] {strides = array<i32>} : memref<128xi32, #tpu.memory_space<vmem>>, vector<16xi32>,
      %get3A_453 = vector.shape_cast %get3A_452 : vector<16xi32> to vector<16xi32>
      %dma_wait3A_454 = arith.constant 32 : i32
      %dma_wait3A_455 = arith.constant 0 : i32
      %dma_wait3A_456 = tpu.memref_slice %arg12[%dma_wait3A_454, %dma_wait3A_455] : memref<128x128xf32, #tpu.memory_space<vmem>> -> memref<16x128xf32, #tpu.memory_space<vmem>>
      %dma_wait3A_457 = arith.constant 0 : i32
      %dma_wait3A_458 = arith.constant 0 : i32
      %dma_wait3A_459 = tpu.memref_slice %arg2[%dma_wait3A_457, %dma_wait3A_458] : memref<1000000x128xf32, #tpu.memory_space<hbm>> -> memref<1000000x128xf32, #tpu.memory_space<hbm>>
      tpu.wait_indirect_dma semaphore(%arg22 : memref<!tpu.dma_semaphore, #tpu.memory_space<semaphore_mem>>) src(%dma_wait3A_459 : memref<1000000x128xf32, #tpu.memory_space<hbm>>) dst(%dma_wait3A_456 : memref<16x128xf32, #tpu.memory_space<vmem>>)
      %get3A_460 = arith.constant 48 : index
      %get3A_461 = tpu.vector_load %arg8[%get3A_460] {strides = array<i32>} : memref<128xi32, #tpu.memory_space<vmem>>, vector<16xi32>,
      %get3A_462 = vector.shape_cast %get3A_461 : vector<16xi32> to vector<16xi32>
      %dma_wait3A_463 = arith.constant 48 : i32
      %dma_wait3A_464 = arith.constant 0 : i32
      %dma_wait3A_465 = tpu.memref_slice %arg12[%dma_wait3A_463, %dma_wait3A_464] : memref<128x128xf32, #tpu.memory_space<vmem>> -> memref<16x128xf32, #tpu.memory_space<vmem>>
      %dma_wait3A_466 = arith.constant 0 : i32
      %dma_wait3A_467 = arith.constant 0 : i32
      %dma_wait3A_468 = tpu.memref_slice %arg2[%dma_wait3A_466, %dma_wait3A_467] : memref<1000000x128xf32, #tpu.memory_space<hbm>> -> memref<1000000x128xf32, #tpu.memory_space<hbm>>
      tpu.wait_indirect_dma semaphore(%arg22 : memref<!tpu.dma_semaphore, #tpu.memory_space<semaphore_mem>>) src(%dma_wait3A_468 : memref<1000000x128xf32, #tpu.memory_space<hbm>>) dst(%dma_wait3A_465 : memref<16x128xf32, #tpu.memory_space<vmem>>)
      %get3A_469 = arith.constant 64 : index
      %get3A_470 = tpu.vector_load %arg8[%get3A_469] {strides = array<i32>} : memref<128xi32, #tpu.memory_space<vmem>>, vector<16xi32>,
      %get3A_471 = vector.shape_cast %get3A_470 : vector<16xi32> to vector<16xi32>
      %dma_wait3A_472 = arith.constant 64 : i32
      %dma_wait3A_473 = arith.constant 0 : i32
      %dma_wait3A_474 = tpu.memref_slice %arg12[%dma_wait3A_472, %dma_wait3A_473] : memref<128x128xf32, #tpu.memory_space<vmem>> -> memref<16x128xf32, #tpu.memory_space<vmem>>
      %dma_wait3A_475 = arith.constant 0 : i32
      %dma_wait3A_476 = arith.constant 0 : i32
      %dma_wait3A_477 = tpu.memref_slice %arg2[%dma_wait3A_475, %dma_wait3A_476] : memref<1000000x128xf32, #tpu.memory_space<hbm>> -> memref<1000000x128xf32, #tpu.memory_space<hbm>>
      tpu.wait_indirect_dma semaphore(%arg22 : memref<!tpu.dma_semaphore, #tpu.memory_space<semaphore_mem>>) src(%dma_wait3A_477 : memref<1000000x128xf32, #tpu.memory_space<hbm>>) dst(%dma_wait3A_474 : memref<16x128xf32, #tpu.memory_space<vmem>>)
      %get3A_478 = arith.constant 80 : index
      %get3A_479 = tpu.vector_load %arg8[%get3A_478] {strides = array<i32>} : memref<128xi32, #tpu.memory_space<vmem>>, vector<16xi32>,
      %get3A_480 = vector.shape_cast %get3A_479 : vector<16xi32> to vector<16xi32>
      %dma_wait3A_481 = arith.constant 80 : i32
      %dma_wait3A_482 = arith.constant 0 : i32
      %dma_wait3A_483 = tpu.memref_slice %arg12[%dma_wait3A_481, %dma_wait3A_482] : memref<128x128xf32, #tpu.memory_space<vmem>> -> memref<16x128xf32, #tpu.memory_space<vmem>>
      %dma_wait3A_484 = arith.constant 0 : i32
      %dma_wait3A_485 = arith.constant 0 : i32
      %dma_wait3A_486 = tpu.memref_slice %arg2[%dma_wait3A_484, %dma_wait3A_485] : memref<1000000x128xf32, #tpu.memory_space<hbm>> -> memref<1000000x128xf32, #tpu.memory_space<hbm>>
      tpu.wait_indirect_dma semaphore(%arg22 : memref<!tpu.dma_semaphore, #tpu.memory_space<semaphore_mem>>) src(%dma_wait3A_486 : memref<1000000x128xf32, #tpu.memory_space<hbm>>) dst(%dma_wait3A_483 : memref<16x128xf32, #tpu.memory_space<vmem>>)
      %get3A_487 = arith.constant 96 : index
      %get3A_488 = tpu.vector_load %arg8[%get3A_487] {strides = array<i32>} : memref<128xi32, #tpu.memory_space<vmem>>, vector<16xi32>,
      %get3A_489 = vector.shape_cast %get3A_488 : vector<16xi32> to vector<16xi32>
      %dma_wait3A_490 = arith.constant 96 : i32
      %dma_wait3A_491 = arith.constant 0 : i32
      %dma_wait3A_492 = tpu.memref_slice %arg12[%dma_wait3A_490, %dma_wait3A_491] : memref<128x128xf32, #tpu.memory_space<vmem>> -> memref<16x128xf32, #tpu.memory_space<vmem>>
      %dma_wait3A_493 = arith.constant 0 : i32
      %dma_wait3A_494 = arith.constant 0 : i32
      %dma_wait3A_495 = tpu.memref_slice %arg2[%dma_wait3A_493, %dma_wait3A_494] : memref<1000000x128xf32, #tpu.memory_space<hbm>> -> memref<1000000x128xf32, #tpu.memory_space<hbm>>
      tpu.wait_indirect_dma semaphore(%arg22 : memref<!tpu.dma_semaphore, #tpu.memory_space<semaphore_mem>>) src(%dma_wait3A_495 : memref<1000000x128xf32, #tpu.memory_space<hbm>>) dst(%dma_wait3A_492 : memref<16x128xf32, #tpu.memory_space<vmem>>)
      %get3A_496 = arith.constant 112 : index
      %get3A_497 = tpu.vector_load %arg8[%get3A_496] {strides = array<i32>} : memref<128xi32, #tpu.memory_space<vmem>>, vector<16xi32>,
      %get3A_498 = vector.shape_cast %get3A_497 : vector<16xi32> to vector<16xi32>
      %dma_wait3A_499 = arith.constant 112 : i32
      %dma_wait3A_500 = arith.constant 0 : i32
      %dma_wait3A_501 = tpu.memref_slice %arg12[%dma_wait3A_499, %dma_wait3A_500] : memref<128x128xf32, #tpu.memory_space<vmem>> -> memref<16x128xf32, #tpu.memory_space<vmem>>
      %dma_wait3A_502 = arith.constant 0 : i32
      %dma_wait3A_503 = arith.constant 0 : i32
      %dma_wait3A_504 = tpu.memref_slice %arg2[%dma_wait3A_502, %dma_wait3A_503] : memref<1000000x128xf32, #tpu.memory_space<hbm>> -> memref<1000000x128xf32, #tpu.memory_space<hbm>>
      tpu.wait_indirect_dma semaphore(%arg22 : memref<!tpu.dma_semaphore, #tpu.memory_space<semaphore_mem>>) src(%dma_wait3A_504 : memref<1000000x128xf32, #tpu.memory_space<hbm>>) dst(%dma_wait3A_501 : memref<16x128xf32, #tpu.memory_space<vmem>>)
      %add3A_505 = arith.constant 2 : i32
      %add3A_506 = arith.addi %add3A_432, %add3A_505 : i32
      %mul3A_507 = arith.constant 200 : i32
      %mul3A_508 = arith.muli %add3A, %mul3A_507 : i32
      %add3A_509 = arith.addi %mul3A_508, %add3A_506 : i32
      %dma_wait3A_510 = arith.constant 0 : i32
      %dma_wait3A_511 = tpu.memref_slice %arg3[%add3A_509, %dma_wait3A_510] : memref<6400x128xi32, #tpu.memory_space<hbm>> -> memref<1x128xi32, #tpu.memory_space<hbm>>
      %dma_wait3A_512 = tpu.memref_squeeze %dma_wait3A_511 : memref<1x128xi32, #tpu.memory_space<hbm>> -> memref<128xi32, #tpu.memory_space<hbm>>
      %dma_wait3A_513 = arith.constant 0 : i32
      %dma_wait3A_514 = tpu.memref_slice %arg3[%add3A_509, %dma_wait3A_513] : memref<6400x128xi32, #tpu.memory_space<hbm>> -> memref<1x128xi32, #tpu.memory_space<hbm>>
      %dma_wait3A_515 = tpu.memref_squeeze %dma_wait3A_514 : memref<1x128xi32, #tpu.memory_space<hbm>> -> memref<128xi32, #tpu.memory_space<hbm>>
      tpu.wait_dma2 semaphore(%arg20 : memref<!tpu.dma_semaphore, #tpu.memory_space<semaphore_mem>>) src(%dma_wait3A_515 : memref<128xi32, #tpu.memory_space<hbm>>) dst(%arg10 : memref<128xi32, #tpu.memory_space<vmem>>)
      %get3A_516 = arith.constant 0 : index
      %get3A_517 = tpu.vector_load %arg10[%get3A_516] {strides = array<i32>} : memref<128xi32, #tpu.memory_space<vmem>>, vector<16xi32>,
      %get3A_518 = vector.shape_cast %get3A_517 : vector<16xi32> to vector<16xi32>
      %dma_start3A_519 = arith.constant 0 : i32
      %dma_start3A_520 = arith.constant 0 : i32
      %dma_start3A_521 = tpu.memref_slice %arg14[%dma_start3A_519, %dma_start3A_520] : memref<128x128xf32, #tpu.memory_space<vmem>> -> memref<16x128xf32, #tpu.memory_space<vmem>>
      %dma_start3A_522 = arith.constant 0 : i32
      %dma_start3A_523 = arith.constant 0 : i32
      %dma_start3A_524 = tpu.memref_slice %arg2[%dma_start3A_522, %dma_start3A_523] : memref<1000000x128xf32, #tpu.memory_space<hbm>> -> memref<1000000x128xf32, #tpu.memory_space<hbm>>
      tpu.enqueue_indirect_dma source(%dma_start3A_524 : memref<1000000x128xf32, #tpu.memory_space<hbm>>) target(%dma_start3A_521 : memref<16x128xf32, #tpu.memory_space<vmem>>) offsets(%get3A_518 : vector<16xi32>) semaphore(%arg24 : memref<!tpu.dma_semaphore, #tpu.memory_space<semaphore_mem>>)
      %get3A_525 = arith.constant 16 : index
      %get3A_526 = tpu.vector_load %arg10[%get3A_525] {strides = array<i32>} : memref<128xi32, #tpu.memory_space<vmem>>, vector<16xi32>,
      %get3A_527 = vector.shape_cast %get3A_526 : vector<16xi32> to vector<16xi32>
      %dma_start3A_528 = arith.constant 16 : i32
      %dma_start3A_529 = arith.constant 0 : i32
      %dma_start3A_530 = tpu.memref_slice %arg14[%dma_start3A_528, %dma_start3A_529] : memref<128x128xf32, #tpu.memory_space<vmem>> -> memref<16x128xf32, #tpu.memory_space<vmem>>
      %dma_start3A_531 = arith.constant 0 : i32
      %dma_start3A_532 = arith.constant 0 : i32
      %dma_start3A_533 = tpu.memref_slice %arg2[%dma_start3A_531, %dma_start3A_532] : memref<1000000x128xf32, #tpu.memory_space<hbm>> -> memref<1000000x128xf32, #tpu.memory_space<hbm>>
      tpu.enqueue_indirect_dma source(%dma_start3A_533 : memref<1000000x128xf32, #tpu.memory_space<hbm>>) target(%dma_start3A_530 : memref<16x128xf32, #tpu.memory_space<vmem>>) offsets(%get3A_527 : vector<16xi32>) semaphore(%arg24 : memref<!tpu.dma_semaphore, #tpu.memory_space<semaphore_mem>>)
      %get3A_534 = arith.constant 32 : index
      %get3A_535 = tpu.vector_load %arg10[%get3A_534] {strides = array<i32>} : memref<128xi32, #tpu.memory_space<vmem>>, vector<16xi32>,
      %get3A_536 = vector.shape_cast %get3A_535 : vector<16xi32> to vector<16xi32>
      %dma_start3A_537 = arith.constant 32 : i32
      %dma_start3A_538 = arith.constant 0 : i32
      %dma_start3A_539 = tpu.memref_slice %arg14[%dma_start3A_537, %dma_start3A_538] : memref<128x128xf32, #tpu.memory_space<vmem>> -> memref<16x128xf32, #tpu.memory_space<vmem>>
      %dma_start3A_540 = arith.constant 0 : i32
      %dma_start3A_541 = arith.constant 0 : i32
      %dma_start3A_542 = tpu.memref_slice %arg2[%dma_start3A_540, %dma_start3A_541] : memref<1000000x128xf32, #tpu.memory_space<hbm>> -> memref<1000000x128xf32, #tpu.memory_space<hbm>>
      tpu.enqueue_indirect_dma source(%dma_start3A_542 : memref<1000000x128xf32, #tpu.memory_space<hbm>>) target(%dma_start3A_539 : memref<16x128xf32, #tpu.memory_space<vmem>>) offsets(%get3A_536 : vector<16xi32>) semaphore(%arg24 : memref<!tpu.dma_semaphore, #tpu.memory_space<semaphore_mem>>)
      %get3A_543 = arith.constant 48 : index
      %get3A_544 = tpu.vector_load %arg10[%get3A_543] {strides = array<i32>} : memref<128xi32, #tpu.memory_space<vmem>>, vector<16xi32>,
      %get3A_545 = vector.shape_cast %get3A_544 : vector<16xi32> to vector<16xi32>
      %dma_start3A_546 = arith.constant 48 : i32
      %dma_start3A_547 = arith.constant 0 : i32
      %dma_start3A_548 = tpu.memref_slice %arg14[%dma_start3A_546, %dma_start3A_547] : memref<128x128xf32, #tpu.memory_space<vmem>> -> memref<16x128xf32, #tpu.memory_space<vmem>>
      %dma_start3A_549 = arith.constant 0 : i32
      %dma_start3A_550 = arith.constant 0 : i32
      %dma_start3A_551 = tpu.memref_slice %arg2[%dma_start3A_549, %dma_start3A_550] : memref<1000000x128xf32, #tpu.memory_space<hbm>> -> memref<1000000x128xf32, #tpu.memory_space<hbm>>
      tpu.enqueue_indirect_dma source(%dma_start3A_551 : memref<1000000x128xf32, #tpu.memory_space<hbm>>) target(%dma_start3A_548 : memref<16x128xf32, #tpu.memory_space<vmem>>) offsets(%get3A_545 : vector<16xi32>) semaphore(%arg24 : memref<!tpu.dma_semaphore, #tpu.memory_space<semaphore_mem>>)
      %get3A_552 = arith.constant 64 : index
      %get3A_553 = tpu.vector_load %arg10[%get3A_552] {strides = array<i32>} : memref<128xi32, #tpu.memory_space<vmem>>, vector<16xi32>,
      %get3A_554 = vector.shape_cast %get3A_553 : vector<16xi32> to vector<16xi32>
      %dma_start3A_555 = arith.constant 64 : i32
      %dma_start3A_556 = arith.constant 0 : i32
      %dma_start3A_557 = tpu.memref_slice %arg14[%dma_start3A_555, %dma_start3A_556] : memref<128x128xf32, #tpu.memory_space<vmem>> -> memref<16x128xf32, #tpu.memory_space<vmem>>
      %dma_start3A_558 = arith.constant 0 : i32
      %dma_start3A_559 = arith.constant 0 : i32
      %dma_start3A_560 = tpu.memref_slice %arg2[%dma_start3A_558, %dma_start3A_559] : memref<1000000x128xf32, #tpu.memory_space<hbm>> -> memref<1000000x128xf32, #tpu.memory_space<hbm>>
      tpu.enqueue_indirect_dma source(%dma_start3A_560 : memref<1000000x128xf32, #tpu.memory_space<hbm>>) target(%dma_start3A_557 : memref<16x128xf32, #tpu.memory_space<vmem>>) offsets(%get3A_554 : vector<16xi32>) semaphore(%arg24 : memref<!tpu.dma_semaphore, #tpu.memory_space<semaphore_mem>>)
      %get3A_561 = arith.constant 80 : index
      %get3A_562 = tpu.vector_load %arg10[%get3A_561] {strides = array<i32>} : memref<128xi32, #tpu.memory_space<vmem>>, vector<16xi32>,
      %get3A_563 = vector.shape_cast %get3A_562 : vector<16xi32> to vector<16xi32>
      %dma_start3A_564 = arith.constant 80 : i32
      %dma_start3A_565 = arith.constant 0 : i32
      %dma_start3A_566 = tpu.memref_slice %arg14[%dma_start3A_564, %dma_start3A_565] : memref<128x128xf32, #tpu.memory_space<vmem>> -> memref<16x128xf32, #tpu.memory_space<vmem>>
      %dma_start3A_567 = arith.constant 0 : i32
      %dma_start3A_568 = arith.constant 0 : i32
      %dma_start3A_569 = tpu.memref_slice %arg2[%dma_start3A_567, %dma_start3A_568] : memref<1000000x128xf32, #tpu.memory_space<hbm>> -> memref<1000000x128xf32, #tpu.memory_space<hbm>>
      tpu.enqueue_indirect_dma source(%dma_start3A_569 : memref<1000000x128xf32, #tpu.memory_space<hbm>>) target(%dma_start3A_566 : memref<16x128xf32, #tpu.memory_space<vmem>>) offsets(%get3A_563 : vector<16xi32>) semaphore(%arg24 : memref<!tpu.dma_semaphore, #tpu.memory_space<semaphore_mem>>)
      %get3A_570 = arith.constant 96 : index
      %get3A_571 = tpu.vector_load %arg10[%get3A_570] {strides = array<i32>} : memref<128xi32, #tpu.memory_space<vmem>>, vector<16xi32>,
      %get3A_572 = vector.shape_cast %get3A_571 : vector<16xi32> to vector<16xi32>
      %dma_start3A_573 = arith.constant 96 : i32
      %dma_start3A_574 = arith.constant 0 : i32
      %dma_start3A_575 = tpu.memref_slice %arg14[%dma_start3A_573, %dma_start3A_574] : memref<128x128xf32, #tpu.memory_space<vmem>> -> memref<16x128xf32, #tpu.memory_space<vmem>>
      %dma_start3A_576 = arith.constant 0 : i32
      %dma_start3A_577 = arith.constant 0 : i32
      %dma_start3A_578 = tpu.memref_slice %arg2[%dma_start3A_576, %dma_start3A_577] : memref<1000000x128xf32, #tpu.memory_space<hbm>> -> memref<1000000x128xf32, #tpu.memory_space<hbm>>
      tpu.enqueue_indirect_dma source(%dma_start3A_578 : memref<1000000x128xf32, #tpu.memory_space<hbm>>) target(%dma_start3A_575 : memref<16x128xf32, #tpu.memory_space<vmem>>) offsets(%get3A_572 : vector<16xi32>) semaphore(%arg24 : memref<!tpu.dma_semaphore, #tpu.memory_space<semaphore_mem>>)
      %get3A_579 = arith.constant 112 : index
      %get3A_580 = tpu.vector_load %arg10[%get3A_579] {strides = array<i32>} : memref<128xi32, #tpu.memory_space<vmem>>, vector<16xi32>,
      %get3A_581 = vector.shape_cast %get3A_580 : vector<16xi32> to vector<16xi32>
      %dma_start3A_582 = arith.constant 112 : i32
      %dma_start3A_583 = arith.constant 0 : i32
      %dma_start3A_584 = tpu.memref_slice %arg14[%dma_start3A_582, %dma_start3A_583] : memref<128x128xf32, #tpu.memory_space<vmem>> -> memref<16x128xf32, #tpu.memory_space<vmem>>
      %dma_start3A_585 = arith.constant 0 : i32
      %dma_start3A_586 = arith.constant 0 : i32
      %dma_start3A_587 = tpu.memref_slice %arg2[%dma_start3A_585, %dma_start3A_586] : memref<1000000x128xf32, #tpu.memory_space<hbm>> -> memref<1000000x128xf32, #tpu.memory_space<hbm>>
      tpu.enqueue_indirect_dma source(%dma_start3A_587 : memref<1000000x128xf32, #tpu.memory_space<hbm>>) target(%dma_start3A_584 : memref<16x128xf32, #tpu.memory_space<vmem>>) offsets(%get3A_581 : vector<16xi32>) semaphore(%arg24 : memref<!tpu.dma_semaphore, #tpu.memory_space<semaphore_mem>>)
      %lt3A_588 = arith.constant 49 : i32
      %lt3A_589 = arith.cmpi slt, %scan3A_221, %lt3A_588 : i32
      %convert_element_type3A_590 = arith.extui %lt3A_589 : i1 to i32
      %cond3A_591 = arith.constant 0 : i32
      %cond3A_592 = arith.cmpi ne, %convert_element_type3A_590, %cond3A_591 : i32
      scf.if %cond3A_592 {
        %add3A_944 = arith.constant 4 : i32
        %add3A_945 = arith.addi %add3A_432, %add3A_944 : i32
        %mul3A_946 = arith.constant 200 : i32
        %mul3A_947 = arith.muli %add3A, %mul3A_946 : i32
        %add3A_948 = arith.addi %mul3A_947, %add3A_945 : i32
        %dma_start3A_949 = arith.constant 0 : i32
        %dma_start3A_950 = tpu.memref_slice %arg3[%add3A_948, %dma_start3A_949] : memref<6400x128xi32, #tpu.memory_space<hbm>> -> memref<1x128xi32, #tpu.memory_space<hbm>>
        %dma_start3A_951 = tpu.memref_squeeze %dma_start3A_950 : memref<1x128xi32, #tpu.memory_space<hbm>> -> memref<128xi32, #tpu.memory_space<hbm>>
        %dma_start3A_952 = arith.constant 0 : i32
        %dma_start3A_953 = tpu.memref_slice %arg3[%add3A_948, %dma_start3A_952] : memref<6400x128xi32, #tpu.memory_space<hbm>> -> memref<1x128xi32, #tpu.memory_space<hbm>>
        %dma_start3A_954 = tpu.memref_squeeze %dma_start3A_953 : memref<1x128xi32, #tpu.memory_space<hbm>> -> memref<128xi32, #tpu.memory_space<hbm>>
        tpu.enqueue_dma source(%dma_start3A_954 : memref<128xi32, #tpu.memory_space<hbm>>) target(%arg8 : memref<128xi32, #tpu.memory_space<vmem>>) target_semaphore(%arg18 : memref<!tpu.dma_semaphore, #tpu.memory_space<semaphore_mem>>)
      } else {
      }
      %gt3A_593 = arith.constant 0 : i32
      %gt3A_594 = arith.cmpi sgt, %scan3A_221, %gt3A_593 : i32
      %convert_element_type3A_595 = arith.extui %gt3A_594 : i1 to i32
      %cond3A_596 = arith.constant 0 : i32
      %cond3A_597 = arith.cmpi ne, %convert_element_type3A_595, %cond3A_596 : i32
      scf.if %cond3A_597 {
        %sub3A_944 = arith.constant 2 : i32
        %sub3A_945 = arith.subi %add3A_432, %sub3A_944 : i32
        %mul3A_946 = arith.constant 128 : i32
        %mul3A_947 = arith.muli %sub3A_945, %mul3A_946 : i32
        %add3A_948 = arith.addi %mul3A_2, %mul3A_947 : i32
        %dma_wait3A_949 = arith.constant 0 : i32
        %dma_wait3A_950 = tpu.memref_slice %arg5[%add3A_948, %dma_wait3A_949] : memref<819200x64xf32, #tpu.memory_space<hbm>> -> memref<128x64xf32, #tpu.memory_space<hbm>>
        %dma_wait3A_951 = arith.constant 0 : i32
        %dma_wait3A_952 = tpu.memref_slice %arg5[%add3A_948, %dma_wait3A_951] : memref<819200x64xf32, #tpu.memory_space<hbm>> -> memref<128x64xf32, #tpu.memory_space<hbm>>
        tpu.wait_dma2 semaphore(%arg26 : memref<!tpu.dma_semaphore, #tpu.memory_space<semaphore_mem>>) src(%arg16 : memref<128x64xf32, #tpu.memory_space<vmem>>) dst(%dma_wait3A_952 : memref<128x64xf32, #tpu.memory_space<hbm>>)
      } else {
      }
      %mul3A_598 = arith.constant 128 : i32
      %mul3A_599 = arith.muli %add3A_432, %mul3A_598 : i32
      %jit3A_600 = arith.constant 200 : i32
      %eq3A_601 = arith.constant 0 : i32
      %eq3A_602 = arith.cmpi eq, %jit3A_600, %eq3A_601 : i32
      %jit3A_603 = arith.constant 1 : i32
      %select_n3A_604 = arith.select %eq3A_602, %jit3A_603, %jit3A_600 : i32
      %rem3A_605 = arith.remsi %mul3A_599, %select_n3A_604 : i32
      %ne3A_606 = arith.constant 0 : i32
      %ne3A_607 = arith.cmpi ne, %rem3A_605, %ne3A_606 : i32
      %lt3A_608 = arith.constant 0 : i32
      %lt3A_609 = arith.cmpi slt, %rem3A_605, %lt3A_608 : i32
      %lt3A_610 = arith.constant 0 : i32
      %lt3A_611 = arith.cmpi slt, %select_n3A_604, %lt3A_610 : i32
      %ne3A_612 = arith.xori %lt3A_609, %lt3A_611 : i1
      %and3A_613 = arith.andi %ne3A_612, %ne3A_607 : i1
      %add3A_614 = arith.addi %rem3A_605, %select_n3A_604 : i32
      %select_n3A_615 = arith.select %and3A_613, %add3A_614, %rem3A_605 : i32
      %jit3A_616 = arith.constant 2 : i32
      %div3A_617 = arith.divsi %select_n3A_615, %jit3A_616 : i32
      %sign3A_618 = arith.constant 0 : i32
      %sign3A_619 = arith.cmpi sgt, %select_n3A_615, %sign3A_618 : i32
      %sign3A_620 = arith.extui %sign3A_619 : i1 to i32
      %sign3A_621 = arith.constant 0 : i32
      %sign3A_622 = arith.cmpi slt, %select_n3A_615, %sign3A_621 : i32
      %sign3A_623 = arith.extui %sign3A_622 : i1 to i32
      %sign3A_624 = arith.subi %sign3A_620, %sign3A_623 : i32
      %sign3A_625 = arith.constant 0 : i32
      %sign3A_626 = arith.cmpi sgt, %jit3A_616, %sign3A_625 : i32
      %sign3A_627 = arith.extui %sign3A_626 : i1 to i32
      %sign3A_628 = arith.constant 0 : i32
      %sign3A_629 = arith.cmpi slt, %jit3A_616, %sign3A_628 : i32
      %sign3A_630 = arith.extui %sign3A_629 : i1 to i32
      %sign3A_631 = arith.subi %sign3A_627, %sign3A_630 : i32
      %ne3A_632 = arith.cmpi ne, %sign3A_624, %sign3A_631 : i32
      %rem3A_633 = arith.remsi %select_n3A_615, %jit3A_616 : i32
      %ne3A_634 = arith.constant 0 : i32
      %ne3A_635 = arith.cmpi ne, %rem3A_633, %ne3A_634 : i32
      %and3A_636 = arith.andi %ne3A_632, %ne3A_635 : i1
      %sub3A_637 = arith.constant 1 : i32
      %sub3A_638 = arith.subi %div3A_617, %sub3A_637 : i32
      %select_n3A_639 = arith.select %and3A_636, %sub3A_638, %div3A_617 : i32
      %parallel_loop3A_640 = arith.constant 0 : i32
      %parallel_loop3A_641 = arith.constant 64 : i32
      %parallel_loop3A_642 = arith.constant 1 : i32
      scf.for %parallel_loop3A_944 = %parallel_loop3A_640 to %parallel_loop3A_641 step %parallel_loop3A_642  : i32 {
        %parallel_loop3A_945 = arith.addi %select_n3A_639, %parallel_loop3A_944 : i32
        %parallel_loop3A_946 = arith.constant 2 : i32
        %parallel_loop3A_947 = arith.muli %parallel_loop3A_946, %parallel_loop3A_944 : i32
        %parallel_loop3A_948 = arith.index_cast %parallel_loop3A_947 : i32 to index
        %parallel_loop3A_949 = arith.constant 0 : index
        %parallel_loop3A_950 = tpu.vector_load %arg12[%parallel_loop3A_948, %parallel_loop3A_949] {strides = array<i32>} : memref<128x128xf32, #tpu.memory_space<vmem>>, vector<1x16xf32>,
        %parallel_loop3A_951 = vector.shape_cast %parallel_loop3A_950 : vector<1x16xf32> to vector<16xf32>
        %parallel_loop3A_952 = arith.index_cast %parallel_loop3A_945 : i32 to index
        %parallel_loop3A_953 = arith.constant 0 : index
        %parallel_loop3A_954 = tpu.vector_load %arg6[%parallel_loop3A_952, %parallel_loop3A_953] {strides = array<i32>} : memref<160x128xf32, #tpu.memory_space<vmem>>, vector<1x16xf32>,
        %parallel_loop3A_955 = vector.shape_cast %parallel_loop3A_954 : vector<1x16xf32> to vector<16xf32>
        %parallel_loop3A_956 = arith.addf %parallel_loop3A_951, %parallel_loop3A_955 : vector<16xf32>
        %parallel_loop3A_957 = arith.constant 2 : i32
        %parallel_loop3A_958 = arith.muli %parallel_loop3A_957, %parallel_loop3A_944 : i32
        %parallel_loop3A_959 = arith.index_cast %parallel_loop3A_958 : i32 to index
        %parallel_loop3A_960 = arith.constant 0 : index
        %parallel_loop3A_961 = tpu.vector_load %arg16[%parallel_loop3A_959, %parallel_loop3A_960] {strides = array<i32>} : memref<128x64xf32, #tpu.memory_space<vmem>>, vector<1x16xf32>,
        %parallel_loop3A_962 = vector.shape_cast %parallel_loop3A_961 : vector<1x16xf32> to vector<16xf32>
        %parallel_loop3A_963 = vector.shape_cast %parallel_loop3A_956 : vector<16xf32> to vector<1x16xf32>
        tpu.vector_store %arg16[%parallel_loop3A_959, %parallel_loop3A_960], %parallel_loop3A_963 {strides = array<i32>} : memref<128x64xf32, #tpu.memory_space<vmem>>, vector<1x16xf32>,
        %parallel_loop3A_964 = arith.constant 2 : i32
        %parallel_loop3A_965 = arith.muli %parallel_loop3A_964, %parallel_loop3A_944 : i32
        %parallel_loop3A_966 = arith.constant 1 : i32
        %parallel_loop3A_967 = arith.addi %parallel_loop3A_965, %parallel_loop3A_966 : i32
        %parallel_loop3A_968 = arith.index_cast %parallel_loop3A_967 : i32 to index
        %parallel_loop3A_969 = arith.constant 0 : index
        %parallel_loop3A_970 = tpu.vector_load %arg12[%parallel_loop3A_968, %parallel_loop3A_969] {strides = array<i32>} : memref<128x128xf32, #tpu.memory_space<vmem>>, vector<1x16xf32>,
        %parallel_loop3A_971 = vector.shape_cast %parallel_loop3A_970 : vector<1x16xf32> to vector<16xf32>
        %parallel_loop3A_972 = arith.index_cast %parallel_loop3A_945 : i32 to index
        %parallel_loop3A_973 = arith.constant 64 : index
        %parallel_loop3A_974 = tpu.vector_load %arg6[%parallel_loop3A_972, %parallel_loop3A_973] {strides = array<i32>} : memref<160x128xf32, #tpu.memory_space<vmem>>, vector<1x16xf32>,
        %parallel_loop3A_975 = vector.shape_cast %parallel_loop3A_974 : vector<1x16xf32> to vector<16xf32>
        %parallel_loop3A_976 = arith.addf %parallel_loop3A_971, %parallel_loop3A_975 : vector<16xf32>
        %parallel_loop3A_977 = arith.constant 2 : i32
        %parallel_loop3A_978 = arith.muli %parallel_loop3A_977, %parallel_loop3A_944 : i32
        %parallel_loop3A_979 = arith.constant 1 : i32
        %parallel_loop3A_980 = arith.addi %parallel_loop3A_978, %parallel_loop3A_979 : i32
        %parallel_loop3A_981 = arith.index_cast %parallel_loop3A_980 : i32 to index
        %parallel_loop3A_982 = arith.constant 0 : index
        %parallel_loop3A_983 = tpu.vector_load %arg16[%parallel_loop3A_981, %parallel_loop3A_982] {strides = array<i32>} : memref<128x64xf32, #tpu.memory_space<vmem>>, vector<1x16xf32>,
        %parallel_loop3A_984 = vector.shape_cast %parallel_loop3A_983 : vector<1x16xf32> to vector<16xf32>
        %parallel_loop3A_985 = vector.shape_cast %parallel_loop3A_976 : vector<16xf32> to vector<1x16xf32>
        tpu.vector_store %arg16[%parallel_loop3A_981, %parallel_loop3A_982], %parallel_loop3A_985 {strides = array<i32>} : memref<128x64xf32, #tpu.memory_space<vmem>>, vector<1x16xf32>,
        %parallel_loop3A_986 = arith.constant 2 : i32
        %parallel_loop3A_987 = arith.muli %parallel_loop3A_986, %parallel_loop3A_944 : i32
        %parallel_loop3A_988 = arith.index_cast %parallel_loop3A_987 : i32 to index
        %parallel_loop3A_989 = arith.constant 16 : index
        %parallel_loop3A_990 = tpu.vector_load %arg12[%parallel_loop3A_988, %parallel_loop3A_989] {strides = array<i32>} : memref<128x128xf32, #tpu.memory_space<vmem>>, vector<1x16xf32>,
        %parallel_loop3A_991 = vector.shape_cast %parallel_loop3A_990 : vector<1x16xf32> to vector<16xf32>
        %parallel_loop3A_992 = arith.index_cast %parallel_loop3A_945 : i32 to index
        %parallel_loop3A_993 = arith.constant 16 : index
        %parallel_loop3A_994 = tpu.vector_load %arg6[%parallel_loop3A_992, %parallel_loop3A_993] {strides = array<i32>} : memref<160x128xf32, #tpu.memory_space<vmem>>, vector<1x16xf32>,
        %parallel_loop3A_995 = vector.shape_cast %parallel_loop3A_994 : vector<1x16xf32> to vector<16xf32>
        %parallel_loop3A_996 = arith.addf %parallel_loop3A_991, %parallel_loop3A_995 : vector<16xf32>
        %parallel_loop3A_997 = arith.constant 2 : i32
        %parallel_loop3A_998 = arith.muli %parallel_loop3A_997, %parallel_loop3A_944 : i32
        %parallel_loop3A_999 = arith.index_cast %parallel_loop3A_998 : i32 to index
        %parallel_loop3A_1000 = arith.constant 16 : index
        %parallel_loop3A_1001 = tpu.vector_load %arg16[%parallel_loop3A_999, %parallel_loop3A_1000] {strides = array<i32>} : memref<128x64xf32, #tpu.memory_space<vmem>>, vector<1x16xf32>,
        %parallel_loop3A_1002 = vector.shape_cast %parallel_loop3A_1001 : vector<1x16xf32> to vector<16xf32>
        %parallel_loop3A_1003 = vector.shape_cast %parallel_loop3A_996 : vector<16xf32> to vector<1x16xf32>
        tpu.vector_store %arg16[%parallel_loop3A_999, %parallel_loop3A_1000], %parallel_loop3A_1003 {strides = array<i32>} : memref<128x64xf32, #tpu.memory_space<vmem>>, vector<1x16xf32>,
        %parallel_loop3A_1004 = arith.constant 2 : i32
        %parallel_loop3A_1005 = arith.muli %parallel_loop3A_1004, %parallel_loop3A_944 : i32
        %parallel_loop3A_1006 = arith.constant 1 : i32
        %parallel_loop3A_1007 = arith.addi %parallel_loop3A_1005, %parallel_loop3A_1006 : i32
        %parallel_loop3A_1008 = arith.index_cast %parallel_loop3A_1007 : i32 to index
        %parallel_loop3A_1009 = arith.constant 16 : index
        %parallel_loop3A_1010 = tpu.vector_load %arg12[%parallel_loop3A_1008, %parallel_loop3A_1009] {strides = array<i32>} : memref<128x128xf32, #tpu.memory_space<vmem>>, vector<1x16xf32>,
        %parallel_loop3A_1011 = vector.shape_cast %parallel_loop3A_1010 : vector<1x16xf32> to vector<16xf32>
        %parallel_loop3A_1012 = arith.index_cast %parallel_loop3A_945 : i32 to index
        %parallel_loop3A_1013 = arith.constant 80 : index
        %parallel_loop3A_1014 = tpu.vector_load %arg6[%parallel_loop3A_1012, %parallel_loop3A_1013] {strides = array<i32>} : memref<160x128xf32, #tpu.memory_space<vmem>>, vector<1x16xf32>,
        %parallel_loop3A_1015 = vector.shape_cast %parallel_loop3A_1014 : vector<1x16xf32> to vector<16xf32>
        %parallel_loop3A_1016 = arith.addf %parallel_loop3A_1011, %parallel_loop3A_1015 : vector<16xf32>
        %parallel_loop3A_1017 = arith.constant 2 : i32
        %parallel_loop3A_1018 = arith.muli %parallel_loop3A_1017, %parallel_loop3A_944 : i32
        %parallel_loop3A_1019 = arith.constant 1 : i32
        %parallel_loop3A_1020 = arith.addi %parallel_loop3A_1018, %parallel_loop3A_1019 : i32
        %parallel_loop3A_1021 = arith.index_cast %parallel_loop3A_1020 : i32 to index
        %parallel_loop3A_1022 = arith.constant 16 : index
        %parallel_loop3A_1023 = tpu.vector_load %arg16[%parallel_loop3A_1021, %parallel_loop3A_1022] {strides = array<i32>} : memref<128x64xf32, #tpu.memory_space<vmem>>, vector<1x16xf32>,
        %parallel_loop3A_1024 = vector.shape_cast %parallel_loop3A_1023 : vector<1x16xf32> to vector<16xf32>
        %parallel_loop3A_1025 = vector.shape_cast %parallel_loop3A_1016 : vector<16xf32> to vector<1x16xf32>
        tpu.vector_store %arg16[%parallel_loop3A_1021, %parallel_loop3A_1022], %parallel_loop3A_1025 {strides = array<i32>} : memref<128x64xf32, #tpu.memory_space<vmem>>, vector<1x16xf32>,
        %parallel_loop3A_1026 = arith.constant 2 : i32
        %parallel_loop3A_1027 = arith.muli %parallel_loop3A_1026, %parallel_loop3A_944 : i32
        %parallel_loop3A_1028 = arith.index_cast %parallel_loop3A_1027 : i32 to index
        %parallel_loop3A_1029 = arith.constant 32 : index
        %parallel_loop3A_1030 = tpu.vector_load %arg12[%parallel_loop3A_1028, %parallel_loop3A_1029] {strides = array<i32>} : memref<128x128xf32, #tpu.memory_space<vmem>>, vector<1x16xf32>,
        %parallel_loop3A_1031 = vector.shape_cast %parallel_loop3A_1030 : vector<1x16xf32> to vector<16xf32>
        %parallel_loop3A_1032 = arith.index_cast %parallel_loop3A_945 : i32 to index
        %parallel_loop3A_1033 = arith.constant 32 : index
        %parallel_loop3A_1034 = tpu.vector_load %arg6[%parallel_loop3A_1032, %parallel_loop3A_1033] {strides = array<i32>} : memref<160x128xf32, #tpu.memory_space<vmem>>, vector<1x16xf32>,
        %parallel_loop3A_1035 = vector.shape_cast %parallel_loop3A_1034 : vector<1x16xf32> to vector<16xf32>
        %parallel_loop3A_1036 = arith.addf %parallel_loop3A_1031, %parallel_loop3A_1035 : vector<16xf32>
        %parallel_loop3A_1037 = arith.constant 2 : i32
        %parallel_loop3A_1038 = arith.muli %parallel_loop3A_1037, %parallel_loop3A_944 : i32
        %parallel_loop3A_1039 = arith.index_cast %parallel_loop3A_1038 : i32 to index
        %parallel_loop3A_1040 = arith.constant 32 : index
        %parallel_loop3A_1041 = tpu.vector_load %arg16[%parallel_loop3A_1039, %parallel_loop3A_1040] {strides = array<i32>} : memref<128x64xf32, #tpu.memory_space<vmem>>, vector<1x16xf32>,
        %parallel_loop3A_1042 = vector.shape_cast %parallel_loop3A_1041 : vector<1x16xf32> to vector<16xf32>
        %parallel_loop3A_1043 = vector.shape_cast %parallel_loop3A_1036 : vector<16xf32> to vector<1x16xf32>
        tpu.vector_store %arg16[%parallel_loop3A_1039, %parallel_loop3A_1040], %parallel_loop3A_1043 {strides = array<i32>} : memref<128x64xf32, #tpu.memory_space<vmem>>, vector<1x16xf32>,
        %parallel_loop3A_1044 = arith.constant 2 : i32
        %parallel_loop3A_1045 = arith.muli %parallel_loop3A_1044, %parallel_loop3A_944 : i32
        %parallel_loop3A_1046 = arith.constant 1 : i32
        %parallel_loop3A_1047 = arith.addi %parallel_loop3A_1045, %parallel_loop3A_1046 : i32
        %parallel_loop3A_1048 = arith.index_cast %parallel_loop3A_1047 : i32 to index
        %parallel_loop3A_1049 = arith.constant 32 : index
        %parallel_loop3A_1050 = tpu.vector_load %arg12[%parallel_loop3A_1048, %parallel_loop3A_1049] {strides = array<i32>} : memref<128x128xf32, #tpu.memory_space<vmem>>, vector<1x16xf32>,
        %parallel_loop3A_1051 = vector.shape_cast %parallel_loop3A_1050 : vector<1x16xf32> to vector<16xf32>
        %parallel_loop3A_1052 = arith.index_cast %parallel_loop3A_945 : i32 to index
        %parallel_loop3A_1053 = arith.constant 96 : index
        %parallel_loop3A_1054 = tpu.vector_load %arg6[%parallel_loop3A_1052, %parallel_loop3A_1053] {strides = array<i32>} : memref<160x128xf32, #tpu.memory_space<vmem>>, vector<1x16xf32>,
        %parallel_loop3A_1055 = vector.shape_cast %parallel_loop3A_1054 : vector<1x16xf32> to vector<16xf32>
        %parallel_loop3A_1056 = arith.addf %parallel_loop3A_1051, %parallel_loop3A_1055 : vector<16xf32>
        %parallel_loop3A_1057 = arith.constant 2 : i32
        %parallel_loop3A_1058 = arith.muli %parallel_loop3A_1057, %parallel_loop3A_944 : i32
        %parallel_loop3A_1059 = arith.constant 1 : i32
        %parallel_loop3A_1060 = arith.addi %parallel_loop3A_1058, %parallel_loop3A_1059 : i32
        %parallel_loop3A_1061 = arith.index_cast %parallel_loop3A_1060 : i32 to index
        %parallel_loop3A_1062 = arith.constant 32 : index
        %parallel_loop3A_1063 = tpu.vector_load %arg16[%parallel_loop3A_1061, %parallel_loop3A_1062] {strides = array<i32>} : memref<128x64xf32, #tpu.memory_space<vmem>>, vector<1x16xf32>,
        %parallel_loop3A_1064 = vector.shape_cast %parallel_loop3A_1063 : vector<1x16xf32> to vector<16xf32>
        %parallel_loop3A_1065 = vector.shape_cast %parallel_loop3A_1056 : vector<16xf32> to vector<1x16xf32>
        tpu.vector_store %arg16[%parallel_loop3A_1061, %parallel_loop3A_1062], %parallel_loop3A_1065 {strides = array<i32>} : memref<128x64xf32, #tpu.memory_space<vmem>>, vector<1x16xf32>,
        %parallel_loop3A_1066 = arith.constant 2 : i32
        %parallel_loop3A_1067 = arith.muli %parallel_loop3A_1066, %parallel_loop3A_944 : i32
        %parallel_loop3A_1068 = arith.index_cast %parallel_loop3A_1067 : i32 to index
        %parallel_loop3A_1069 = arith.constant 48 : index
        %parallel_loop3A_1070 = tpu.vector_load %arg12[%parallel_loop3A_1068, %parallel_loop3A_1069] {strides = array<i32>} : memref<128x128xf32, #tpu.memory_space<vmem>>, vector<1x16xf32>,
        %parallel_loop3A_1071 = vector.shape_cast %parallel_loop3A_1070 : vector<1x16xf32> to vector<16xf32>
        %parallel_loop3A_1072 = arith.index_cast %parallel_loop3A_945 : i32 to index
        %parallel_loop3A_1073 = arith.constant 48 : index
        %parallel_loop3A_1074 = tpu.vector_load %arg6[%parallel_loop3A_1072, %parallel_loop3A_1073] {strides = array<i32>} : memref<160x128xf32, #tpu.memory_space<vmem>>, vector<1x16xf32>,
        %parallel_loop3A_1075 = vector.shape_cast %parallel_loop3A_1074 : vector<1x16xf32> to vector<16xf32>
        %parallel_loop3A_1076 = arith.addf %parallel_loop3A_1071, %parallel_loop3A_1075 : vector<16xf32>
        %parallel_loop3A_1077 = arith.constant 2 : i32
        %parallel_loop3A_1078 = arith.muli %parallel_loop3A_1077, %parallel_loop3A_944 : i32
        %parallel_loop3A_1079 = arith.index_cast %parallel_loop3A_1078 : i32 to index
        %parallel_loop3A_1080 = arith.constant 48 : index
        %parallel_loop3A_1081 = tpu.vector_load %arg16[%parallel_loop3A_1079, %parallel_loop3A_1080] {strides = array<i32>} : memref<128x64xf32, #tpu.memory_space<vmem>>, vector<1x16xf32>,
        %parallel_loop3A_1082 = vector.shape_cast %parallel_loop3A_1081 : vector<1x16xf32> to vector<16xf32>
        %parallel_loop3A_1083 = vector.shape_cast %parallel_loop3A_1076 : vector<16xf32> to vector<1x16xf32>
        tpu.vector_store %arg16[%parallel_loop3A_1079, %parallel_loop3A_1080], %parallel_loop3A_1083 {strides = array<i32>} : memref<128x64xf32, #tpu.memory_space<vmem>>, vector<1x16xf32>,
        %parallel_loop3A_1084 = arith.constant 2 : i32
        %parallel_loop3A_1085 = arith.muli %parallel_loop3A_1084, %parallel_loop3A_944 : i32
        %parallel_loop3A_1086 = arith.constant 1 : i32
        %parallel_loop3A_1087 = arith.addi %parallel_loop3A_1085, %parallel_loop3A_1086 : i32
        %parallel_loop3A_1088 = arith.index_cast %parallel_loop3A_1087 : i32 to index
        %parallel_loop3A_1089 = arith.constant 48 : index
        %parallel_loop3A_1090 = tpu.vector_load %arg12[%parallel_loop3A_1088, %parallel_loop3A_1089] {strides = array<i32>} : memref<128x128xf32, #tpu.memory_space<vmem>>, vector<1x16xf32>,
        %parallel_loop3A_1091 = vector.shape_cast %parallel_loop3A_1090 : vector<1x16xf32> to vector<16xf32>
        %parallel_loop3A_1092 = arith.index_cast %parallel_loop3A_945 : i32 to index
        %parallel_loop3A_1093 = arith.constant 112 : index
        %parallel_loop3A_1094 = tpu.vector_load %arg6[%parallel_loop3A_1092, %parallel_loop3A_1093] {strides = array<i32>} : memref<160x128xf32, #tpu.memory_space<vmem>>, vector<1x16xf32>,
        %parallel_loop3A_1095 = vector.shape_cast %parallel_loop3A_1094 : vector<1x16xf32> to vector<16xf32>
        %parallel_loop3A_1096 = arith.addf %parallel_loop3A_1091, %parallel_loop3A_1095 : vector<16xf32>
        %parallel_loop3A_1097 = arith.constant 2 : i32
        %parallel_loop3A_1098 = arith.muli %parallel_loop3A_1097, %parallel_loop3A_944 : i32
        %parallel_loop3A_1099 = arith.constant 1 : i32
        %parallel_loop3A_1100 = arith.addi %parallel_loop3A_1098, %parallel_loop3A_1099 : i32
        %parallel_loop3A_1101 = arith.index_cast %parallel_loop3A_1100 : i32 to index
        %parallel_loop3A_1102 = arith.constant 48 : index
        %parallel_loop3A_1103 = tpu.vector_load %arg16[%parallel_loop3A_1101, %parallel_loop3A_1102] {strides = array<i32>} : memref<128x64xf32, #tpu.memory_space<vmem>>, vector<1x16xf32>,
        %parallel_loop3A_1104 = vector.shape_cast %parallel_loop3A_1103 : vector<1x16xf32> to vector<16xf32>
        %parallel_loop3A_1105 = vector.shape_cast %parallel_loop3A_1096 : vector<16xf32> to vector<1x16xf32>
        tpu.vector_store %arg16[%parallel_loop3A_1101, %parallel_loop3A_1102], %parallel_loop3A_1105 {strides = array<i32>} : memref<128x64xf32, #tpu.memory_space<vmem>>, vector<1x16xf32>,
      } {sc.loop_unroll_factor = 4 : i64, sc.parallel_access}
      %mul3A_643 = arith.constant 128 : i32
      %mul3A_644 = arith.muli %add3A_432, %mul3A_643 : i32
      %add3A_645 = arith.addi %mul3A_2, %mul3A_644 : i32
      %dma_start3A_646 = arith.constant 0 : i32
      %dma_start3A_647 = tpu.memref_slice %arg5[%add3A_645, %dma_start3A_646] : memref<819200x64xf32, #tpu.memory_space<hbm>> -> memref<128x64xf32, #tpu.memory_space<hbm>>
      %dma_start3A_648 = arith.constant 0 : i32
      %dma_start3A_649 = tpu.memref_slice %arg5[%add3A_645, %dma_start3A_648] : memref<819200x64xf32, #tpu.memory_space<hbm>> -> memref<128x64xf32, #tpu.memory_space<hbm>>
      tpu.enqueue_dma source(%arg16 : memref<128x64xf32, #tpu.memory_space<vmem>>) target(%dma_start3A_649 : memref<128x64xf32, #tpu.memory_space<hbm>>) target_semaphore(%arg26 : memref<!tpu.dma_semaphore, #tpu.memory_space<semaphore_mem>>)
      %mul3A_650 = arith.constant 4 : i32
      %mul3A_651 = arith.muli %scan3A_221, %mul3A_650 : i32
      %add3A_652 = arith.constant 2 : i32
      %add3A_653 = arith.addi %mul3A_651, %add3A_652 : i32
      %get3A_654 = arith.constant 0 : index
      %get3A_655 = tpu.vector_load %arg9[%get3A_654] {strides = array<i32>} : memref<128xi32, #tpu.memory_space<vmem>>, vector<16xi32>,
      %get3A_656 = vector.shape_cast %get3A_655 : vector<16xi32> to vector<16xi32>
      %dma_wait3A_657 = arith.constant 0 : i32
      %dma_wait3A_658 = arith.constant 0 : i32
      %dma_wait3A_659 = tpu.memref_slice %arg13[%dma_wait3A_657, %dma_wait3A_658] : memref<128x128xf32, #tpu.memory_space<vmem>> -> memref<16x128xf32, #tpu.memory_space<vmem>>
      %dma_wait3A_660 = arith.constant 0 : i32
      %dma_wait3A_661 = arith.constant 0 : i32
      %dma_wait3A_662 = tpu.memref_slice %arg2[%dma_wait3A_660, %dma_wait3A_661] : memref<1000000x128xf32, #tpu.memory_space<hbm>> -> memref<1000000x128xf32, #tpu.memory_space<hbm>>
      tpu.wait_indirect_dma semaphore(%arg23 : memref<!tpu.dma_semaphore, #tpu.memory_space<semaphore_mem>>) src(%dma_wait3A_662 : memref<1000000x128xf32, #tpu.memory_space<hbm>>) dst(%dma_wait3A_659 : memref<16x128xf32, #tpu.memory_space<vmem>>)
      %get3A_663 = arith.constant 16 : index
      %get3A_664 = tpu.vector_load %arg9[%get3A_663] {strides = array<i32>} : memref<128xi32, #tpu.memory_space<vmem>>, vector<16xi32>,
      %get3A_665 = vector.shape_cast %get3A_664 : vector<16xi32> to vector<16xi32>
      %dma_wait3A_666 = arith.constant 16 : i32
      %dma_wait3A_667 = arith.constant 0 : i32
      %dma_wait3A_668 = tpu.memref_slice %arg13[%dma_wait3A_666, %dma_wait3A_667] : memref<128x128xf32, #tpu.memory_space<vmem>> -> memref<16x128xf32, #tpu.memory_space<vmem>>
      %dma_wait3A_669 = arith.constant 0 : i32
      %dma_wait3A_670 = arith.constant 0 : i32
      %dma_wait3A_671 = tpu.memref_slice %arg2[%dma_wait3A_669, %dma_wait3A_670] : memref<1000000x128xf32, #tpu.memory_space<hbm>> -> memref<1000000x128xf32, #tpu.memory_space<hbm>>
      tpu.wait_indirect_dma semaphore(%arg23 : memref<!tpu.dma_semaphore, #tpu.memory_space<semaphore_mem>>) src(%dma_wait3A_671 : memref<1000000x128xf32, #tpu.memory_space<hbm>>) dst(%dma_wait3A_668 : memref<16x128xf32, #tpu.memory_space<vmem>>)
      %get3A_672 = arith.constant 32 : index
      %get3A_673 = tpu.vector_load %arg9[%get3A_672] {strides = array<i32>} : memref<128xi32, #tpu.memory_space<vmem>>, vector<16xi32>,
      %get3A_674 = vector.shape_cast %get3A_673 : vector<16xi32> to vector<16xi32>
      %dma_wait3A_675 = arith.constant 32 : i32
      %dma_wait3A_676 = arith.constant 0 : i32
      %dma_wait3A_677 = tpu.memref_slice %arg13[%dma_wait3A_675, %dma_wait3A_676] : memref<128x128xf32, #tpu.memory_space<vmem>> -> memref<16x128xf32, #tpu.memory_space<vmem>>
      %dma_wait3A_678 = arith.constant 0 : i32
      %dma_wait3A_679 = arith.constant 0 : i32
      %dma_wait3A_680 = tpu.memref_slice %arg2[%dma_wait3A_678, %dma_wait3A_679] : memref<1000000x128xf32, #tpu.memory_space<hbm>> -> memref<1000000x128xf32, #tpu.memory_space<hbm>>
      tpu.wait_indirect_dma semaphore(%arg23 : memref<!tpu.dma_semaphore, #tpu.memory_space<semaphore_mem>>) src(%dma_wait3A_680 : memref<1000000x128xf32, #tpu.memory_space<hbm>>) dst(%dma_wait3A_677 : memref<16x128xf32, #tpu.memory_space<vmem>>)
      %get3A_681 = arith.constant 48 : index
      %get3A_682 = tpu.vector_load %arg9[%get3A_681] {strides = array<i32>} : memref<128xi32, #tpu.memory_space<vmem>>, vector<16xi32>,
      %get3A_683 = vector.shape_cast %get3A_682 : vector<16xi32> to vector<16xi32>
      %dma_wait3A_684 = arith.constant 48 : i32
      %dma_wait3A_685 = arith.constant 0 : i32
      %dma_wait3A_686 = tpu.memref_slice %arg13[%dma_wait3A_684, %dma_wait3A_685] : memref<128x128xf32, #tpu.memory_space<vmem>> -> memref<16x128xf32, #tpu.memory_space<vmem>>
      %dma_wait3A_687 = arith.constant 0 : i32
      %dma_wait3A_688 = arith.constant 0 : i32
      %dma_wait3A_689 = tpu.memref_slice %arg2[%dma_wait3A_687, %dma_wait3A_688] : memref<1000000x128xf32, #tpu.memory_space<hbm>> -> memref<1000000x128xf32, #tpu.memory_space<hbm>>
      tpu.wait_indirect_dma semaphore(%arg23 : memref<!tpu.dma_semaphore, #tpu.memory_space<semaphore_mem>>) src(%dma_wait3A_689 : memref<1000000x128xf32, #tpu.memory_space<hbm>>) dst(%dma_wait3A_686 : memref<16x128xf32, #tpu.memory_space<vmem>>)
      %get3A_690 = arith.constant 64 : index
      %get3A_691 = tpu.vector_load %arg9[%get3A_690] {strides = array<i32>} : memref<128xi32, #tpu.memory_space<vmem>>, vector<16xi32>,
      %get3A_692 = vector.shape_cast %get3A_691 : vector<16xi32> to vector<16xi32>
      %dma_wait3A_693 = arith.constant 64 : i32
      %dma_wait3A_694 = arith.constant 0 : i32
      %dma_wait3A_695 = tpu.memref_slice %arg13[%dma_wait3A_693, %dma_wait3A_694] : memref<128x128xf32, #tpu.memory_space<vmem>> -> memref<16x128xf32, #tpu.memory_space<vmem>>
      %dma_wait3A_696 = arith.constant 0 : i32
      %dma_wait3A_697 = arith.constant 0 : i32
      %dma_wait3A_698 = tpu.memref_slice %arg2[%dma_wait3A_696, %dma_wait3A_697] : memref<1000000x128xf32, #tpu.memory_space<hbm>> -> memref<1000000x128xf32, #tpu.memory_space<hbm>>
      tpu.wait_indirect_dma semaphore(%arg23 : memref<!tpu.dma_semaphore, #tpu.memory_space<semaphore_mem>>) src(%dma_wait3A_698 : memref<1000000x128xf32, #tpu.memory_space<hbm>>) dst(%dma_wait3A_695 : memref<16x128xf32, #tpu.memory_space<vmem>>)
      %get3A_699 = arith.constant 80 : index
      %get3A_700 = tpu.vector_load %arg9[%get3A_699] {strides = array<i32>} : memref<128xi32, #tpu.memory_space<vmem>>, vector<16xi32>,
      %get3A_701 = vector.shape_cast %get3A_700 : vector<16xi32> to vector<16xi32>
      %dma_wait3A_702 = arith.constant 80 : i32
      %dma_wait3A_703 = arith.constant 0 : i32
      %dma_wait3A_704 = tpu.memref_slice %arg13[%dma_wait3A_702, %dma_wait3A_703] : memref<128x128xf32, #tpu.memory_space<vmem>> -> memref<16x128xf32, #tpu.memory_space<vmem>>
      %dma_wait3A_705 = arith.constant 0 : i32
      %dma_wait3A_706 = arith.constant 0 : i32
      %dma_wait3A_707 = tpu.memref_slice %arg2[%dma_wait3A_705, %dma_wait3A_706] : memref<1000000x128xf32, #tpu.memory_space<hbm>> -> memref<1000000x128xf32, #tpu.memory_space<hbm>>
      tpu.wait_indirect_dma semaphore(%arg23 : memref<!tpu.dma_semaphore, #tpu.memory_space<semaphore_mem>>) src(%dma_wait3A_707 : memref<1000000x128xf32, #tpu.memory_space<hbm>>) dst(%dma_wait3A_704 : memref<16x128xf32, #tpu.memory_space<vmem>>)
      %get3A_708 = arith.constant 96 : index
      %get3A_709 = tpu.vector_load %arg9[%get3A_708] {strides = array<i32>} : memref<128xi32, #tpu.memory_space<vmem>>, vector<16xi32>,
      %get3A_710 = vector.shape_cast %get3A_709 : vector<16xi32> to vector<16xi32>
      %dma_wait3A_711 = arith.constant 96 : i32
      %dma_wait3A_712 = arith.constant 0 : i32
      %dma_wait3A_713 = tpu.memref_slice %arg13[%dma_wait3A_711, %dma_wait3A_712] : memref<128x128xf32, #tpu.memory_space<vmem>> -> memref<16x128xf32, #tpu.memory_space<vmem>>
      %dma_wait3A_714 = arith.constant 0 : i32
      %dma_wait3A_715 = arith.constant 0 : i32
      %dma_wait3A_716 = tpu.memref_slice %arg2[%dma_wait3A_714, %dma_wait3A_715] : memref<1000000x128xf32, #tpu.memory_space<hbm>> -> memref<1000000x128xf32, #tpu.memory_space<hbm>>
      tpu.wait_indirect_dma semaphore(%arg23 : memref<!tpu.dma_semaphore, #tpu.memory_space<semaphore_mem>>) src(%dma_wait3A_716 : memref<1000000x128xf32, #tpu.memory_space<hbm>>) dst(%dma_wait3A_713 : memref<16x128xf32, #tpu.memory_space<vmem>>)
      %get3A_717 = arith.constant 112 : index
      %get3A_718 = tpu.vector_load %arg9[%get3A_717] {strides = array<i32>} : memref<128xi32, #tpu.memory_space<vmem>>, vector<16xi32>,
      %get3A_719 = vector.shape_cast %get3A_718 : vector<16xi32> to vector<16xi32>
      %dma_wait3A_720 = arith.constant 112 : i32
      %dma_wait3A_721 = arith.constant 0 : i32
      %dma_wait3A_722 = tpu.memref_slice %arg13[%dma_wait3A_720, %dma_wait3A_721] : memref<128x128xf32, #tpu.memory_space<vmem>> -> memref<16x128xf32, #tpu.memory_space<vmem>>
      %dma_wait3A_723 = arith.constant 0 : i32
      %dma_wait3A_724 = arith.constant 0 : i32
      %dma_wait3A_725 = tpu.memref_slice %arg2[%dma_wait3A_723, %dma_wait3A_724] : memref<1000000x128xf32, #tpu.memory_space<hbm>> -> memref<1000000x128xf32, #tpu.memory_space<hbm>>
      tpu.wait_indirect_dma semaphore(%arg23 : memref<!tpu.dma_semaphore, #tpu.memory_space<semaphore_mem>>) src(%dma_wait3A_725 : memref<1000000x128xf32, #tpu.memory_space<hbm>>) dst(%dma_wait3A_722 : memref<16x128xf32, #tpu.memory_space<vmem>>)
      %lt3A_726 = arith.constant 49 : i32
      %lt3A_727 = arith.cmpi slt, %scan3A_221, %lt3A_726 : i32
      %convert_element_type3A_728 = arith.extui %lt3A_727 : i1 to i32
      %cond3A_729 = arith.constant 0 : i32
      %cond3A_730 = arith.cmpi ne, %convert_element_type3A_728, %cond3A_729 : i32
      scf.if %cond3A_730 {
        %add3A_944 = arith.constant 2 : i32
        %add3A_945 = arith.addi %add3A_653, %add3A_944 : i32
        %mul3A_946 = arith.constant 200 : i32
        %mul3A_947 = arith.muli %add3A, %mul3A_946 : i32
        %add3A_948 = arith.addi %mul3A_947, %add3A_945 : i32
        %dma_wait3A_949 = arith.constant 0 : i32
        %dma_wait3A_950 = tpu.memref_slice %arg3[%add3A_948, %dma_wait3A_949] : memref<6400x128xi32, #tpu.memory_space<hbm>> -> memref<1x128xi32, #tpu.memory_space<hbm>>
        %dma_wait3A_951 = tpu.memref_squeeze %dma_wait3A_950 : memref<1x128xi32, #tpu.memory_space<hbm>> -> memref<128xi32, #tpu.memory_space<hbm>>
        %dma_wait3A_952 = arith.constant 0 : i32
        %dma_wait3A_953 = tpu.memref_slice %arg3[%add3A_948, %dma_wait3A_952] : memref<6400x128xi32, #tpu.memory_space<hbm>> -> memref<1x128xi32, #tpu.memory_space<hbm>>
        %dma_wait3A_954 = tpu.memref_squeeze %dma_wait3A_953 : memref<1x128xi32, #tpu.memory_space<hbm>> -> memref<128xi32, #tpu.memory_space<hbm>>
        tpu.wait_dma2 semaphore(%arg17 : memref<!tpu.dma_semaphore, #tpu.memory_space<semaphore_mem>>) src(%dma_wait3A_954 : memref<128xi32, #tpu.memory_space<hbm>>) dst(%arg7 : memref<128xi32, #tpu.memory_space<vmem>>)
        %get3A_955 = arith.constant 0 : index
        %get3A_956 = tpu.vector_load %arg7[%get3A_955] {strides = array<i32>} : memref<128xi32, #tpu.memory_space<vmem>>, vector<16xi32>,
        %get3A_957 = vector.shape_cast %get3A_956 : vector<16xi32> to vector<16xi32>
        %dma_start3A_958 = arith.constant 0 : i32
        %dma_start3A_959 = arith.constant 0 : i32
        %dma_start3A_960 = tpu.memref_slice %arg11[%dma_start3A_958, %dma_start3A_959] : memref<128x128xf32, #tpu.memory_space<vmem>> -> memref<16x128xf32, #tpu.memory_space<vmem>>
        %dma_start3A_961 = arith.constant 0 : i32
        %dma_start3A_962 = arith.constant 0 : i32
        %dma_start3A_963 = tpu.memref_slice %arg2[%dma_start3A_961, %dma_start3A_962] : memref<1000000x128xf32, #tpu.memory_space<hbm>> -> memref<1000000x128xf32, #tpu.memory_space<hbm>>
        tpu.enqueue_indirect_dma source(%dma_start3A_963 : memref<1000000x128xf32, #tpu.memory_space<hbm>>) target(%dma_start3A_960 : memref<16x128xf32, #tpu.memory_space<vmem>>) offsets(%get3A_957 : vector<16xi32>) semaphore(%arg21 : memref<!tpu.dma_semaphore, #tpu.memory_space<semaphore_mem>>)
        %get3A_964 = arith.constant 16 : index
        %get3A_965 = tpu.vector_load %arg7[%get3A_964] {strides = array<i32>} : memref<128xi32, #tpu.memory_space<vmem>>, vector<16xi32>,
        %get3A_966 = vector.shape_cast %get3A_965 : vector<16xi32> to vector<16xi32>
        %dma_start3A_967 = arith.constant 16 : i32
        %dma_start3A_968 = arith.constant 0 : i32
        %dma_start3A_969 = tpu.memref_slice %arg11[%dma_start3A_967, %dma_start3A_968] : memref<128x128xf32, #tpu.memory_space<vmem>> -> memref<16x128xf32, #tpu.memory_space<vmem>>
        %dma_start3A_970 = arith.constant 0 : i32
        %dma_start3A_971 = arith.constant 0 : i32
        %dma_start3A_972 = tpu.memref_slice %arg2[%dma_start3A_970, %dma_start3A_971] : memref<1000000x128xf32, #tpu.memory_space<hbm>> -> memref<1000000x128xf32, #tpu.memory_space<hbm>>
        tpu.enqueue_indirect_dma source(%dma_start3A_972 : memref<1000000x128xf32, #tpu.memory_space<hbm>>) target(%dma_start3A_969 : memref<16x128xf32, #tpu.memory_space<vmem>>) offsets(%get3A_966 : vector<16xi32>) semaphore(%arg21 : memref<!tpu.dma_semaphore, #tpu.memory_space<semaphore_mem>>)
        %get3A_973 = arith.constant 32 : index
        %get3A_974 = tpu.vector_load %arg7[%get3A_973] {strides = array<i32>} : memref<128xi32, #tpu.memory_space<vmem>>, vector<16xi32>,
        %get3A_975 = vector.shape_cast %get3A_974 : vector<16xi32> to vector<16xi32>
        %dma_start3A_976 = arith.constant 32 : i32
        %dma_start3A_977 = arith.constant 0 : i32
        %dma_start3A_978 = tpu.memref_slice %arg11[%dma_start3A_976, %dma_start3A_977] : memref<128x128xf32, #tpu.memory_space<vmem>> -> memref<16x128xf32, #tpu.memory_space<vmem>>
        %dma_start3A_979 = arith.constant 0 : i32
        %dma_start3A_980 = arith.constant 0 : i32
        %dma_start3A_981 = tpu.memref_slice %arg2[%dma_start3A_979, %dma_start3A_980] : memref<1000000x128xf32, #tpu.memory_space<hbm>> -> memref<1000000x128xf32, #tpu.memory_space<hbm>>
        tpu.enqueue_indirect_dma source(%dma_start3A_981 : memref<1000000x128xf32, #tpu.memory_space<hbm>>) target(%dma_start3A_978 : memref<16x128xf32, #tpu.memory_space<vmem>>) offsets(%get3A_975 : vector<16xi32>) semaphore(%arg21 : memref<!tpu.dma_semaphore, #tpu.memory_space<semaphore_mem>>)
        %get3A_982 = arith.constant 48 : index
        %get3A_983 = tpu.vector_load %arg7[%get3A_982] {strides = array<i32>} : memref<128xi32, #tpu.memory_space<vmem>>, vector<16xi32>,
        %get3A_984 = vector.shape_cast %get3A_983 : vector<16xi32> to vector<16xi32>
        %dma_start3A_985 = arith.constant 48 : i32
        %dma_start3A_986 = arith.constant 0 : i32
        %dma_start3A_987 = tpu.memref_slice %arg11[%dma_start3A_985, %dma_start3A_986] : memref<128x128xf32, #tpu.memory_space<vmem>> -> memref<16x128xf32, #tpu.memory_space<vmem>>
        %dma_start3A_988 = arith.constant 0 : i32
        %dma_start3A_989 = arith.constant 0 : i32
        %dma_start3A_990 = tpu.memref_slice %arg2[%dma_start3A_988, %dma_start3A_989] : memref<1000000x128xf32, #tpu.memory_space<hbm>> -> memref<1000000x128xf32, #tpu.memory_space<hbm>>
        tpu.enqueue_indirect_dma source(%dma_start3A_990 : memref<1000000x128xf32, #tpu.memory_space<hbm>>) target(%dma_start3A_987 : memref<16x128xf32, #tpu.memory_space<vmem>>) offsets(%get3A_984 : vector<16xi32>) semaphore(%arg21 : memref<!tpu.dma_semaphore, #tpu.memory_space<semaphore_mem>>)
        %get3A_991 = arith.constant 64 : index
        %get3A_992 = tpu.vector_load %arg7[%get3A_991] {strides = array<i32>} : memref<128xi32, #tpu.memory_space<vmem>>, vector<16xi32>,
        %get3A_993 = vector.shape_cast %get3A_992 : vector<16xi32> to vector<16xi32>
        %dma_start3A_994 = arith.constant 64 : i32
        %dma_start3A_995 = arith.constant 0 : i32
        %dma_start3A_996 = tpu.memref_slice %arg11[%dma_start3A_994, %dma_start3A_995] : memref<128x128xf32, #tpu.memory_space<vmem>> -> memref<16x128xf32, #tpu.memory_space<vmem>>
        %dma_start3A_997 = arith.constant 0 : i32
        %dma_start3A_998 = arith.constant 0 : i32
        %dma_start3A_999 = tpu.memref_slice %arg2[%dma_start3A_997, %dma_start3A_998] : memref<1000000x128xf32, #tpu.memory_space<hbm>> -> memref<1000000x128xf32, #tpu.memory_space<hbm>>
        tpu.enqueue_indirect_dma source(%dma_start3A_999 : memref<1000000x128xf32, #tpu.memory_space<hbm>>) target(%dma_start3A_996 : memref<16x128xf32, #tpu.memory_space<vmem>>) offsets(%get3A_993 : vector<16xi32>) semaphore(%arg21 : memref<!tpu.dma_semaphore, #tpu.memory_space<semaphore_mem>>)
        %get3A_1000 = arith.constant 80 : index
        %get3A_1001 = tpu.vector_load %arg7[%get3A_1000] {strides = array<i32>} : memref<128xi32, #tpu.memory_space<vmem>>, vector<16xi32>,
        %get3A_1002 = vector.shape_cast %get3A_1001 : vector<16xi32> to vector<16xi32>
        %dma_start3A_1003 = arith.constant 80 : i32
        %dma_start3A_1004 = arith.constant 0 : i32
        %dma_start3A_1005 = tpu.memref_slice %arg11[%dma_start3A_1003, %dma_start3A_1004] : memref<128x128xf32, #tpu.memory_space<vmem>> -> memref<16x128xf32, #tpu.memory_space<vmem>>
        %dma_start3A_1006 = arith.constant 0 : i32
        %dma_start3A_1007 = arith.constant 0 : i32
        %dma_start3A_1008 = tpu.memref_slice %arg2[%dma_start3A_1006, %dma_start3A_1007] : memref<1000000x128xf32, #tpu.memory_space<hbm>> -> memref<1000000x128xf32, #tpu.memory_space<hbm>>
        tpu.enqueue_indirect_dma source(%dma_start3A_1008 : memref<1000000x128xf32, #tpu.memory_space<hbm>>) target(%dma_start3A_1005 : memref<16x128xf32, #tpu.memory_space<vmem>>) offsets(%get3A_1002 : vector<16xi32>) semaphore(%arg21 : memref<!tpu.dma_semaphore, #tpu.memory_space<semaphore_mem>>)
        %get3A_1009 = arith.constant 96 : index
        %get3A_1010 = tpu.vector_load %arg7[%get3A_1009] {strides = array<i32>} : memref<128xi32, #tpu.memory_space<vmem>>, vector<16xi32>,
        %get3A_1011 = vector.shape_cast %get3A_1010 : vector<16xi32> to vector<16xi32>
        %dma_start3A_1012 = arith.constant 96 : i32
        %dma_start3A_1013 = arith.constant 0 : i32
        %dma_start3A_1014 = tpu.memref_slice %arg11[%dma_start3A_1012, %dma_start3A_1013] : memref<128x128xf32, #tpu.memory_space<vmem>> -> memref<16x128xf32, #tpu.memory_space<vmem>>
        %dma_start3A_1015 = arith.constant 0 : i32
        %dma_start3A_1016 = arith.constant 0 : i32
        %dma_start3A_1017 = tpu.memref_slice %arg2[%dma_start3A_1015, %dma_start3A_1016] : memref<1000000x128xf32, #tpu.memory_space<hbm>> -> memref<1000000x128xf32, #tpu.memory_space<hbm>>
        tpu.enqueue_indirect_dma source(%dma_start3A_1017 : memref<1000000x128xf32, #tpu.memory_space<hbm>>) target(%dma_start3A_1014 : memref<16x128xf32, #tpu.memory_space<vmem>>) offsets(%get3A_1011 : vector<16xi32>) semaphore(%arg21 : memref<!tpu.dma_semaphore, #tpu.memory_space<semaphore_mem>>)
        %get3A_1018 = arith.constant 112 : index
        %get3A_1019 = tpu.vector_load %arg7[%get3A_1018] {strides = array<i32>} : memref<128xi32, #tpu.memory_space<vmem>>, vector<16xi32>,
        %get3A_1020 = vector.shape_cast %get3A_1019 : vector<16xi32> to vector<16xi32>
        %dma_start3A_1021 = arith.constant 112 : i32
        %dma_start3A_1022 = arith.constant 0 : i32
        %dma_start3A_1023 = tpu.memref_slice %arg11[%dma_start3A_1021, %dma_start3A_1022] : memref<128x128xf32, #tpu.memory_space<vmem>> -> memref<16x128xf32, #tpu.memory_space<vmem>>
        %dma_start3A_1024 = arith.constant 0 : i32
        %dma_start3A_1025 = arith.constant 0 : i32
        %dma_start3A_1026 = tpu.memref_slice %arg2[%dma_start3A_1024, %dma_start3A_1025] : memref<1000000x128xf32, #tpu.memory_space<hbm>> -> memref<1000000x128xf32, #tpu.memory_space<hbm>>
        tpu.enqueue_indirect_dma source(%dma_start3A_1026 : memref<1000000x128xf32, #tpu.memory_space<hbm>>) target(%dma_start3A_1023 : memref<16x128xf32, #tpu.memory_space<vmem>>) offsets(%get3A_1020 : vector<16xi32>) semaphore(%arg21 : memref<!tpu.dma_semaphore, #tpu.memory_space<semaphore_mem>>)
      } else {
      }
      %lt3A_731 = arith.constant 49 : i32
      %lt3A_732 = arith.cmpi slt, %scan3A_221, %lt3A_731 : i32
      %convert_element_type3A_733 = arith.extui %lt3A_732 : i1 to i32
      %cond3A_734 = arith.constant 0 : i32
      %cond3A_735 = arith.cmpi ne, %convert_element_type3A_733, %cond3A_734 : i32
      scf.if %cond3A_735 {
        %add3A_944 = arith.constant 4 : i32
        %add3A_945 = arith.addi %add3A_653, %add3A_944 : i32
        %mul3A_946 = arith.constant 200 : i32
        %mul3A_947 = arith.muli %add3A, %mul3A_946 : i32
        %add3A_948 = arith.addi %mul3A_947, %add3A_945 : i32
        %dma_start3A_949 = arith.constant 0 : i32
        %dma_start3A_950 = tpu.memref_slice %arg3[%add3A_948, %dma_start3A_949] : memref<6400x128xi32, #tpu.memory_space<hbm>> -> memref<1x128xi32, #tpu.memory_space<hbm>>
        %dma_start3A_951 = tpu.memref_squeeze %dma_start3A_950 : memref<1x128xi32, #tpu.memory_space<hbm>> -> memref<128xi32, #tpu.memory_space<hbm>>
        %dma_start3A_952 = arith.constant 0 : i32
        %dma_start3A_953 = tpu.memref_slice %arg3[%add3A_948, %dma_start3A_952] : memref<6400x128xi32, #tpu.memory_space<hbm>> -> memref<1x128xi32, #tpu.memory_space<hbm>>
        %dma_start3A_954 = tpu.memref_squeeze %dma_start3A_953 : memref<1x128xi32, #tpu.memory_space<hbm>> -> memref<128xi32, #tpu.memory_space<hbm>>
        tpu.enqueue_dma source(%dma_start3A_954 : memref<128xi32, #tpu.memory_space<hbm>>) target(%arg9 : memref<128xi32, #tpu.memory_space<vmem>>) target_semaphore(%arg19 : memref<!tpu.dma_semaphore, #tpu.memory_space<semaphore_mem>>)
      } else {
      }
      %sub3A_736 = arith.constant 2 : i32
      %sub3A_737 = arith.subi %add3A_653, %sub3A_736 : i32
      %mul3A_738 = arith.constant 128 : i32
      %mul3A_739 = arith.muli %sub3A_737, %mul3A_738 : i32
      %add3A_740 = arith.addi %mul3A_2, %mul3A_739 : i32
      %dma_wait3A_741 = arith.constant 0 : i32
      %dma_wait3A_742 = tpu.memref_slice %arg5[%add3A_740, %dma_wait3A_741] : memref<819200x64xf32, #tpu.memory_space<hbm>> -> memref<128x64xf32, #tpu.memory_space<hbm>>
      %dma_wait3A_743 = arith.constant 0 : i32
      %dma_wait3A_744 = tpu.memref_slice %arg5[%add3A_740, %dma_wait3A_743] : memref<819200x64xf32, #tpu.memory_space<hbm>> -> memref<128x64xf32, #tpu.memory_space<hbm>>
      tpu.wait_dma2 semaphore(%arg25 : memref<!tpu.dma_semaphore, #tpu.memory_space<semaphore_mem>>) src(%arg15 : memref<128x64xf32, #tpu.memory_space<vmem>>) dst(%dma_wait3A_744 : memref<128x64xf32, #tpu.memory_space<hbm>>)
      %mul3A_745 = arith.constant 128 : i32
      %mul3A_746 = arith.muli %add3A_653, %mul3A_745 : i32
      %jit3A_747 = arith.constant 200 : i32
      %eq3A_748 = arith.constant 0 : i32
      %eq3A_749 = arith.cmpi eq, %jit3A_747, %eq3A_748 : i32
      %jit3A_750 = arith.constant 1 : i32
      %select_n3A_751 = arith.select %eq3A_749, %jit3A_750, %jit3A_747 : i32
      %rem3A_752 = arith.remsi %mul3A_746, %select_n3A_751 : i32
      %ne3A_753 = arith.constant 0 : i32
      %ne3A_754 = arith.cmpi ne, %rem3A_752, %ne3A_753 : i32
      %lt3A_755 = arith.constant 0 : i32
      %lt3A_756 = arith.cmpi slt, %rem3A_752, %lt3A_755 : i32
      %lt3A_757 = arith.constant 0 : i32
      %lt3A_758 = arith.cmpi slt, %select_n3A_751, %lt3A_757 : i32
      %ne3A_759 = arith.xori %lt3A_756, %lt3A_758 : i1
      %and3A_760 = arith.andi %ne3A_759, %ne3A_754 : i1
      %add3A_761 = arith.addi %rem3A_752, %select_n3A_751 : i32
      %select_n3A_762 = arith.select %and3A_760, %add3A_761, %rem3A_752 : i32
      %jit3A_763 = arith.constant 2 : i32
      %div3A_764 = arith.divsi %select_n3A_762, %jit3A_763 : i32
      %sign3A_765 = arith.constant 0 : i32
      %sign3A_766 = arith.cmpi sgt, %select_n3A_762, %sign3A_765 : i32
      %sign3A_767 = arith.extui %sign3A_766 : i1 to i32
      %sign3A_768 = arith.constant 0 : i32
      %sign3A_769 = arith.cmpi slt, %select_n3A_762, %sign3A_768 : i32
      %sign3A_770 = arith.extui %sign3A_769 : i1 to i32
      %sign3A_771 = arith.subi %sign3A_767, %sign3A_770 : i32
      %sign3A_772 = arith.constant 0 : i32
      %sign3A_773 = arith.cmpi sgt, %jit3A_763, %sign3A_772 : i32
      %sign3A_774 = arith.extui %sign3A_773 : i1 to i32
      %sign3A_775 = arith.constant 0 : i32
      %sign3A_776 = arith.cmpi slt, %jit3A_763, %sign3A_775 : i32
      %sign3A_777 = arith.extui %sign3A_776 : i1 to i32
      %sign3A_778 = arith.subi %sign3A_774, %sign3A_777 : i32
      %ne3A_779 = arith.cmpi ne, %sign3A_771, %sign3A_778 : i32
      %rem3A_780 = arith.remsi %select_n3A_762, %jit3A_763 : i32
      %ne3A_781 = arith.constant 0 : i32
      %ne3A_782 = arith.cmpi ne, %rem3A_780, %ne3A_781 : i32
      %and3A_783 = arith.andi %ne3A_779, %ne3A_782 : i1
      %sub3A_784 = arith.constant 1 : i32
      %sub3A_785 = arith.subi %div3A_764, %sub3A_784 : i32
      %select_n3A_786 = arith.select %and3A_783, %sub3A_785, %div3A_764 : i32
      %parallel_loop3A_787 = arith.constant 0 : i32
      %parallel_loop3A_788 = arith.constant 64 : i32
      %parallel_loop3A_789 = arith.constant 1 : i32
      scf.for %parallel_loop3A_944 = %parallel_loop3A_787 to %parallel_loop3A_788 step %parallel_loop3A_789  : i32 {
        %parallel_loop3A_945 = arith.addi %select_n3A_786, %parallel_loop3A_944 : i32
        %parallel_loop3A_946 = arith.constant 2 : i32
        %parallel_loop3A_947 = arith.muli %parallel_loop3A_946, %parallel_loop3A_944 : i32
        %parallel_loop3A_948 = arith.index_cast %parallel_loop3A_947 : i32 to index
        %parallel_loop3A_949 = arith.constant 0 : index
        %parallel_loop3A_950 = tpu.vector_load %arg13[%parallel_loop3A_948, %parallel_loop3A_949] {strides = array<i32>} : memref<128x128xf32, #tpu.memory_space<vmem>>, vector<1x16xf32>,
        %parallel_loop3A_951 = vector.shape_cast %parallel_loop3A_950 : vector<1x16xf32> to vector<16xf32>
        %parallel_loop3A_952 = arith.index_cast %parallel_loop3A_945 : i32 to index
        %parallel_loop3A_953 = arith.constant 0 : index
        %parallel_loop3A_954 = tpu.vector_load %arg6[%parallel_loop3A_952, %parallel_loop3A_953] {strides = array<i32>} : memref<160x128xf32, #tpu.memory_space<vmem>>, vector<1x16xf32>,
        %parallel_loop3A_955 = vector.shape_cast %parallel_loop3A_954 : vector<1x16xf32> to vector<16xf32>
        %parallel_loop3A_956 = arith.addf %parallel_loop3A_951, %parallel_loop3A_955 : vector<16xf32>
        %parallel_loop3A_957 = arith.constant 2 : i32
        %parallel_loop3A_958 = arith.muli %parallel_loop3A_957, %parallel_loop3A_944 : i32
        %parallel_loop3A_959 = arith.index_cast %parallel_loop3A_958 : i32 to index
        %parallel_loop3A_960 = arith.constant 0 : index
        %parallel_loop3A_961 = tpu.vector_load %arg15[%parallel_loop3A_959, %parallel_loop3A_960] {strides = array<i32>} : memref<128x64xf32, #tpu.memory_space<vmem>>, vector<1x16xf32>,
        %parallel_loop3A_962 = vector.shape_cast %parallel_loop3A_961 : vector<1x16xf32> to vector<16xf32>
        %parallel_loop3A_963 = vector.shape_cast %parallel_loop3A_956 : vector<16xf32> to vector<1x16xf32>
        tpu.vector_store %arg15[%parallel_loop3A_959, %parallel_loop3A_960], %parallel_loop3A_963 {strides = array<i32>} : memref<128x64xf32, #tpu.memory_space<vmem>>, vector<1x16xf32>,
        %parallel_loop3A_964 = arith.constant 2 : i32
        %parallel_loop3A_965 = arith.muli %parallel_loop3A_964, %parallel_loop3A_944 : i32
        %parallel_loop3A_966 = arith.constant 1 : i32
        %parallel_loop3A_967 = arith.addi %parallel_loop3A_965, %parallel_loop3A_966 : i32
        %parallel_loop3A_968 = arith.index_cast %parallel_loop3A_967 : i32 to index
        %parallel_loop3A_969 = arith.constant 0 : index
        %parallel_loop3A_970 = tpu.vector_load %arg13[%parallel_loop3A_968, %parallel_loop3A_969] {strides = array<i32>} : memref<128x128xf32, #tpu.memory_space<vmem>>, vector<1x16xf32>,
        %parallel_loop3A_971 = vector.shape_cast %parallel_loop3A_970 : vector<1x16xf32> to vector<16xf32>
        %parallel_loop3A_972 = arith.index_cast %parallel_loop3A_945 : i32 to index
        %parallel_loop3A_973 = arith.constant 64 : index
        %parallel_loop3A_974 = tpu.vector_load %arg6[%parallel_loop3A_972, %parallel_loop3A_973] {strides = array<i32>} : memref<160x128xf32, #tpu.memory_space<vmem>>, vector<1x16xf32>,
        %parallel_loop3A_975 = vector.shape_cast %parallel_loop3A_974 : vector<1x16xf32> to vector<16xf32>
        %parallel_loop3A_976 = arith.addf %parallel_loop3A_971, %parallel_loop3A_975 : vector<16xf32>
        %parallel_loop3A_977 = arith.constant 2 : i32
        %parallel_loop3A_978 = arith.muli %parallel_loop3A_977, %parallel_loop3A_944 : i32
        %parallel_loop3A_979 = arith.constant 1 : i32
        %parallel_loop3A_980 = arith.addi %parallel_loop3A_978, %parallel_loop3A_979 : i32
        %parallel_loop3A_981 = arith.index_cast %parallel_loop3A_980 : i32 to index
        %parallel_loop3A_982 = arith.constant 0 : index
        %parallel_loop3A_983 = tpu.vector_load %arg15[%parallel_loop3A_981, %parallel_loop3A_982] {strides = array<i32>} : memref<128x64xf32, #tpu.memory_space<vmem>>, vector<1x16xf32>,
        %parallel_loop3A_984 = vector.shape_cast %parallel_loop3A_983 : vector<1x16xf32> to vector<16xf32>
        %parallel_loop3A_985 = vector.shape_cast %parallel_loop3A_976 : vector<16xf32> to vector<1x16xf32>
        tpu.vector_store %arg15[%parallel_loop3A_981, %parallel_loop3A_982], %parallel_loop3A_985 {strides = array<i32>} : memref<128x64xf32, #tpu.memory_space<vmem>>, vector<1x16xf32>,
        %parallel_loop3A_986 = arith.constant 2 : i32
        %parallel_loop3A_987 = arith.muli %parallel_loop3A_986, %parallel_loop3A_944 : i32
        %parallel_loop3A_988 = arith.index_cast %parallel_loop3A_987 : i32 to index
        %parallel_loop3A_989 = arith.constant 16 : index
        %parallel_loop3A_990 = tpu.vector_load %arg13[%parallel_loop3A_988, %parallel_loop3A_989] {strides = array<i32>} : memref<128x128xf32, #tpu.memory_space<vmem>>, vector<1x16xf32>,
        %parallel_loop3A_991 = vector.shape_cast %parallel_loop3A_990 : vector<1x16xf32> to vector<16xf32>
        %parallel_loop3A_992 = arith.index_cast %parallel_loop3A_945 : i32 to index
        %parallel_loop3A_993 = arith.constant 16 : index
        %parallel_loop3A_994 = tpu.vector_load %arg6[%parallel_loop3A_992, %parallel_loop3A_993] {strides = array<i32>} : memref<160x128xf32, #tpu.memory_space<vmem>>, vector<1x16xf32>,
        %parallel_loop3A_995 = vector.shape_cast %parallel_loop3A_994 : vector<1x16xf32> to vector<16xf32>
        %parallel_loop3A_996 = arith.addf %parallel_loop3A_991, %parallel_loop3A_995 : vector<16xf32>
        %parallel_loop3A_997 = arith.constant 2 : i32
        %parallel_loop3A_998 = arith.muli %parallel_loop3A_997, %parallel_loop3A_944 : i32
        %parallel_loop3A_999 = arith.index_cast %parallel_loop3A_998 : i32 to index
        %parallel_loop3A_1000 = arith.constant 16 : index
        %parallel_loop3A_1001 = tpu.vector_load %arg15[%parallel_loop3A_999, %parallel_loop3A_1000] {strides = array<i32>} : memref<128x64xf32, #tpu.memory_space<vmem>>, vector<1x16xf32>,
        %parallel_loop3A_1002 = vector.shape_cast %parallel_loop3A_1001 : vector<1x16xf32> to vector<16xf32>
        %parallel_loop3A_1003 = vector.shape_cast %parallel_loop3A_996 : vector<16xf32> to vector<1x16xf32>
        tpu.vector_store %arg15[%parallel_loop3A_999, %parallel_loop3A_1000], %parallel_loop3A_1003 {strides = array<i32>} : memref<128x64xf32, #tpu.memory_space<vmem>>, vector<1x16xf32>,
        %parallel_loop3A_1004 = arith.constant 2 : i32
        %parallel_loop3A_1005 = arith.muli %parallel_loop3A_1004, %parallel_loop3A_944 : i32
        %parallel_loop3A_1006 = arith.constant 1 : i32
        %parallel_loop3A_1007 = arith.addi %parallel_loop3A_1005, %parallel_loop3A_1006 : i32
        %parallel_loop3A_1008 = arith.index_cast %parallel_loop3A_1007 : i32 to index
        %parallel_loop3A_1009 = arith.constant 16 : index
        %parallel_loop3A_1010 = tpu.vector_load %arg13[%parallel_loop3A_1008, %parallel_loop3A_1009] {strides = array<i32>} : memref<128x128xf32, #tpu.memory_space<vmem>>, vector<1x16xf32>,
        %parallel_loop3A_1011 = vector.shape_cast %parallel_loop3A_1010 : vector<1x16xf32> to vector<16xf32>
        %parallel_loop3A_1012 = arith.index_cast %parallel_loop3A_945 : i32 to index
        %parallel_loop3A_1013 = arith.constant 80 : index
        %parallel_loop3A_1014 = tpu.vector_load %arg6[%parallel_loop3A_1012, %parallel_loop3A_1013] {strides = array<i32>} : memref<160x128xf32, #tpu.memory_space<vmem>>, vector<1x16xf32>,
        %parallel_loop3A_1015 = vector.shape_cast %parallel_loop3A_1014 : vector<1x16xf32> to vector<16xf32>
        %parallel_loop3A_1016 = arith.addf %parallel_loop3A_1011, %parallel_loop3A_1015 : vector<16xf32>
        %parallel_loop3A_1017 = arith.constant 2 : i32
        %parallel_loop3A_1018 = arith.muli %parallel_loop3A_1017, %parallel_loop3A_944 : i32
        %parallel_loop3A_1019 = arith.constant 1 : i32
        %parallel_loop3A_1020 = arith.addi %parallel_loop3A_1018, %parallel_loop3A_1019 : i32
        %parallel_loop3A_1021 = arith.index_cast %parallel_loop3A_1020 : i32 to index
        %parallel_loop3A_1022 = arith.constant 16 : index
        %parallel_loop3A_1023 = tpu.vector_load %arg15[%parallel_loop3A_1021, %parallel_loop3A_1022] {strides = array<i32>} : memref<128x64xf32, #tpu.memory_space<vmem>>, vector<1x16xf32>,
        %parallel_loop3A_1024 = vector.shape_cast %parallel_loop3A_1023 : vector<1x16xf32> to vector<16xf32>
        %parallel_loop3A_1025 = vector.shape_cast %parallel_loop3A_1016 : vector<16xf32> to vector<1x16xf32>
        tpu.vector_store %arg15[%parallel_loop3A_1021, %parallel_loop3A_1022], %parallel_loop3A_1025 {strides = array<i32>} : memref<128x64xf32, #tpu.memory_space<vmem>>, vector<1x16xf32>,
        %parallel_loop3A_1026 = arith.constant 2 : i32
        %parallel_loop3A_1027 = arith.muli %parallel_loop3A_1026, %parallel_loop3A_944 : i32
        %parallel_loop3A_1028 = arith.index_cast %parallel_loop3A_1027 : i32 to index
        %parallel_loop3A_1029 = arith.constant 32 : index
        %parallel_loop3A_1030 = tpu.vector_load %arg13[%parallel_loop3A_1028, %parallel_loop3A_1029] {strides = array<i32>} : memref<128x128xf32, #tpu.memory_space<vmem>>, vector<1x16xf32>,
        %parallel_loop3A_1031 = vector.shape_cast %parallel_loop3A_1030 : vector<1x16xf32> to vector<16xf32>
        %parallel_loop3A_1032 = arith.index_cast %parallel_loop3A_945 : i32 to index
        %parallel_loop3A_1033 = arith.constant 32 : index
        %parallel_loop3A_1034 = tpu.vector_load %arg6[%parallel_loop3A_1032, %parallel_loop3A_1033] {strides = array<i32>} : memref<160x128xf32, #tpu.memory_space<vmem>>, vector<1x16xf32>,
        %parallel_loop3A_1035 = vector.shape_cast %parallel_loop3A_1034 : vector<1x16xf32> to vector<16xf32>
        %parallel_loop3A_1036 = arith.addf %parallel_loop3A_1031, %parallel_loop3A_1035 : vector<16xf32>
        %parallel_loop3A_1037 = arith.constant 2 : i32
        %parallel_loop3A_1038 = arith.muli %parallel_loop3A_1037, %parallel_loop3A_944 : i32
        %parallel_loop3A_1039 = arith.index_cast %parallel_loop3A_1038 : i32 to index
        %parallel_loop3A_1040 = arith.constant 32 : index
        %parallel_loop3A_1041 = tpu.vector_load %arg15[%parallel_loop3A_1039, %parallel_loop3A_1040] {strides = array<i32>} : memref<128x64xf32, #tpu.memory_space<vmem>>, vector<1x16xf32>,
        %parallel_loop3A_1042 = vector.shape_cast %parallel_loop3A_1041 : vector<1x16xf32> to vector<16xf32>
        %parallel_loop3A_1043 = vector.shape_cast %parallel_loop3A_1036 : vector<16xf32> to vector<1x16xf32>
        tpu.vector_store %arg15[%parallel_loop3A_1039, %parallel_loop3A_1040], %parallel_loop3A_1043 {strides = array<i32>} : memref<128x64xf32, #tpu.memory_space<vmem>>, vector<1x16xf32>,
        %parallel_loop3A_1044 = arith.constant 2 : i32
        %parallel_loop3A_1045 = arith.muli %parallel_loop3A_1044, %parallel_loop3A_944 : i32
        %parallel_loop3A_1046 = arith.constant 1 : i32
        %parallel_loop3A_1047 = arith.addi %parallel_loop3A_1045, %parallel_loop3A_1046 : i32
        %parallel_loop3A_1048 = arith.index_cast %parallel_loop3A_1047 : i32 to index
        %parallel_loop3A_1049 = arith.constant 32 : index
        %parallel_loop3A_1050 = tpu.vector_load %arg13[%parallel_loop3A_1048, %parallel_loop3A_1049] {strides = array<i32>} : memref<128x128xf32, #tpu.memory_space<vmem>>, vector<1x16xf32>,
        %parallel_loop3A_1051 = vector.shape_cast %parallel_loop3A_1050 : vector<1x16xf32> to vector<16xf32>
        %parallel_loop3A_1052 = arith.index_cast %parallel_loop3A_945 : i32 to index
        %parallel_loop3A_1053 = arith.constant 96 : index
        %parallel_loop3A_1054 = tpu.vector_load %arg6[%parallel_loop3A_1052, %parallel_loop3A_1053] {strides = array<i32>} : memref<160x128xf32, #tpu.memory_space<vmem>>, vector<1x16xf32>,
        %parallel_loop3A_1055 = vector.shape_cast %parallel_loop3A_1054 : vector<1x16xf32> to vector<16xf32>
        %parallel_loop3A_1056 = arith.addf %parallel_loop3A_1051, %parallel_loop3A_1055 : vector<16xf32>
        %parallel_loop3A_1057 = arith.constant 2 : i32
        %parallel_loop3A_1058 = arith.muli %parallel_loop3A_1057, %parallel_loop3A_944 : i32
        %parallel_loop3A_1059 = arith.constant 1 : i32
        %parallel_loop3A_1060 = arith.addi %parallel_loop3A_1058, %parallel_loop3A_1059 : i32
        %parallel_loop3A_1061 = arith.index_cast %parallel_loop3A_1060 : i32 to index
        %parallel_loop3A_1062 = arith.constant 32 : index
        %parallel_loop3A_1063 = tpu.vector_load %arg15[%parallel_loop3A_1061, %parallel_loop3A_1062] {strides = array<i32>} : memref<128x64xf32, #tpu.memory_space<vmem>>, vector<1x16xf32>,
        %parallel_loop3A_1064 = vector.shape_cast %parallel_loop3A_1063 : vector<1x16xf32> to vector<16xf32>
        %parallel_loop3A_1065 = vector.shape_cast %parallel_loop3A_1056 : vector<16xf32> to vector<1x16xf32>
        tpu.vector_store %arg15[%parallel_loop3A_1061, %parallel_loop3A_1062], %parallel_loop3A_1065 {strides = array<i32>} : memref<128x64xf32, #tpu.memory_space<vmem>>, vector<1x16xf32>,
        %parallel_loop3A_1066 = arith.constant 2 : i32
        %parallel_loop3A_1067 = arith.muli %parallel_loop3A_1066, %parallel_loop3A_944 : i32
        %parallel_loop3A_1068 = arith.index_cast %parallel_loop3A_1067 : i32 to index
        %parallel_loop3A_1069 = arith.constant 48 : index
        %parallel_loop3A_1070 = tpu.vector_load %arg13[%parallel_loop3A_1068, %parallel_loop3A_1069] {strides = array<i32>} : memref<128x128xf32, #tpu.memory_space<vmem>>, vector<1x16xf32>,
        %parallel_loop3A_1071 = vector.shape_cast %parallel_loop3A_1070 : vector<1x16xf32> to vector<16xf32>
        %parallel_loop3A_1072 = arith.index_cast %parallel_loop3A_945 : i32 to index
        %parallel_loop3A_1073 = arith.constant 48 : index
        %parallel_loop3A_1074 = tpu.vector_load %arg6[%parallel_loop3A_1072, %parallel_loop3A_1073] {strides = array<i32>} : memref<160x128xf32, #tpu.memory_space<vmem>>, vector<1x16xf32>,
        %parallel_loop3A_1075 = vector.shape_cast %parallel_loop3A_1074 : vector<1x16xf32> to vector<16xf32>
        %parallel_loop3A_1076 = arith.addf %parallel_loop3A_1071, %parallel_loop3A_1075 : vector<16xf32>
        %parallel_loop3A_1077 = arith.constant 2 : i32
        %parallel_loop3A_1078 = arith.muli %parallel_loop3A_1077, %parallel_loop3A_944 : i32
        %parallel_loop3A_1079 = arith.index_cast %parallel_loop3A_1078 : i32 to index
        %parallel_loop3A_1080 = arith.constant 48 : index
        %parallel_loop3A_1081 = tpu.vector_load %arg15[%parallel_loop3A_1079, %parallel_loop3A_1080] {strides = array<i32>} : memref<128x64xf32, #tpu.memory_space<vmem>>, vector<1x16xf32>,
        %parallel_loop3A_1082 = vector.shape_cast %parallel_loop3A_1081 : vector<1x16xf32> to vector<16xf32>
        %parallel_loop3A_1083 = vector.shape_cast %parallel_loop3A_1076 : vector<16xf32> to vector<1x16xf32>
        tpu.vector_store %arg15[%parallel_loop3A_1079, %parallel_loop3A_1080], %parallel_loop3A_1083 {strides = array<i32>} : memref<128x64xf32, #tpu.memory_space<vmem>>, vector<1x16xf32>,
        %parallel_loop3A_1084 = arith.constant 2 : i32
        %parallel_loop3A_1085 = arith.muli %parallel_loop3A_1084, %parallel_loop3A_944 : i32
        %parallel_loop3A_1086 = arith.constant 1 : i32
        %parallel_loop3A_1087 = arith.addi %parallel_loop3A_1085, %parallel_loop3A_1086 : i32
        %parallel_loop3A_1088 = arith.index_cast %parallel_loop3A_1087 : i32 to index
        %parallel_loop3A_1089 = arith.constant 48 : index
        %parallel_loop3A_1090 = tpu.vector_load %arg13[%parallel_loop3A_1088, %parallel_loop3A_1089] {strides = array<i32>} : memref<128x128xf32, #tpu.memory_space<vmem>>, vector<1x16xf32>,
        %parallel_loop3A_1091 = vector.shape_cast %parallel_loop3A_1090 : vector<1x16xf32> to vector<16xf32>
        %parallel_loop3A_1092 = arith.index_cast %parallel_loop3A_945 : i32 to index
        %parallel_loop3A_1093 = arith.constant 112 : index
        %parallel_loop3A_1094 = tpu.vector_load %arg6[%parallel_loop3A_1092, %parallel_loop3A_1093] {strides = array<i32>} : memref<160x128xf32, #tpu.memory_space<vmem>>, vector<1x16xf32>,
        %parallel_loop3A_1095 = vector.shape_cast %parallel_loop3A_1094 : vector<1x16xf32> to vector<16xf32>
        %parallel_loop3A_1096 = arith.addf %parallel_loop3A_1091, %parallel_loop3A_1095 : vector<16xf32>
        %parallel_loop3A_1097 = arith.constant 2 : i32
        %parallel_loop3A_1098 = arith.muli %parallel_loop3A_1097, %parallel_loop3A_944 : i32
        %parallel_loop3A_1099 = arith.constant 1 : i32
        %parallel_loop3A_1100 = arith.addi %parallel_loop3A_1098, %parallel_loop3A_1099 : i32
        %parallel_loop3A_1101 = arith.index_cast %parallel_loop3A_1100 : i32 to index
        %parallel_loop3A_1102 = arith.constant 48 : index
        %parallel_loop3A_1103 = tpu.vector_load %arg15[%parallel_loop3A_1101, %parallel_loop3A_1102] {strides = array<i32>} : memref<128x64xf32, #tpu.memory_space<vmem>>, vector<1x16xf32>,
        %parallel_loop3A_1104 = vector.shape_cast %parallel_loop3A_1103 : vector<1x16xf32> to vector<16xf32>
        %parallel_loop3A_1105 = vector.shape_cast %parallel_loop3A_1096 : vector<16xf32> to vector<1x16xf32>
        tpu.vector_store %arg15[%parallel_loop3A_1101, %parallel_loop3A_1102], %parallel_loop3A_1105 {strides = array<i32>} : memref<128x64xf32, #tpu.memory_space<vmem>>, vector<1x16xf32>,
      } {sc.loop_unroll_factor = 4 : i64, sc.parallel_access}
      %mul3A_790 = arith.constant 128 : i32
      %mul3A_791 = arith.muli %add3A_653, %mul3A_790 : i32
      %add3A_792 = arith.addi %mul3A_2, %mul3A_791 : i32
      %dma_start3A_793 = arith.constant 0 : i32
      %dma_start3A_794 = tpu.memref_slice %arg5[%add3A_792, %dma_start3A_793] : memref<819200x64xf32, #tpu.memory_space<hbm>> -> memref<128x64xf32, #tpu.memory_space<hbm>>
      %dma_start3A_795 = arith.constant 0 : i32
      %dma_start3A_796 = tpu.memref_slice %arg5[%add3A_792, %dma_start3A_795] : memref<819200x64xf32, #tpu.memory_space<hbm>> -> memref<128x64xf32, #tpu.memory_space<hbm>>
      tpu.enqueue_dma source(%arg15 : memref<128x64xf32, #tpu.memory_space<vmem>>) target(%dma_start3A_796 : memref<128x64xf32, #tpu.memory_space<hbm>>) target_semaphore(%arg25 : memref<!tpu.dma_semaphore, #tpu.memory_space<semaphore_mem>>)
      %mul3A_797 = arith.constant 4 : i32
      %mul3A_798 = arith.muli %scan3A_221, %mul3A_797 : i32
      %add3A_799 = arith.constant 3 : i32
      %add3A_800 = arith.addi %mul3A_798, %add3A_799 : i32
      %get3A_801 = arith.constant 0 : index
      %get3A_802 = tpu.vector_load %arg10[%get3A_801] {strides = array<i32>} : memref<128xi32, #tpu.memory_space<vmem>>, vector<16xi32>,
      %get3A_803 = vector.shape_cast %get3A_802 : vector<16xi32> to vector<16xi32>
      %dma_wait3A_804 = arith.constant 0 : i32
      %dma_wait3A_805 = arith.constant 0 : i32
      %dma_wait3A_806 = tpu.memref_slice %arg14[%dma_wait3A_804, %dma_wait3A_805] : memref<128x128xf32, #tpu.memory_space<vmem>> -> memref<16x128xf32, #tpu.memory_space<vmem>>
      %dma_wait3A_807 = arith.constant 0 : i32
      %dma_wait3A_808 = arith.constant 0 : i32
      %dma_wait3A_809 = tpu.memref_slice %arg2[%dma_wait3A_807, %dma_wait3A_808] : memref<1000000x128xf32, #tpu.memory_space<hbm>> -> memref<1000000x128xf32, #tpu.memory_space<hbm>>
      tpu.wait_indirect_dma semaphore(%arg24 : memref<!tpu.dma_semaphore, #tpu.memory_space<semaphore_mem>>) src(%dma_wait3A_809 : memref<1000000x128xf32, #tpu.memory_space<hbm>>) dst(%dma_wait3A_806 : memref<16x128xf32, #tpu.memory_space<vmem>>)
      %get3A_810 = arith.constant 16 : index
      %get3A_811 = tpu.vector_load %arg10[%get3A_810] {strides = array<i32>} : memref<128xi32, #tpu.memory_space<vmem>>, vector<16xi32>,
      %get3A_812 = vector.shape_cast %get3A_811 : vector<16xi32> to vector<16xi32>
      %dma_wait3A_813 = arith.constant 16 : i32
      %dma_wait3A_814 = arith.constant 0 : i32
      %dma_wait3A_815 = tpu.memref_slice %arg14[%dma_wait3A_813, %dma_wait3A_814] : memref<128x128xf32, #tpu.memory_space<vmem>> -> memref<16x128xf32, #tpu.memory_space<vmem>>
      %dma_wait3A_816 = arith.constant 0 : i32
      %dma_wait3A_817 = arith.constant 0 : i32
      %dma_wait3A_818 = tpu.memref_slice %arg2[%dma_wait3A_816, %dma_wait3A_817] : memref<1000000x128xf32, #tpu.memory_space<hbm>> -> memref<1000000x128xf32, #tpu.memory_space<hbm>>
      tpu.wait_indirect_dma semaphore(%arg24 : memref<!tpu.dma_semaphore, #tpu.memory_space<semaphore_mem>>) src(%dma_wait3A_818 : memref<1000000x128xf32, #tpu.memory_space<hbm>>) dst(%dma_wait3A_815 : memref<16x128xf32, #tpu.memory_space<vmem>>)
      %get3A_819 = arith.constant 32 : index
      %get3A_820 = tpu.vector_load %arg10[%get3A_819] {strides = array<i32>} : memref<128xi32, #tpu.memory_space<vmem>>, vector<16xi32>,
      %get3A_821 = vector.shape_cast %get3A_820 : vector<16xi32> to vector<16xi32>
      %dma_wait3A_822 = arith.constant 32 : i32
      %dma_wait3A_823 = arith.constant 0 : i32
      %dma_wait3A_824 = tpu.memref_slice %arg14[%dma_wait3A_822, %dma_wait3A_823] : memref<128x128xf32, #tpu.memory_space<vmem>> -> memref<16x128xf32, #tpu.memory_space<vmem>>
      %dma_wait3A_825 = arith.constant 0 : i32
      %dma_wait3A_826 = arith.constant 0 : i32
      %dma_wait3A_827 = tpu.memref_slice %arg2[%dma_wait3A_825, %dma_wait3A_826] : memref<1000000x128xf32, #tpu.memory_space<hbm>> -> memref<1000000x128xf32, #tpu.memory_space<hbm>>
      tpu.wait_indirect_dma semaphore(%arg24 : memref<!tpu.dma_semaphore, #tpu.memory_space<semaphore_mem>>) src(%dma_wait3A_827 : memref<1000000x128xf32, #tpu.memory_space<hbm>>) dst(%dma_wait3A_824 : memref<16x128xf32, #tpu.memory_space<vmem>>)
      %get3A_828 = arith.constant 48 : index
      %get3A_829 = tpu.vector_load %arg10[%get3A_828] {strides = array<i32>} : memref<128xi32, #tpu.memory_space<vmem>>, vector<16xi32>,
      %get3A_830 = vector.shape_cast %get3A_829 : vector<16xi32> to vector<16xi32>
      %dma_wait3A_831 = arith.constant 48 : i32
      %dma_wait3A_832 = arith.constant 0 : i32
      %dma_wait3A_833 = tpu.memref_slice %arg14[%dma_wait3A_831, %dma_wait3A_832] : memref<128x128xf32, #tpu.memory_space<vmem>> -> memref<16x128xf32, #tpu.memory_space<vmem>>
      %dma_wait3A_834 = arith.constant 0 : i32
      %dma_wait3A_835 = arith.constant 0 : i32
      %dma_wait3A_836 = tpu.memref_slice %arg2[%dma_wait3A_834, %dma_wait3A_835] : memref<1000000x128xf32, #tpu.memory_space<hbm>> -> memref<1000000x128xf32, #tpu.memory_space<hbm>>
      tpu.wait_indirect_dma semaphore(%arg24 : memref<!tpu.dma_semaphore, #tpu.memory_space<semaphore_mem>>) src(%dma_wait3A_836 : memref<1000000x128xf32, #tpu.memory_space<hbm>>) dst(%dma_wait3A_833 : memref<16x128xf32, #tpu.memory_space<vmem>>)
      %get3A_837 = arith.constant 64 : index
      %get3A_838 = tpu.vector_load %arg10[%get3A_837] {strides = array<i32>} : memref<128xi32, #tpu.memory_space<vmem>>, vector<16xi32>,
      %get3A_839 = vector.shape_cast %get3A_838 : vector<16xi32> to vector<16xi32>
      %dma_wait3A_840 = arith.constant 64 : i32
      %dma_wait3A_841 = arith.constant 0 : i32
      %dma_wait3A_842 = tpu.memref_slice %arg14[%dma_wait3A_840, %dma_wait3A_841] : memref<128x128xf32, #tpu.memory_space<vmem>> -> memref<16x128xf32, #tpu.memory_space<vmem>>
      %dma_wait3A_843 = arith.constant 0 : i32
      %dma_wait3A_844 = arith.constant 0 : i32
      %dma_wait3A_845 = tpu.memref_slice %arg2[%dma_wait3A_843, %dma_wait3A_844] : memref<1000000x128xf32, #tpu.memory_space<hbm>> -> memref<1000000x128xf32, #tpu.memory_space<hbm>>
      tpu.wait_indirect_dma semaphore(%arg24 : memref<!tpu.dma_semaphore, #tpu.memory_space<semaphore_mem>>) src(%dma_wait3A_845 : memref<1000000x128xf32, #tpu.memory_space<hbm>>) dst(%dma_wait3A_842 : memref<16x128xf32, #tpu.memory_space<vmem>>)
      %get3A_846 = arith.constant 80 : index
      %get3A_847 = tpu.vector_load %arg10[%get3A_846] {strides = array<i32>} : memref<128xi32, #tpu.memory_space<vmem>>, vector<16xi32>,
      %get3A_848 = vector.shape_cast %get3A_847 : vector<16xi32> to vector<16xi32>
      %dma_wait3A_849 = arith.constant 80 : i32
      %dma_wait3A_850 = arith.constant 0 : i32
      %dma_wait3A_851 = tpu.memref_slice %arg14[%dma_wait3A_849, %dma_wait3A_850] : memref<128x128xf32, #tpu.memory_space<vmem>> -> memref<16x128xf32, #tpu.memory_space<vmem>>
      %dma_wait3A_852 = arith.constant 0 : i32
      %dma_wait3A_853 = arith.constant 0 : i32
      %dma_wait3A_854 = tpu.memref_slice %arg2[%dma_wait3A_852, %dma_wait3A_853] : memref<1000000x128xf32, #tpu.memory_space<hbm>> -> memref<1000000x128xf32, #tpu.memory_space<hbm>>
      tpu.wait_indirect_dma semaphore(%arg24 : memref<!tpu.dma_semaphore, #tpu.memory_space<semaphore_mem>>) src(%dma_wait3A_854 : memref<1000000x128xf32, #tpu.memory_space<hbm>>) dst(%dma_wait3A_851 : memref<16x128xf32, #tpu.memory_space<vmem>>)
      %get3A_855 = arith.constant 96 : index
      %get3A_856 = tpu.vector_load %arg10[%get3A_855] {strides = array<i32>} : memref<128xi32, #tpu.memory_space<vmem>>, vector<16xi32>,
      %get3A_857 = vector.shape_cast %get3A_856 : vector<16xi32> to vector<16xi32>
      %dma_wait3A_858 = arith.constant 96 : i32
      %dma_wait3A_859 = arith.constant 0 : i32
      %dma_wait3A_860 = tpu.memref_slice %arg14[%dma_wait3A_858, %dma_wait3A_859] : memref<128x128xf32, #tpu.memory_space<vmem>> -> memref<16x128xf32, #tpu.memory_space<vmem>>
      %dma_wait3A_861 = arith.constant 0 : i32
      %dma_wait3A_862 = arith.constant 0 : i32
      %dma_wait3A_863 = tpu.memref_slice %arg2[%dma_wait3A_861, %dma_wait3A_862] : memref<1000000x128xf32, #tpu.memory_space<hbm>> -> memref<1000000x128xf32, #tpu.memory_space<hbm>>
      tpu.wait_indirect_dma semaphore(%arg24 : memref<!tpu.dma_semaphore, #tpu.memory_space<semaphore_mem>>) src(%dma_wait3A_863 : memref<1000000x128xf32, #tpu.memory_space<hbm>>) dst(%dma_wait3A_860 : memref<16x128xf32, #tpu.memory_space<vmem>>)
      %get3A_864 = arith.constant 112 : index
      %get3A_865 = tpu.vector_load %arg10[%get3A_864] {strides = array<i32>} : memref<128xi32, #tpu.memory_space<vmem>>, vector<16xi32>,
      %get3A_866 = vector.shape_cast %get3A_865 : vector<16xi32> to vector<16xi32>
      %dma_wait3A_867 = arith.constant 112 : i32
      %dma_wait3A_868 = arith.constant 0 : i32
      %dma_wait3A_869 = tpu.memref_slice %arg14[%dma_wait3A_867, %dma_wait3A_868] : memref<128x128xf32, #tpu.memory_space<vmem>> -> memref<16x128xf32, #tpu.memory_space<vmem>>
      %dma_wait3A_870 = arith.constant 0 : i32
      %dma_wait3A_871 = arith.constant 0 : i32
      %dma_wait3A_872 = tpu.memref_slice %arg2[%dma_wait3A_870, %dma_wait3A_871] : memref<1000000x128xf32, #tpu.memory_space<hbm>> -> memref<1000000x128xf32, #tpu.memory_space<hbm>>
      tpu.wait_indirect_dma semaphore(%arg24 : memref<!tpu.dma_semaphore, #tpu.memory_space<semaphore_mem>>) src(%dma_wait3A_872 : memref<1000000x128xf32, #tpu.memory_space<hbm>>) dst(%dma_wait3A_869 : memref<16x128xf32, #tpu.memory_space<vmem>>)
      %lt3A_873 = arith.constant 49 : i32
      %lt3A_874 = arith.cmpi slt, %scan3A_221, %lt3A_873 : i32
      %convert_element_type3A_875 = arith.extui %lt3A_874 : i1 to i32
      %cond3A_876 = arith.constant 0 : i32
      %cond3A_877 = arith.cmpi ne, %convert_element_type3A_875, %cond3A_876 : i32
      scf.if %cond3A_877 {
        %add3A_944 = arith.constant 2 : i32
        %add3A_945 = arith.addi %add3A_800, %add3A_944 : i32
        %mul3A_946 = arith.constant 200 : i32
        %mul3A_947 = arith.muli %add3A, %mul3A_946 : i32
        %add3A_948 = arith.addi %mul3A_947, %add3A_945 : i32
        %dma_wait3A_949 = arith.constant 0 : i32
        %dma_wait3A_950 = tpu.memref_slice %arg3[%add3A_948, %dma_wait3A_949] : memref<6400x128xi32, #tpu.memory_space<hbm>> -> memref<1x128xi32, #tpu.memory_space<hbm>>
        %dma_wait3A_951 = tpu.memref_squeeze %dma_wait3A_950 : memref<1x128xi32, #tpu.memory_space<hbm>> -> memref<128xi32, #tpu.memory_space<hbm>>
        %dma_wait3A_952 = arith.constant 0 : i32
        %dma_wait3A_953 = tpu.memref_slice %arg3[%add3A_948, %dma_wait3A_952] : memref<6400x128xi32, #tpu.memory_space<hbm>> -> memref<1x128xi32, #tpu.memory_space<hbm>>
        %dma_wait3A_954 = tpu.memref_squeeze %dma_wait3A_953 : memref<1x128xi32, #tpu.memory_space<hbm>> -> memref<128xi32, #tpu.memory_space<hbm>>
        tpu.wait_dma2 semaphore(%arg18 : memref<!tpu.dma_semaphore, #tpu.memory_space<semaphore_mem>>) src(%dma_wait3A_954 : memref<128xi32, #tpu.memory_space<hbm>>) dst(%arg8 : memref<128xi32, #tpu.memory_space<vmem>>)
        %get3A_955 = arith.constant 0 : index
        %get3A_956 = tpu.vector_load %arg8[%get3A_955] {strides = array<i32>} : memref<128xi32, #tpu.memory_space<vmem>>, vector<16xi32>,
        %get3A_957 = vector.shape_cast %get3A_956 : vector<16xi32> to vector<16xi32>
        %dma_start3A_958 = arith.constant 0 : i32
        %dma_start3A_959 = arith.constant 0 : i32
        %dma_start3A_960 = tpu.memref_slice %arg12[%dma_start3A_958, %dma_start3A_959] : memref<128x128xf32, #tpu.memory_space<vmem>> -> memref<16x128xf32, #tpu.memory_space<vmem>>
        %dma_start3A_961 = arith.constant 0 : i32
        %dma_start3A_962 = arith.constant 0 : i32
        %dma_start3A_963 = tpu.memref_slice %arg2[%dma_start3A_961, %dma_start3A_962] : memref<1000000x128xf32, #tpu.memory_space<hbm>> -> memref<1000000x128xf32, #tpu.memory_space<hbm>>
        tpu.enqueue_indirect_dma source(%dma_start3A_963 : memref<1000000x128xf32, #tpu.memory_space<hbm>>) target(%dma_start3A_960 : memref<16x128xf32, #tpu.memory_space<vmem>>) offsets(%get3A_957 : vector<16xi32>) semaphore(%arg22 : memref<!tpu.dma_semaphore, #tpu.memory_space<semaphore_mem>>)
        %get3A_964 = arith.constant 16 : index
        %get3A_965 = tpu.vector_load %arg8[%get3A_964] {strides = array<i32>} : memref<128xi32, #tpu.memory_space<vmem>>, vector<16xi32>,
        %get3A_966 = vector.shape_cast %get3A_965 : vector<16xi32> to vector<16xi32>
        %dma_start3A_967 = arith.constant 16 : i32
        %dma_start3A_968 = arith.constant 0 : i32
        %dma_start3A_969 = tpu.memref_slice %arg12[%dma_start3A_967, %dma_start3A_968] : memref<128x128xf32, #tpu.memory_space<vmem>> -> memref<16x128xf32, #tpu.memory_space<vmem>>
        %dma_start3A_970 = arith.constant 0 : i32
        %dma_start3A_971 = arith.constant 0 : i32
        %dma_start3A_972 = tpu.memref_slice %arg2[%dma_start3A_970, %dma_start3A_971] : memref<1000000x128xf32, #tpu.memory_space<hbm>> -> memref<1000000x128xf32, #tpu.memory_space<hbm>>
        tpu.enqueue_indirect_dma source(%dma_start3A_972 : memref<1000000x128xf32, #tpu.memory_space<hbm>>) target(%dma_start3A_969 : memref<16x128xf32, #tpu.memory_space<vmem>>) offsets(%get3A_966 : vector<16xi32>) semaphore(%arg22 : memref<!tpu.dma_semaphore, #tpu.memory_space<semaphore_mem>>)
        %get3A_973 = arith.constant 32 : index
        %get3A_974 = tpu.vector_load %arg8[%get3A_973] {strides = array<i32>} : memref<128xi32, #tpu.memory_space<vmem>>, vector<16xi32>,
        %get3A_975 = vector.shape_cast %get3A_974 : vector<16xi32> to vector<16xi32>
        %dma_start3A_976 = arith.constant 32 : i32
        %dma_start3A_977 = arith.constant 0 : i32
        %dma_start3A_978 = tpu.memref_slice %arg12[%dma_start3A_976, %dma_start3A_977] : memref<128x128xf32, #tpu.memory_space<vmem>> -> memref<16x128xf32, #tpu.memory_space<vmem>>
        %dma_start3A_979 = arith.constant 0 : i32
        %dma_start3A_980 = arith.constant 0 : i32
        %dma_start3A_981 = tpu.memref_slice %arg2[%dma_start3A_979, %dma_start3A_980] : memref<1000000x128xf32, #tpu.memory_space<hbm>> -> memref<1000000x128xf32, #tpu.memory_space<hbm>>
        tpu.enqueue_indirect_dma source(%dma_start3A_981 : memref<1000000x128xf32, #tpu.memory_space<hbm>>) target(%dma_start3A_978 : memref<16x128xf32, #tpu.memory_space<vmem>>) offsets(%get3A_975 : vector<16xi32>) semaphore(%arg22 : memref<!tpu.dma_semaphore, #tpu.memory_space<semaphore_mem>>)
        %get3A_982 = arith.constant 48 : index
        %get3A_983 = tpu.vector_load %arg8[%get3A_982] {strides = array<i32>} : memref<128xi32, #tpu.memory_space<vmem>>, vector<16xi32>,
        %get3A_984 = vector.shape_cast %get3A_983 : vector<16xi32> to vector<16xi32>
        %dma_start3A_985 = arith.constant 48 : i32
        %dma_start3A_986 = arith.constant 0 : i32
        %dma_start3A_987 = tpu.memref_slice %arg12[%dma_start3A_985, %dma_start3A_986] : memref<128x128xf32, #tpu.memory_space<vmem>> -> memref<16x128xf32, #tpu.memory_space<vmem>>
        %dma_start3A_988 = arith.constant 0 : i32
        %dma_start3A_989 = arith.constant 0 : i32
        %dma_start3A_990 = tpu.memref_slice %arg2[%dma_start3A_988, %dma_start3A_989] : memref<1000000x128xf32, #tpu.memory_space<hbm>> -> memref<1000000x128xf32, #tpu.memory_space<hbm>>
        tpu.enqueue_indirect_dma source(%dma_start3A_990 : memref<1000000x128xf32, #tpu.memory_space<hbm>>) target(%dma_start3A_987 : memref<16x128xf32, #tpu.memory_space<vmem>>) offsets(%get3A_984 : vector<16xi32>) semaphore(%arg22 : memref<!tpu.dma_semaphore, #tpu.memory_space<semaphore_mem>>)
        %get3A_991 = arith.constant 64 : index
        %get3A_992 = tpu.vector_load %arg8[%get3A_991] {strides = array<i32>} : memref<128xi32, #tpu.memory_space<vmem>>, vector<16xi32>,
        %get3A_993 = vector.shape_cast %get3A_992 : vector<16xi32> to vector<16xi32>
        %dma_start3A_994 = arith.constant 64 : i32
        %dma_start3A_995 = arith.constant 0 : i32
        %dma_start3A_996 = tpu.memref_slice %arg12[%dma_start3A_994, %dma_start3A_995] : memref<128x128xf32, #tpu.memory_space<vmem>> -> memref<16x128xf32, #tpu.memory_space<vmem>>
        %dma_start3A_997 = arith.constant 0 : i32
        %dma_start3A_998 = arith.constant 0 : i32
        %dma_start3A_999 = tpu.memref_slice %arg2[%dma_start3A_997, %dma_start3A_998] : memref<1000000x128xf32, #tpu.memory_space<hbm>> -> memref<1000000x128xf32, #tpu.memory_space<hbm>>
        tpu.enqueue_indirect_dma source(%dma_start3A_999 : memref<1000000x128xf32, #tpu.memory_space<hbm>>) target(%dma_start3A_996 : memref<16x128xf32, #tpu.memory_space<vmem>>) offsets(%get3A_993 : vector<16xi32>) semaphore(%arg22 : memref<!tpu.dma_semaphore, #tpu.memory_space<semaphore_mem>>)
        %get3A_1000 = arith.constant 80 : index
        %get3A_1001 = tpu.vector_load %arg8[%get3A_1000] {strides = array<i32>} : memref<128xi32, #tpu.memory_space<vmem>>, vector<16xi32>,
        %get3A_1002 = vector.shape_cast %get3A_1001 : vector<16xi32> to vector<16xi32>
        %dma_start3A_1003 = arith.constant 80 : i32
        %dma_start3A_1004 = arith.constant 0 : i32
        %dma_start3A_1005 = tpu.memref_slice %arg12[%dma_start3A_1003, %dma_start3A_1004] : memref<128x128xf32, #tpu.memory_space<vmem>> -> memref<16x128xf32, #tpu.memory_space<vmem>>
        %dma_start3A_1006 = arith.constant 0 : i32
        %dma_start3A_1007 = arith.constant 0 : i32
        %dma_start3A_1008 = tpu.memref_slice %arg2[%dma_start3A_1006, %dma_start3A_1007] : memref<1000000x128xf32, #tpu.memory_space<hbm>> -> memref<1000000x128xf32, #tpu.memory_space<hbm>>
        tpu.enqueue_indirect_dma source(%dma_start3A_1008 : memref<1000000x128xf32, #tpu.memory_space<hbm>>) target(%dma_start3A_1005 : memref<16x128xf32, #tpu.memory_space<vmem>>) offsets(%get3A_1002 : vector<16xi32>) semaphore(%arg22 : memref<!tpu.dma_semaphore, #tpu.memory_space<semaphore_mem>>)
        %get3A_1009 = arith.constant 96 : index
        %get3A_1010 = tpu.vector_load %arg8[%get3A_1009] {strides = array<i32>} : memref<128xi32, #tpu.memory_space<vmem>>, vector<16xi32>,
        %get3A_1011 = vector.shape_cast %get3A_1010 : vector<16xi32> to vector<16xi32>
        %dma_start3A_1012 = arith.constant 96 : i32
        %dma_start3A_1013 = arith.constant 0 : i32
        %dma_start3A_1014 = tpu.memref_slice %arg12[%dma_start3A_1012, %dma_start3A_1013] : memref<128x128xf32, #tpu.memory_space<vmem>> -> memref<16x128xf32, #tpu.memory_space<vmem>>
        %dma_start3A_1015 = arith.constant 0 : i32
        %dma_start3A_1016 = arith.constant 0 : i32
        %dma_start3A_1017 = tpu.memref_slice %arg2[%dma_start3A_1015, %dma_start3A_1016] : memref<1000000x128xf32, #tpu.memory_space<hbm>> -> memref<1000000x128xf32, #tpu.memory_space<hbm>>
        tpu.enqueue_indirect_dma source(%dma_start3A_1017 : memref<1000000x128xf32, #tpu.memory_space<hbm>>) target(%dma_start3A_1014 : memref<16x128xf32, #tpu.memory_space<vmem>>) offsets(%get3A_1011 : vector<16xi32>) semaphore(%arg22 : memref<!tpu.dma_semaphore, #tpu.memory_space<semaphore_mem>>)
        %get3A_1018 = arith.constant 112 : index
        %get3A_1019 = tpu.vector_load %arg8[%get3A_1018] {strides = array<i32>} : memref<128xi32, #tpu.memory_space<vmem>>, vector<16xi32>,
        %get3A_1020 = vector.shape_cast %get3A_1019 : vector<16xi32> to vector<16xi32>
        %dma_start3A_1021 = arith.constant 112 : i32
        %dma_start3A_1022 = arith.constant 0 : i32
        %dma_start3A_1023 = tpu.memref_slice %arg12[%dma_start3A_1021, %dma_start3A_1022] : memref<128x128xf32, #tpu.memory_space<vmem>> -> memref<16x128xf32, #tpu.memory_space<vmem>>
        %dma_start3A_1024 = arith.constant 0 : i32
        %dma_start3A_1025 = arith.constant 0 : i32
        %dma_start3A_1026 = tpu.memref_slice %arg2[%dma_start3A_1024, %dma_start3A_1025] : memref<1000000x128xf32, #tpu.memory_space<hbm>> -> memref<1000000x128xf32, #tpu.memory_space<hbm>>
        tpu.enqueue_indirect_dma source(%dma_start3A_1026 : memref<1000000x128xf32, #tpu.memory_space<hbm>>) target(%dma_start3A_1023 : memref<16x128xf32, #tpu.memory_space<vmem>>) offsets(%get3A_1020 : vector<16xi32>) semaphore(%arg22 : memref<!tpu.dma_semaphore, #tpu.memory_space<semaphore_mem>>)
      } else {
      }
      %lt3A_878 = arith.constant 49 : i32
      %lt3A_879 = arith.cmpi slt, %scan3A_221, %lt3A_878 : i32
      %convert_element_type3A_880 = arith.extui %lt3A_879 : i1 to i32
      %cond3A_881 = arith.constant 0 : i32
      %cond3A_882 = arith.cmpi ne, %convert_element_type3A_880, %cond3A_881 : i32
      scf.if %cond3A_882 {
        %add3A_944 = arith.constant 4 : i32
        %add3A_945 = arith.addi %add3A_800, %add3A_944 : i32
        %mul3A_946 = arith.constant 200 : i32
        %mul3A_947 = arith.muli %add3A, %mul3A_946 : i32
        %add3A_948 = arith.addi %mul3A_947, %add3A_945 : i32
        %dma_start3A_949 = arith.constant 0 : i32
        %dma_start3A_950 = tpu.memref_slice %arg3[%add3A_948, %dma_start3A_949] : memref<6400x128xi32, #tpu.memory_space<hbm>> -> memref<1x128xi32, #tpu.memory_space<hbm>>
        %dma_start3A_951 = tpu.memref_squeeze %dma_start3A_950 : memref<1x128xi32, #tpu.memory_space<hbm>> -> memref<128xi32, #tpu.memory_space<hbm>>
        %dma_start3A_952 = arith.constant 0 : i32
        %dma_start3A_953 = tpu.memref_slice %arg3[%add3A_948, %dma_start3A_952] : memref<6400x128xi32, #tpu.memory_space<hbm>> -> memref<1x128xi32, #tpu.memory_space<hbm>>
        %dma_start3A_954 = tpu.memref_squeeze %dma_start3A_953 : memref<1x128xi32, #tpu.memory_space<hbm>> -> memref<128xi32, #tpu.memory_space<hbm>>
        tpu.enqueue_dma source(%dma_start3A_954 : memref<128xi32, #tpu.memory_space<hbm>>) target(%arg10 : memref<128xi32, #tpu.memory_space<vmem>>) target_semaphore(%arg20 : memref<!tpu.dma_semaphore, #tpu.memory_space<semaphore_mem>>)
      } else {
      }
      %sub3A_883 = arith.constant 2 : i32
      %sub3A_884 = arith.subi %add3A_800, %sub3A_883 : i32
      %mul3A_885 = arith.constant 128 : i32
      %mul3A_886 = arith.muli %sub3A_884, %mul3A_885 : i32
      %add3A_887 = arith.addi %mul3A_2, %mul3A_886 : i32
      %dma_wait3A_888 = arith.constant 0 : i32
      %dma_wait3A_889 = tpu.memref_slice %arg5[%add3A_887, %dma_wait3A_888] : memref<819200x64xf32, #tpu.memory_space<hbm>> -> memref<128x64xf32, #tpu.memory_space<hbm>>
      %dma_wait3A_890 = arith.constant 0 : i32
      %dma_wait3A_891 = tpu.memref_slice %arg5[%add3A_887, %dma_wait3A_890] : memref<819200x64xf32, #tpu.memory_space<hbm>> -> memref<128x64xf32, #tpu.memory_space<hbm>>
      tpu.wait_dma2 semaphore(%arg26 : memref<!tpu.dma_semaphore, #tpu.memory_space<semaphore_mem>>) src(%arg16 : memref<128x64xf32, #tpu.memory_space<vmem>>) dst(%dma_wait3A_891 : memref<128x64xf32, #tpu.memory_space<hbm>>)
      %mul3A_892 = arith.constant 128 : i32
      %mul3A_893 = arith.muli %add3A_800, %mul3A_892 : i32
      %jit3A_894 = arith.constant 200 : i32
      %eq3A_895 = arith.constant 0 : i32
      %eq3A_896 = arith.cmpi eq, %jit3A_894, %eq3A_895 : i32
      %jit3A_897 = arith.constant 1 : i32
      %select_n3A_898 = arith.select %eq3A_896, %jit3A_897, %jit3A_894 : i32
      %rem3A_899 = arith.remsi %mul3A_893, %select_n3A_898 : i32
      %ne3A_900 = arith.constant 0 : i32
      %ne3A_901 = arith.cmpi ne, %rem3A_899, %ne3A_900 : i32
      %lt3A_902 = arith.constant 0 : i32
      %lt3A_903 = arith.cmpi slt, %rem3A_899, %lt3A_902 : i32
      %lt3A_904 = arith.constant 0 : i32
      %lt3A_905 = arith.cmpi slt, %select_n3A_898, %lt3A_904 : i32
      %ne3A_906 = arith.xori %lt3A_903, %lt3A_905 : i1
      %and3A_907 = arith.andi %ne3A_906, %ne3A_901 : i1
      %add3A_908 = arith.addi %rem3A_899, %select_n3A_898 : i32
      %select_n3A_909 = arith.select %and3A_907, %add3A_908, %rem3A_899 : i32
      %jit3A_910 = arith.constant 2 : i32
      %div3A_911 = arith.divsi %select_n3A_909, %jit3A_910 : i32
      %sign3A_912 = arith.constant 0 : i32
      %sign3A_913 = arith.cmpi sgt, %select_n3A_909, %sign3A_912 : i32
      %sign3A_914 = arith.extui %sign3A_913 : i1 to i32
      %sign3A_915 = arith.constant 0 : i32
      %sign3A_916 = arith.cmpi slt, %select_n3A_909, %sign3A_915 : i32
      %sign3A_917 = arith.extui %sign3A_916 : i1 to i32
      %sign3A_918 = arith.subi %sign3A_914, %sign3A_917 : i32
      %sign3A_919 = arith.constant 0 : i32
      %sign3A_920 = arith.cmpi sgt, %jit3A_910, %sign3A_919 : i32
      %sign3A_921 = arith.extui %sign3A_920 : i1 to i32
      %sign3A_922 = arith.constant 0 : i32
      %sign3A_923 = arith.cmpi slt, %jit3A_910, %sign3A_922 : i32
      %sign3A_924 = arith.extui %sign3A_923 : i1 to i32
      %sign3A_925 = arith.subi %sign3A_921, %sign3A_924 : i32
      %ne3A_926 = arith.cmpi ne, %sign3A_918, %sign3A_925 : i32
      %rem3A_927 = arith.remsi %select_n3A_909, %jit3A_910 : i32
      %ne3A_928 = arith.constant 0 : i32
      %ne3A_929 = arith.cmpi ne, %rem3A_927, %ne3A_928 : i32
      %and3A_930 = arith.andi %ne3A_926, %ne3A_929 : i1
      %sub3A_931 = arith.constant 1 : i32
      %sub3A_932 = arith.subi %div3A_911, %sub3A_931 : i32
      %select_n3A_933 = arith.select %and3A_930, %sub3A_932, %div3A_911 : i32
      %parallel_loop3A_934 = arith.constant 0 : i32
      %parallel_loop3A_935 = arith.constant 64 : i32
      %parallel_loop3A_936 = arith.constant 1 : i32
      scf.for %parallel_loop3A_944 = %parallel_loop3A_934 to %parallel_loop3A_935 step %parallel_loop3A_936  : i32 {
        %parallel_loop3A_945 = arith.addi %select_n3A_933, %parallel_loop3A_944 : i32
        %parallel_loop3A_946 = arith.constant 2 : i32
        %parallel_loop3A_947 = arith.muli %parallel_loop3A_946, %parallel_loop3A_944 : i32
        %parallel_loop3A_948 = arith.index_cast %parallel_loop3A_947 : i32 to index
        %parallel_loop3A_949 = arith.constant 0 : index
        %parallel_loop3A_950 = tpu.vector_load %arg14[%parallel_loop3A_948, %parallel_loop3A_949] {strides = array<i32>} : memref<128x128xf32, #tpu.memory_space<vmem>>, vector<1x16xf32>,
        %parallel_loop3A_951 = vector.shape_cast %parallel_loop3A_950 : vector<1x16xf32> to vector<16xf32>
        %parallel_loop3A_952 = arith.index_cast %parallel_loop3A_945 : i32 to index
        %parallel_loop3A_953 = arith.constant 0 : index
        %parallel_loop3A_954 = tpu.vector_load %arg6[%parallel_loop3A_952, %parallel_loop3A_953] {strides = array<i32>} : memref<160x128xf32, #tpu.memory_space<vmem>>, vector<1x16xf32>,
        %parallel_loop3A_955 = vector.shape_cast %parallel_loop3A_954 : vector<1x16xf32> to vector<16xf32>
        %parallel_loop3A_956 = arith.addf %parallel_loop3A_951, %parallel_loop3A_955 : vector<16xf32>
        %parallel_loop3A_957 = arith.constant 2 : i32
        %parallel_loop3A_958 = arith.muli %parallel_loop3A_957, %parallel_loop3A_944 : i32
        %parallel_loop3A_959 = arith.index_cast %parallel_loop3A_958 : i32 to index
        %parallel_loop3A_960 = arith.constant 0 : index
        %parallel_loop3A_961 = tpu.vector_load %arg16[%parallel_loop3A_959, %parallel_loop3A_960] {strides = array<i32>} : memref<128x64xf32, #tpu.memory_space<vmem>>, vector<1x16xf32>,
        %parallel_loop3A_962 = vector.shape_cast %parallel_loop3A_961 : vector<1x16xf32> to vector<16xf32>
        %parallel_loop3A_963 = vector.shape_cast %parallel_loop3A_956 : vector<16xf32> to vector<1x16xf32>
        tpu.vector_store %arg16[%parallel_loop3A_959, %parallel_loop3A_960], %parallel_loop3A_963 {strides = array<i32>} : memref<128x64xf32, #tpu.memory_space<vmem>>, vector<1x16xf32>,
        %parallel_loop3A_964 = arith.constant 2 : i32
        %parallel_loop3A_965 = arith.muli %parallel_loop3A_964, %parallel_loop3A_944 : i32
        %parallel_loop3A_966 = arith.constant 1 : i32
        %parallel_loop3A_967 = arith.addi %parallel_loop3A_965, %parallel_loop3A_966 : i32
        %parallel_loop3A_968 = arith.index_cast %parallel_loop3A_967 : i32 to index
        %parallel_loop3A_969 = arith.constant 0 : index
        %parallel_loop3A_970 = tpu.vector_load %arg14[%parallel_loop3A_968, %parallel_loop3A_969] {strides = array<i32>} : memref<128x128xf32, #tpu.memory_space<vmem>>, vector<1x16xf32>,
        %parallel_loop3A_971 = vector.shape_cast %parallel_loop3A_970 : vector<1x16xf32> to vector<16xf32>
        %parallel_loop3A_972 = arith.index_cast %parallel_loop3A_945 : i32 to index
        %parallel_loop3A_973 = arith.constant 64 : index
        %parallel_loop3A_974 = tpu.vector_load %arg6[%parallel_loop3A_972, %parallel_loop3A_973] {strides = array<i32>} : memref<160x128xf32, #tpu.memory_space<vmem>>, vector<1x16xf32>,
        %parallel_loop3A_975 = vector.shape_cast %parallel_loop3A_974 : vector<1x16xf32> to vector<16xf32>
        %parallel_loop3A_976 = arith.addf %parallel_loop3A_971, %parallel_loop3A_975 : vector<16xf32>
        %parallel_loop3A_977 = arith.constant 2 : i32
        %parallel_loop3A_978 = arith.muli %parallel_loop3A_977, %parallel_loop3A_944 : i32
        %parallel_loop3A_979 = arith.constant 1 : i32
        %parallel_loop3A_980 = arith.addi %parallel_loop3A_978, %parallel_loop3A_979 : i32
        %parallel_loop3A_981 = arith.index_cast %parallel_loop3A_980 : i32 to index
        %parallel_loop3A_982 = arith.constant 0 : index
        %parallel_loop3A_983 = tpu.vector_load %arg16[%parallel_loop3A_981, %parallel_loop3A_982] {strides = array<i32>} : memref<128x64xf32, #tpu.memory_space<vmem>>, vector<1x16xf32>,
        %parallel_loop3A_984 = vector.shape_cast %parallel_loop3A_983 : vector<1x16xf32> to vector<16xf32>
        %parallel_loop3A_985 = vector.shape_cast %parallel_loop3A_976 : vector<16xf32> to vector<1x16xf32>
        tpu.vector_store %arg16[%parallel_loop3A_981, %parallel_loop3A_982], %parallel_loop3A_985 {strides = array<i32>} : memref<128x64xf32, #tpu.memory_space<vmem>>, vector<1x16xf32>,
        %parallel_loop3A_986 = arith.constant 2 : i32
        %parallel_loop3A_987 = arith.muli %parallel_loop3A_986, %parallel_loop3A_944 : i32
        %parallel_loop3A_988 = arith.index_cast %parallel_loop3A_987 : i32 to index
        %parallel_loop3A_989 = arith.constant 16 : index
        %parallel_loop3A_990 = tpu.vector_load %arg14[%parallel_loop3A_988, %parallel_loop3A_989] {strides = array<i32>} : memref<128x128xf32, #tpu.memory_space<vmem>>, vector<1x16xf32>,
        %parallel_loop3A_991 = vector.shape_cast %parallel_loop3A_990 : vector<1x16xf32> to vector<16xf32>
        %parallel_loop3A_992 = arith.index_cast %parallel_loop3A_945 : i32 to index
        %parallel_loop3A_993 = arith.constant 16 : index
        %parallel_loop3A_994 = tpu.vector_load %arg6[%parallel_loop3A_992, %parallel_loop3A_993] {strides = array<i32>} : memref<160x128xf32, #tpu.memory_space<vmem>>, vector<1x16xf32>,
        %parallel_loop3A_995 = vector.shape_cast %parallel_loop3A_994 : vector<1x16xf32> to vector<16xf32>
        %parallel_loop3A_996 = arith.addf %parallel_loop3A_991, %parallel_loop3A_995 : vector<16xf32>
        %parallel_loop3A_997 = arith.constant 2 : i32
        %parallel_loop3A_998 = arith.muli %parallel_loop3A_997, %parallel_loop3A_944 : i32
        %parallel_loop3A_999 = arith.index_cast %parallel_loop3A_998 : i32 to index
        %parallel_loop3A_1000 = arith.constant 16 : index
        %parallel_loop3A_1001 = tpu.vector_load %arg16[%parallel_loop3A_999, %parallel_loop3A_1000] {strides = array<i32>} : memref<128x64xf32, #tpu.memory_space<vmem>>, vector<1x16xf32>,
        %parallel_loop3A_1002 = vector.shape_cast %parallel_loop3A_1001 : vector<1x16xf32> to vector<16xf32>
        %parallel_loop3A_1003 = vector.shape_cast %parallel_loop3A_996 : vector<16xf32> to vector<1x16xf32>
        tpu.vector_store %arg16[%parallel_loop3A_999, %parallel_loop3A_1000], %parallel_loop3A_1003 {strides = array<i32>} : memref<128x64xf32, #tpu.memory_space<vmem>>, vector<1x16xf32>,
        %parallel_loop3A_1004 = arith.constant 2 : i32
        %parallel_loop3A_1005 = arith.muli %parallel_loop3A_1004, %parallel_loop3A_944 : i32
        %parallel_loop3A_1006 = arith.constant 1 : i32
        %parallel_loop3A_1007 = arith.addi %parallel_loop3A_1005, %parallel_loop3A_1006 : i32
        %parallel_loop3A_1008 = arith.index_cast %parallel_loop3A_1007 : i32 to index
        %parallel_loop3A_1009 = arith.constant 16 : index
        %parallel_loop3A_1010 = tpu.vector_load %arg14[%parallel_loop3A_1008, %parallel_loop3A_1009] {strides = array<i32>} : memref<128x128xf32, #tpu.memory_space<vmem>>, vector<1x16xf32>,
        %parallel_loop3A_1011 = vector.shape_cast %parallel_loop3A_1010 : vector<1x16xf32> to vector<16xf32>
        %parallel_loop3A_1012 = arith.index_cast %parallel_loop3A_945 : i32 to index
        %parallel_loop3A_1013 = arith.constant 80 : index
        %parallel_loop3A_1014 = tpu.vector_load %arg6[%parallel_loop3A_1012, %parallel_loop3A_1013] {strides = array<i32>} : memref<160x128xf32, #tpu.memory_space<vmem>>, vector<1x16xf32>,
        %parallel_loop3A_1015 = vector.shape_cast %parallel_loop3A_1014 : vector<1x16xf32> to vector<16xf32>
        %parallel_loop3A_1016 = arith.addf %parallel_loop3A_1011, %parallel_loop3A_1015 : vector<16xf32>
        %parallel_loop3A_1017 = arith.constant 2 : i32
        %parallel_loop3A_1018 = arith.muli %parallel_loop3A_1017, %parallel_loop3A_944 : i32
        %parallel_loop3A_1019 = arith.constant 1 : i32
        %parallel_loop3A_1020 = arith.addi %parallel_loop3A_1018, %parallel_loop3A_1019 : i32
        %parallel_loop3A_1021 = arith.index_cast %parallel_loop3A_1020 : i32 to index
        %parallel_loop3A_1022 = arith.constant 16 : index
        %parallel_loop3A_1023 = tpu.vector_load %arg16[%parallel_loop3A_1021, %parallel_loop3A_1022] {strides = array<i32>} : memref<128x64xf32, #tpu.memory_space<vmem>>, vector<1x16xf32>,
        %parallel_loop3A_1024 = vector.shape_cast %parallel_loop3A_1023 : vector<1x16xf32> to vector<16xf32>
        %parallel_loop3A_1025 = vector.shape_cast %parallel_loop3A_1016 : vector<16xf32> to vector<1x16xf32>
        tpu.vector_store %arg16[%parallel_loop3A_1021, %parallel_loop3A_1022], %parallel_loop3A_1025 {strides = array<i32>} : memref<128x64xf32, #tpu.memory_space<vmem>>, vector<1x16xf32>,
        %parallel_loop3A_1026 = arith.constant 2 : i32
        %parallel_loop3A_1027 = arith.muli %parallel_loop3A_1026, %parallel_loop3A_944 : i32
        %parallel_loop3A_1028 = arith.index_cast %parallel_loop3A_1027 : i32 to index
        %parallel_loop3A_1029 = arith.constant 32 : index
        %parallel_loop3A_1030 = tpu.vector_load %arg14[%parallel_loop3A_1028, %parallel_loop3A_1029] {strides = array<i32>} : memref<128x128xf32, #tpu.memory_space<vmem>>, vector<1x16xf32>,
        %parallel_loop3A_1031 = vector.shape_cast %parallel_loop3A_1030 : vector<1x16xf32> to vector<16xf32>
        %parallel_loop3A_1032 = arith.index_cast %parallel_loop3A_945 : i32 to index
        %parallel_loop3A_1033 = arith.constant 32 : index
        %parallel_loop3A_1034 = tpu.vector_load %arg6[%parallel_loop3A_1032, %parallel_loop3A_1033] {strides = array<i32>} : memref<160x128xf32, #tpu.memory_space<vmem>>, vector<1x16xf32>,
        %parallel_loop3A_1035 = vector.shape_cast %parallel_loop3A_1034 : vector<1x16xf32> to vector<16xf32>
        %parallel_loop3A_1036 = arith.addf %parallel_loop3A_1031, %parallel_loop3A_1035 : vector<16xf32>
        %parallel_loop3A_1037 = arith.constant 2 : i32
        %parallel_loop3A_1038 = arith.muli %parallel_loop3A_1037, %parallel_loop3A_944 : i32
        %parallel_loop3A_1039 = arith.index_cast %parallel_loop3A_1038 : i32 to index
        %parallel_loop3A_1040 = arith.constant 32 : index
        %parallel_loop3A_1041 = tpu.vector_load %arg16[%parallel_loop3A_1039, %parallel_loop3A_1040] {strides = array<i32>} : memref<128x64xf32, #tpu.memory_space<vmem>>, vector<1x16xf32>,
        %parallel_loop3A_1042 = vector.shape_cast %parallel_loop3A_1041 : vector<1x16xf32> to vector<16xf32>
        %parallel_loop3A_1043 = vector.shape_cast %parallel_loop3A_1036 : vector<16xf32> to vector<1x16xf32>
        tpu.vector_store %arg16[%parallel_loop3A_1039, %parallel_loop3A_1040], %parallel_loop3A_1043 {strides = array<i32>} : memref<128x64xf32, #tpu.memory_space<vmem>>, vector<1x16xf32>,
        %parallel_loop3A_1044 = arith.constant 2 : i32
        %parallel_loop3A_1045 = arith.muli %parallel_loop3A_1044, %parallel_loop3A_944 : i32
        %parallel_loop3A_1046 = arith.constant 1 : i32
        %parallel_loop3A_1047 = arith.addi %parallel_loop3A_1045, %parallel_loop3A_1046 : i32
        %parallel_loop3A_1048 = arith.index_cast %parallel_loop3A_1047 : i32 to index
        %parallel_loop3A_1049 = arith.constant 32 : index
        %parallel_loop3A_1050 = tpu.vector_load %arg14[%parallel_loop3A_1048, %parallel_loop3A_1049] {strides = array<i32>} : memref<128x128xf32, #tpu.memory_space<vmem>>, vector<1x16xf32>,
        %parallel_loop3A_1051 = vector.shape_cast %parallel_loop3A_1050 : vector<1x16xf32> to vector<16xf32>
        %parallel_loop3A_1052 = arith.index_cast %parallel_loop3A_945 : i32 to index
        %parallel_loop3A_1053 = arith.constant 96 : index
        %parallel_loop3A_1054 = tpu.vector_load %arg6[%parallel_loop3A_1052, %parallel_loop3A_1053] {strides = array<i32>} : memref<160x128xf32, #tpu.memory_space<vmem>>, vector<1x16xf32>,
        %parallel_loop3A_1055 = vector.shape_cast %parallel_loop3A_1054 : vector<1x16xf32> to vector<16xf32>
        %parallel_loop3A_1056 = arith.addf %parallel_loop3A_1051, %parallel_loop3A_1055 : vector<16xf32>
        %parallel_loop3A_1057 = arith.constant 2 : i32
        %parallel_loop3A_1058 = arith.muli %parallel_loop3A_1057, %parallel_loop3A_944 : i32
        %parallel_loop3A_1059 = arith.constant 1 : i32
        %parallel_loop3A_1060 = arith.addi %parallel_loop3A_1058, %parallel_loop3A_1059 : i32
        %parallel_loop3A_1061 = arith.index_cast %parallel_loop3A_1060 : i32 to index
        %parallel_loop3A_1062 = arith.constant 32 : index
        %parallel_loop3A_1063 = tpu.vector_load %arg16[%parallel_loop3A_1061, %parallel_loop3A_1062] {strides = array<i32>} : memref<128x64xf32, #tpu.memory_space<vmem>>, vector<1x16xf32>,
        %parallel_loop3A_1064 = vector.shape_cast %parallel_loop3A_1063 : vector<1x16xf32> to vector<16xf32>
        %parallel_loop3A_1065 = vector.shape_cast %parallel_loop3A_1056 : vector<16xf32> to vector<1x16xf32>
        tpu.vector_store %arg16[%parallel_loop3A_1061, %parallel_loop3A_1062], %parallel_loop3A_1065 {strides = array<i32>} : memref<128x64xf32, #tpu.memory_space<vmem>>, vector<1x16xf32>,
        %parallel_loop3A_1066 = arith.constant 2 : i32
        %parallel_loop3A_1067 = arith.muli %parallel_loop3A_1066, %parallel_loop3A_944 : i32
        %parallel_loop3A_1068 = arith.index_cast %parallel_loop3A_1067 : i32 to index
        %parallel_loop3A_1069 = arith.constant 48 : index
        %parallel_loop3A_1070 = tpu.vector_load %arg14[%parallel_loop3A_1068, %parallel_loop3A_1069] {strides = array<i32>} : memref<128x128xf32, #tpu.memory_space<vmem>>, vector<1x16xf32>,
        %parallel_loop3A_1071 = vector.shape_cast %parallel_loop3A_1070 : vector<1x16xf32> to vector<16xf32>
        %parallel_loop3A_1072 = arith.index_cast %parallel_loop3A_945 : i32 to index
        %parallel_loop3A_1073 = arith.constant 48 : index
        %parallel_loop3A_1074 = tpu.vector_load %arg6[%parallel_loop3A_1072, %parallel_loop3A_1073] {strides = array<i32>} : memref<160x128xf32, #tpu.memory_space<vmem>>, vector<1x16xf32>,
        %parallel_loop3A_1075 = vector.shape_cast %parallel_loop3A_1074 : vector<1x16xf32> to vector<16xf32>
        %parallel_loop3A_1076 = arith.addf %parallel_loop3A_1071, %parallel_loop3A_1075 : vector<16xf32>
        %parallel_loop3A_1077 = arith.constant 2 : i32
        %parallel_loop3A_1078 = arith.muli %parallel_loop3A_1077, %parallel_loop3A_944 : i32
        %parallel_loop3A_1079 = arith.index_cast %parallel_loop3A_1078 : i32 to index
        %parallel_loop3A_1080 = arith.constant 48 : index
        %parallel_loop3A_1081 = tpu.vector_load %arg16[%parallel_loop3A_1079, %parallel_loop3A_1080] {strides = array<i32>} : memref<128x64xf32, #tpu.memory_space<vmem>>, vector<1x16xf32>,
        %parallel_loop3A_1082 = vector.shape_cast %parallel_loop3A_1081 : vector<1x16xf32> to vector<16xf32>
        %parallel_loop3A_1083 = vector.shape_cast %parallel_loop3A_1076 : vector<16xf32> to vector<1x16xf32>
        tpu.vector_store %arg16[%parallel_loop3A_1079, %parallel_loop3A_1080], %parallel_loop3A_1083 {strides = array<i32>} : memref<128x64xf32, #tpu.memory_space<vmem>>, vector<1x16xf32>,
        %parallel_loop3A_1084 = arith.constant 2 : i32
        %parallel_loop3A_1085 = arith.muli %parallel_loop3A_1084, %parallel_loop3A_944 : i32
        %parallel_loop3A_1086 = arith.constant 1 : i32
        %parallel_loop3A_1087 = arith.addi %parallel_loop3A_1085, %parallel_loop3A_1086 : i32
        %parallel_loop3A_1088 = arith.index_cast %parallel_loop3A_1087 : i32 to index
        %parallel_loop3A_1089 = arith.constant 48 : index
        %parallel_loop3A_1090 = tpu.vector_load %arg14[%parallel_loop3A_1088, %parallel_loop3A_1089] {strides = array<i32>} : memref<128x128xf32, #tpu.memory_space<vmem>>, vector<1x16xf32>,
        %parallel_loop3A_1091 = vector.shape_cast %parallel_loop3A_1090 : vector<1x16xf32> to vector<16xf32>
        %parallel_loop3A_1092 = arith.index_cast %parallel_loop3A_945 : i32 to index
        %parallel_loop3A_1093 = arith.constant 112 : index
        %parallel_loop3A_1094 = tpu.vector_load %arg6[%parallel_loop3A_1092, %parallel_loop3A_1093] {strides = array<i32>} : memref<160x128xf32, #tpu.memory_space<vmem>>, vector<1x16xf32>,
        %parallel_loop3A_1095 = vector.shape_cast %parallel_loop3A_1094 : vector<1x16xf32> to vector<16xf32>
        %parallel_loop3A_1096 = arith.addf %parallel_loop3A_1091, %parallel_loop3A_1095 : vector<16xf32>
        %parallel_loop3A_1097 = arith.constant 2 : i32
        %parallel_loop3A_1098 = arith.muli %parallel_loop3A_1097, %parallel_loop3A_944 : i32
        %parallel_loop3A_1099 = arith.constant 1 : i32
        %parallel_loop3A_1100 = arith.addi %parallel_loop3A_1098, %parallel_loop3A_1099 : i32
        %parallel_loop3A_1101 = arith.index_cast %parallel_loop3A_1100 : i32 to index
        %parallel_loop3A_1102 = arith.constant 48 : index
        %parallel_loop3A_1103 = tpu.vector_load %arg16[%parallel_loop3A_1101, %parallel_loop3A_1102] {strides = array<i32>} : memref<128x64xf32, #tpu.memory_space<vmem>>, vector<1x16xf32>,
        %parallel_loop3A_1104 = vector.shape_cast %parallel_loop3A_1103 : vector<1x16xf32> to vector<16xf32>
        %parallel_loop3A_1105 = vector.shape_cast %parallel_loop3A_1096 : vector<16xf32> to vector<1x16xf32>
        tpu.vector_store %arg16[%parallel_loop3A_1101, %parallel_loop3A_1102], %parallel_loop3A_1105 {strides = array<i32>} : memref<128x64xf32, #tpu.memory_space<vmem>>, vector<1x16xf32>,
      } {sc.loop_unroll_factor = 4 : i64, sc.parallel_access}
      %mul3A_937 = arith.constant 128 : i32
      %mul3A_938 = arith.muli %add3A_800, %mul3A_937 : i32
      %add3A_939 = arith.addi %mul3A_2, %mul3A_938 : i32
      %dma_start3A_940 = arith.constant 0 : i32
      %dma_start3A_941 = tpu.memref_slice %arg5[%add3A_939, %dma_start3A_940] : memref<819200x64xf32, #tpu.memory_space<hbm>> -> memref<128x64xf32, #tpu.memory_space<hbm>>
      %dma_start3A_942 = arith.constant 0 : i32
      %dma_start3A_943 = tpu.memref_slice %arg5[%add3A_939, %dma_start3A_942] : memref<819200x64xf32, #tpu.memory_space<hbm>> -> memref<128x64xf32, #tpu.memory_space<hbm>>
      tpu.enqueue_dma source(%arg16 : memref<128x64xf32, #tpu.memory_space<vmem>>) target(%dma_start3A_943 : memref<128x64xf32, #tpu.memory_space<hbm>>) target_semaphore(%arg26 : memref<!tpu.dma_semaphore, #tpu.memory_space<semaphore_mem>>)
    }
    %scan3A_208 = arith.constant 50 : i32
    %add3A_209 = arith.constant 25344 : i32
    %add3A_210 = arith.addi %mul3A_2, %add3A_209 : i32
    %dma_wait3A_211 = arith.constant 0 : i32
    %dma_wait3A_212 = tpu.memref_slice %arg5[%add3A_210, %dma_wait3A_211] : memref<819200x64xf32, #tpu.memory_space<hbm>> -> memref<128x64xf32, #tpu.memory_space<hbm>>
    %dma_wait3A_213 = arith.constant 0 : i32
    %dma_wait3A_214 = tpu.memref_slice %arg5[%add3A_210, %dma_wait3A_213] : memref<819200x64xf32, #tpu.memory_space<hbm>> -> memref<128x64xf32, #tpu.memory_space<hbm>>
    tpu.wait_dma2 semaphore(%arg25 : memref<!tpu.dma_semaphore, #tpu.memory_space<semaphore_mem>>) src(%arg15 : memref<128x64xf32, #tpu.memory_space<vmem>>) dst(%dma_wait3A_214 : memref<128x64xf32, #tpu.memory_space<hbm>>)
    %add3A_215 = arith.constant 25472 : i32
    %add3A_216 = arith.addi %mul3A_2, %add3A_215 : i32
    %dma_wait3A_217 = arith.constant 0 : i32
    %dma_wait3A_218 = tpu.memref_slice %arg5[%add3A_216, %dma_wait3A_217] : memref<819200x64xf32, #tpu.memory_space<hbm>> -> memref<128x64xf32, #tpu.memory_space<hbm>>
    %dma_wait3A_219 = arith.constant 0 : i32
    %dma_wait3A_220 = tpu.memref_slice %arg5[%add3A_216, %dma_wait3A_219] : memref<819200x64xf32, #tpu.memory_space<hbm>> -> memref<128x64xf32, #tpu.memory_space<hbm>>
    tpu.wait_dma2 semaphore(%arg26 : memref<!tpu.dma_semaphore, #tpu.memory_space<semaphore_mem>>) src(%arg16 : memref<128x64xf32, #tpu.memory_space<vmem>>) dst(%dma_wait3A_220 : memref<128x64xf32, #tpu.memory_space<hbm>>)
    return
  }
}

</mosaic_0001>

<sc_bundles>
// kernel: _embed.3.cloned.1.call-start
scs
__scs_entry_jumppad:
0x0: {  	(pc) =	sbr.rel $0x88, $3  }
0x1: {  	(tag) =	ssettag $0x0;
	lr =	simm.s32 $0x1  }
0x2: {  	[smem:$0x3F9E] =	sst lr;
	_ =	strace $0xD0000000  }
0x3: {  	_ = 	snop  }
0x4: {  	_ = 	snop  }
0x5: {  	_ = 	snop  }
0x6: {  	_ = 	snop  }
0x7: {  	_ = 	snop  }
__scs_overlays_trampoline_lowered:
0x8: {  	[smem:$0x3FAD] =	sst s0  }
0x9: {  	[smem:$0x3FAE] =	sst s1  }
0xa: {  	[smem:$0x3FAF] =	sst s2  }
0xb: {  	[smem:$0x3FB0] =	sst s3  }
0xc: {  	[smem:$0x3FB1] =	sst s4  }
0xd: {  	[smem:$0x3FB2] =	sst s5  }
0xe: {  	[smem:$0x3FB3] =	sst s6  }
0xf: {  	[smem:$0x3FB4] =	sst s7  }
0x10: {  	[smem:$0x3FB5] =	sst s8  }
0x11: {  	[smem:$0x3FB6] =	sst s9;
	s0 =	simm.s32 @!p0 $0x0  }
0x12: {  	s1 =	sld [smem:$0x3F9C];
	s0 =	simm.s32 @p0 $0x1  }
0x13: {  	[smem:$0x3FB7] =	sst s0;
	s0 =	simm.s32 @!p1 $0x0  }
0x14: {  	s2 =	sld [smem:$0x3F9B];
	s0 =	simm.s32 @p1 $0x1  }
0x15: {  	[smem:$0x3FB8] =	sst s0;
	s0 =	simm.s32 @!p2 $0x0  }
0x16: {  	s3 =	sld [smem:$0x3FDB];
	s0 =	simm.s32 @p2 $0x1  }
0x17: {  	s4 =	simm.s32 $0x1BF5;
	[smem:$0x3FBA] =	sst s0  }
0x18: {  	s0 =	sld [smem:$0x3F9D];
	_ =	swait.ge [sflag:s4], $0x0  }
0x19: {  	s7 =	sld [smem:$0x3F9E]  }
0x1a: {  	s8 =	sadd.s32 $0xFFFFE003, lr  }
0x1b: {  	s9 =	sadd.s32 $0xFFFFFEF7, lr;
	s5 =	simm.s32 $0xFFFFFFFF;
	p2 =	slt.u32 s8, $0xFFFFF086  }
0x1c: {  	p1 =	slt.u32 s9, $0xF7A;
	s5 =	simm.s32 @!p2 $0x0  }
0x1d: {  	s5 =	simm.s32 @p1 $0x1;
	p0 =	seq.s32 s7, s2  }
0x1e: {  	s7 =	smul.u32 @!p0 $0xF7A, s2;
	p2 =	seq.s32 @!p0 s5, $0x0  }
0x1f: {  	s9 =	smul.u32 $0xF7A, s1;
	s8 =	simm.s32 @!p0 $0x1BF5;
	p2 =	por !p2, p0  }
0x20: {  	[sflag:s8] =	ssyncset.s32 @!p0 $0xFFFFF086;
	s6 =	sadd.s32 @!p0 s3, s7;
	s7 =	simm.s32 @!p0 $0x108  }
0x21: {  	s3 =	sadd.s32 s3, s9;
	s6 =	sadd.s32 @!p0 $0x88, s6;
	s7 =	simm.s32 @p2 $0x1082  }
0x22: {  	[simem:s7], [sflag:s8] =	dma.local @!p0 [hbm:s6], $0xF7A  }
0x23: {  	s9 =	sor.u32 $0xD0000000, s2;
	s6 =	simm.s32 $0x108;
	_ =	swait.ge @!p0 [sflag:s8], $0x0  }
0x24: {  	s3 =	sadd.s32 $0x88, s3;
	s6 =	simm.s32 @!p1 $0x1082;
	[sflag:s4] =	ssyncset.s32 $0xFFFFF086  }
0x25: {  	[simem:s6], [sflag:s4] =	dma.local [hbm:s3], $0xF7A  }
0x26: {  	[smem:$0x3F9E] =	sst s1;
	(tag) =	ssettag s2;
	_ =	strace s9  }
0x27: {  	s1 =	sld [smem:$0x3FAE]  }
0x28: {  	s2 =	sld [smem:$0x3FAF]  }
0x29: {  	s4 =	sld [smem:$0x3FB1]  }
0x2a: {  	p0 =	seq.s32 s5, $0x0;
	s5 =	sld [smem:$0x3FB2]  }
0x2b: {  	s6 =	sld [smem:$0x3FB3]  }
0x2c: {  	s7 =	sld [smem:$0x3FB4]  }
0x2d: {  	s3 =	simm.s32 $0x108;
	s8 =	sld [smem:$0x3FB5]  }
0x2e: {  	s3 =	simm.s32 @!p0 $0x1082;
	s9 =	sld [smem:$0x3FB6]  }
0x2f: {  	lr =	sadd.s32 s0, s3;
	s0 =	sld [smem:$0x3FAD]  }
0x30: {  	s3 =	sld [smem:$0x3FB0]  }
0x31: {  	[smem:$0x3FB9] =	sst s10  }
0x32: {  	s10 =	sld [smem:$0x3FB7];
	_ =	sdelay $0x3  }
0x33: {  	p0 =	seq.s32 s10, $0x1;
	s10 =	sld [smem:$0x3FB9];
	_ =	sdelay $0x3  }
0x34: {  	[smem:$0x3FB9] =	sst s10  }
0x35: {  	s10 =	sld [smem:$0x3FB8];
	_ =	sdelay $0x3  }
0x36: {  	p1 =	seq.s32 s10, $0x1;
	s10 =	sld [smem:$0x3FB9];
	_ =	sdelay $0x3  }
0x37: {  	[smem:$0x3FB9] =	sst s10  }
0x38: {  	s10 =	sld [smem:$0x3FBA]  }
0x39: {  	_ = 	snop;
	(pc) =	sbr.ind lr, $3  }
0x3a: {  	_ = 	snop  }
0x3b: {  	_ = 	snop  }
0x3c: {  	p2 =	seq.s32 s10, $0x1;
	s10 =	sld [smem:$0x3FB9]  }
0x3d: {  	_ =	shalt  }
0x3e: {  	_ =	shalt  }
0x3f: {  	_ =	shalt  }
0x40: {  	_ =	shalt  }
0x41: {  	_ =	shalt  }
0x42: {  	_ =	shalt  }
0x43: {  	_ =	shalt  }
0x44: {  	_ =	shalt  }
0x45: {  	_ =	shalt  }
0x46: {  	_ =	shalt  }
0x47: {  	_ =	shalt  }
0x48: {  	_ =	shalt  }
0x49: {  	_ =	shalt  }
0x4a: {  	_ =	shalt  }
0x4b: {  	_ =	shalt  }
0x4c: {  	_ =	shalt  }
0x4d: {  	_ =	shalt  }
0x4e: {  	_ =	shalt  }
0x4f: {  	_ =	shalt  }
0x50: {  	_ =	shalt  }
0x51: {  	_ =	shalt  }
0x52: {  	_ =	shalt  }
0x53: {  	_ =	shalt  }
0x54: {  	_ =	shalt  }
0x55: {  	_ =	shalt  }
0x56: {  	_ =	shalt  }
0x57: {  	_ =	shalt  }
0x58: {  	_ =	shalt  }
0x59: {  	_ =	shalt  }
0x5a: {  	_ =	shalt  }
0x5b: {  	_ =	shalt  }
0x5c: {  	_ =	shalt  }
0x5d: {  	_ =	shalt  }
0x5e: {  	_ =	shalt  }
0x5f: {  	_ =	shalt  }
0x60: {  	_ =	shalt  }
0x61: {  	_ =	shalt  }
0x62: {  	_ =	shalt  }
0x63: {  	_ =	shalt  }
0x64: {  	_ =	shalt  }
0x65: {  	_ =	shalt  }
0x66: {  	_ =	shalt  }
0x67: {  	_ =	shalt  }
0x68: {  	_ =	shalt  }
0x69: {  	_ =	shalt  }
0x6a: {  	_ =	shalt  }
0x6b: {  	_ =	shalt  }
0x6c: {  	_ =	shalt  }
0x6d: {  	_ =	shalt  }
0x6e: {  	_ =	shalt  }
0x6f: {  	_ =	shalt  }
0x70: {  	_ =	shalt  }
0x71: {  	_ =	shalt  }
0x72: {  	_ =	shalt  }
0x73: {  	_ =	shalt  }
0x74: {  	_ =	shalt  }
0x75: {  	_ =	shalt  }
0x76: {  	_ =	shalt  }
0x77: {  	_ =	shalt  }
0x78: {  	_ =	shalt  }
0x79: {  	_ =	shalt  }
0x7a: {  	_ =	shalt  }
0x7b: {  	_ =	shalt  }
0x7c: {  	_ =	shalt  }
0x7d: {  	_ =	shalt  }
0x7e: {  	_ =	shalt  }
0x7f: {  	_ =	shalt  }
0x80: {  	_ =	shalt  }
0x81: {  	_ =	shalt  }
0x82: {  	_ =	shalt  }
0x83: {  	_ =	shalt  }
0x84: {  	_ =	shalt  }
0x85: {  	_ =	shalt  }
0x86: {  	_ =	shalt  }
0x87: {  	_ =	shalt  }
.Lfunc_end0:
.L_simem_size_0:
called_computation.1_lowered:
.L_overlay_start_0:
0x88: {  	s2 =	sld [smem:$0x3FD9]  }
0x89: {  	s3 =	sld [smem:$0x3FFE];
	_ =	sdelay $0x1  }
0x8a: {  	s1 =	srdreg.scid  }
0x8b: {  	s0 =	sand.u32 $0x1, s1  }
0x8c: {  	s17 =	sshll.u32 s0, $0xA;
	s2 =	sadd.s32 s3, s2  }
0x8d: {  	s2 =	sadd.s32 s2, s17  }
0x8e: {  	[smem:$0x3FC5] =	sst s2  }
0x8f: {  	_ = 	snop  }
0x90: {  	s2 =	sld [smem:$0x3FC7]  }
0x91: {  	s18 =	sld [smem:$0x3FD0];
	(tm) =	ssettm $0x1  }
0x92: {  	s4 =	sld [smem:$0x3FFB];
	_ =	sdelay $0x3  }
0x93: {  	_ =	strace s4  }
0x94: {  	s4 =	sld [smem:$0x3FFC];
	_ =	sdelay $0x3  }
0x95: {  	_ =	strace s4  }
0x96: {  	s4 =	sld [smem:$0x3FFD];
	_ =	sdelay $0x3  }
0x97: {  	_ =	strace s4  }
0x98: {  	_ =	strace $0x8FFFFFFF  }
0x99: {  	s19 =	sld [smem:$0x3FDB];
	_ =	sdelay $0x1  }
0x9a: {  	s5 =	simm.s32 $_scs_section_size  }
0x9b: {  	s6 =	simm.s32 $_size__tile_overlayer_lowered;
	s7 =	simm.s32 $_tile_overlayer_lowered  }
0x9c: {  	s22 =	simm.s32 $0x1BFF;
	s21 =	sshll.u32 s7, $0x1;
	s4 =	sadd.s32 s5, s19  }
0x9d: {  	s8 =	simm.s32 $0x0;
	s20 =	sshll.u32 s6, $0x1;
	s6 =	sadd.s32 s21, s4  }
0x9e: {  	[timem:s8], [sflag:s22] =	dma.local [hbm:s6], s20  }
0x9f: {  	_ =	swait.ge [sflag:s22], s20  }
0xa0: {  	s5 =	ssub.s32 $0x0, s20;
	[sflag:s22] =	ssyncset.done $0x0  }
0xa1: {  	[sflag:s22] =	ssyncadd.s32 s5;
	_ =	sdelay $0x1  }
0xa2: {  	s23 =	simm.s32 $0x1B8B  }
0xa3: {  	_ =	swait.ge [sflag:s23], $0x1  }
0xa4: {  	[sflag:s23] =	ssyncset.done $0x0  }
0xa5: {  	s25 =	simm.s32 $0x1B8E;
	s24 =	sld [smem:$0x3FFE];
	[sflag:s23] =	ssyncadd.s32 $0xFFFFFFFF  }
0xa6: {  	s26 =	simm.s32 $execute0_lowered;
	[smem:$0x3FD2] =	sst s25  }
0xa7: {  	s6 =	sshll.u32 s26, $0x1;
	_ =	strace $0x80000046;
	[dreg:$0x1] =	wrdreg $0xFFFFFFFF  }
0xa8: {  	s28 =	simm.s32 $_size_execute0_lowered;
	s4 =	sadd.s32 s4, s6;
	[dreg:$0x0] =	wrdreg $0x0  }
0xa9: {  	s6 =	sshll.u32 s28, $0x1;
	[dreg:$0x2] =	wrdreg s4  }
0xaa: {  	[dreg:$0x3] =	wrdreg s6  }
0xab: {  	[dreg:$0x4] =	wrdreg $0xC0  }
0xac: {  	_ =	task [dreg:s8], $0x5FFFF  }
0xad: {  	[dreg:$0x1] =	wrdreg $0xFFFFFFFF  }
0xae: {  	[dreg:$0x0] =	wrdreg $0x60  }
0xaf: {  	[dreg:$0x2] =	wrdreg s24  }
0xb0: {  	[dreg:$0x3] =	wrdreg s18  }
0xb1: {  	[dreg:$0x4] =	wrdreg s2  }
0xb2: {  	[dreg:$0x5] =	wrdreg $0x9  }
0xb3: {  	_ =	task.clear_ibuf [dreg:s8], $0x6FFFF;
	_ =	strace $0x90000046  }
0xb4: {  	s29 =	simm.s32 $0x9;
	_ =	strace $0x80000048  }
0xb5: {  	_ =	swait.ge [sflag:s29], $0x1  }
0xb6: {  	[sflag:s29] =	ssyncadd.s32 $0xFFFFFFFF  }
0xb7: {  	_ =	strace $0x90000048  }
0xb8: {  	_ =	sfence  }
0xb9: {  	s30 =	sld [smem:$0x0];
	_ =	sdelay $0x2  }
0xba: {  	s31 =	sshll.u32 s1, $0xD;
	s1 =	sshrl.u32 s1, $0x2  }
0xbb: {  	s3 =	sand.u32 $0x4000, s31;
	s1 =	sadd.s32 s1, s30  }
0xbc: {  	s0 =	sor.u32 s3, s0;
	s1 =	sshll.u32 s1, $0x11  }
0xbd: {  	s0 =	sor.u32 s1, s0  }
0xbe: {  	s0 =	sadd.s32 $0x8F2B, s0  }
0xbf: {  	[sflag:s0] =	ssyncadd.remote.s32 $0x1  }
0xc0: {  	_ =	sfence.sel $0xFFFF  }
0xc1: {  	[dreg:$0x0] =	wrdreg $0xFFFFFFFF;
	(pc) =	sbr.abs _section_cstart, $3  }
0xc2: {  	[dreg:$0x1] =	wrdreg $0xFFFFFFFF  }
0xc3: {  	_ =	task.clear_ibuf [dreg:s8], $0x2FFFF;
	_ =	strace $0x9FFFFFFF  }
0xc4: {  	(tm) =	ssettm $0x7FFFFFFF  }
0xc5: {  	_ =	shalt  }
tec
execute0_lowered:
.L_overlay_start_1:
0x0: {  	(tag) =	ssettag $0x1  }
0x1: {  	s0 =	rddreg [dreg:$0x0]  }
0x2: {  	s1 =	rddreg [dreg:$0x1];
	s4 =	simm.s32 $0x0;
	s2 =	srdreg.scid  }
0x3: {  	s3 =	stileid.u32;
	s18 =	simm.s32 $0x5;
	s20 =	simm.s32 $0x3  }
0x4: {  	s14 =	simm.s32 $0x7;
	s2 =	sand.u32 $0x1, s2;
	s3 =	sshll.u32 s3, $0x1  }
0x5: {  	s19 =	simm.s32 $0x9;
	s29 =	simm.s32 $0x8;
	s3 =	sor.u32 s2, s3  }
0x6: {  	s21 =	simm.s32 $0xA;
	s2 =	ssub.s32 $0x2, s2;
	s9 =	smul.u32 $0xC80, s3  }
0x7: {  	[smem:$0x7FF] =	sst s4;
	s5 =	sadd.s32 $0xF42E00, s0;
	s26 =	sshrl.u32 s2, $0x1  }
0x8: {  	s6 =	sadd.s32 $0xA00, s0;
	s0 =	ssub.s32 s2, s26;
	s28 =	sadd.s32 s1, s9  }
0x9: {  	_ =	strace $0x80000047;
	s0 =	smax.u32 s0, $0x1;
	[dreg:$0x4] =	wrdreg s28  }
0xa: {  	s7 =	smul.u32 $0x6400, s3;
	s30 =	sadd.s32 $0x10, s28;
	[dreg:$0x8] =	wrdreg s0  }
0xb: {  	s8 =	smul.u32 $0xC8, s3;
	s31 =	sadd.s32 $0x20, s28;
	[dreg:$0x5] =	wrdreg s30  }
0xc: {  	s9 =	simm.s32 $0x0;
	s2 =	sadd.s32 $0x30, s28;
	[dreg:$0x6] =	wrdreg s31  }
0xd: {  	vm0 =	vmmov $0xffff;
	s0 =	simm.s32 $0x6;
	[dreg:$0x7] =	wrdreg s2;
	s2 =	simm.s32 $0x4  }
.LBB2_1:
0xe: {  	[dreg:$0x9] =	wrdreg s9  }
0xf: {  	s3 =	rddreg [dreg:$0x2];
	s15 =	simm.s32 $0xB  }
0x10: {  	[tilespmem:s4], [sflag:$0xB] =	stream.linear.gather [hbm4b:s3+s4], $0x5000, $0x38;
	[tilespmem:$0x1D200] =	vst v63  }
0x11: {  	_ =	swait.ge [sflag:s15], $0x5000  }
0x12: {  	[sflag:s15] =	ssyncset.done $0x0  }
0x13: {  	s17 =	simm.s32 $0x5000;
	s16 =	rddreg [dreg:$0x4];
	[sflag:s15] =	ssyncadd.s32 $0xFFFFB000  }
0x14: {  	[tilespmem:s17], [sflag:$0x1] =	stream.linear.gather [hbm4b:s16+s4], $0x80, $0x38;
	[tilespmem:$0x1D200] =	vst v63  }
0x15: {  	s23 =	simm.s32 $0x5080;
	s22 =	rddreg [dreg:$0x5]  }
0x16: {  	[tilespmem:s23], [sflag:$0x2] =	stream.linear.gather [hbm4b:s22+s4], $0x80, $0x38;
	[tilespmem:$0x1D200] =	vst v63  }
0x17: {  	s25 =	simm.s32 $0x5100;
	s24 =	rddreg [dreg:$0x6]  }
0x18: {  	[tilespmem:s25], [sflag:$0x3] =	stream.linear.gather [hbm4b:s24+s4], $0x80, $0x38;
	[tilespmem:$0x1D200] =	vst v63  }
0x19: {  	s28 =	simm.s32 $0x5180;
	s30 =	simm.s32 $0x1;
	s26 =	rddreg [dreg:$0x7]  }
0x1a: {  	[tilespmem:s28], [sflag:$0x4] =	stream.linear.gather [hbm4b:s26+s4], $0x80, $0x38;
	[tilespmem:$0x1D200] =	vst v63  }
0x1b: {  	_ =	swait.ge [sflag:s30], $0x80  }
0x1c: {  	[sflag:s30] =	ssyncset.done $0x0  }
0x1d: {  	[sflag:s30] =	ssyncadd.s32 $0xFFFFFF80  }
0x1e: {  	v0 =	vld [tilespmem:$0x5000];
	_ =	sdelay $0x6  }
0x1f: {  	s31 =	simm.s32 $0x5200  }
0x20: {  	[tilespmem:s31], [sflag:$0x5] =	stream.indirect_vreg.gather [hbm4b:s5+s4], $0x80, v0, vm0, $0xb8;
	[tilespmem:$0x1D200] =	vst v63  }
0x21: {  	v0 =	vld [tilespmem:$0x5010];
	_ =	sdelay $0x6  }
0x22: {  	s9 =	simm.s32 $0x5A00  }
0x23: {  	[tilespmem:s9], [sflag:$0x5] =	stream.indirect_vreg.gather [hbm4b:s5+s4], $0x80, v0, vm0, $0xb8;
	[tilespmem:$0x1D200] =	vst v63  }
0x24: {  	v0 =	vld [tilespmem:$0x5020];
	_ =	sdelay $0x6  }
0x25: {  	s10 =	simm.s32 $0x6200  }
0x26: {  	[tilespmem:s10], [sflag:$0x5] =	stream.indirect_vreg.gather [hbm4b:s5+s4], $0x80, v0, vm0, $0xb8;
	[tilespmem:$0x1D200] =	vst v63  }
0x27: {  	v0 =	vld [tilespmem:$0x5030];
	_ =	sdelay $0x6  }
0x28: {  	s11 =	simm.s32 $0x6A00  }
0x29: {  	[tilespmem:s11], [sflag:$0x5] =	stream.indirect_vreg.gather [hbm4b:s5+s4], $0x80, v0, vm0, $0xb8;
	[tilespmem:$0x1D200] =	vst v63  }
0x2a: {  	v0 =	vld [tilespmem:$0x5040];
	_ =	sdelay $0x6  }
0x2b: {  	s12 =	simm.s32 $0x7200  }
0x2c: {  	[tilespmem:s12], [sflag:$0x5] =	stream.indirect_vreg.gather [hbm4b:s5+s4], $0x80, v0, vm0, $0xb8;
	[tilespmem:$0x1D200] =	vst v63  }
0x2d: {  	v0 =	vld [tilespmem:$0x5050];
	_ =	sdelay $0x6  }
0x2e: {  	s13 =	simm.s32 $0x7A00  }
0x2f: {  	[tilespmem:s13], [sflag:$0x5] =	stream.indirect_vreg.gather [hbm4b:s5+s4], $0x80, v0, vm0, $0xb8;
	[tilespmem:$0x1D200] =	vst v63  }
0x30: {  	v0 =	vld [tilespmem:$0x5060];
	_ =	sdelay $0x6  }
0x31: {  	s15 =	simm.s32 $0x8200  }
0x32: {  	[tilespmem:s15], [sflag:$0x5] =	stream.indirect_vreg.gather [hbm4b:s5+s4], $0x80, v0, vm0, $0xb8;
	[tilespmem:$0x1D200] =	vst v63  }
0x33: {  	v0 =	vld [tilespmem:$0x5070];
	_ =	sdelay $0x6  }
0x34: {  	s16 =	simm.s32 $0x8A00;
	s17 =	simm.s32 $0x2  }
0x35: {  	[tilespmem:s16], [sflag:$0x5] =	stream.indirect_vreg.gather [hbm4b:s5+s4], $0x80, v0, vm0, $0xb8;
	[tilespmem:$0x1D200] =	vst v63  }
0x36: {  	_ =	swait.ge [sflag:s17], $0x80  }
0x37: {  	[sflag:s17] =	ssyncset.done $0x0  }
0x38: {  	[sflag:s17] =	ssyncadd.s32 $0xFFFFFF80  }
0x39: {  	v63 =	vld [tilespmem:$0x5080];
	_ =	sdelay $0x6  }
0x3a: {  	s22 =	simm.s32 $0x9200  }
0x3b: {  	[tilespmem:s22], [sflag:$0x6] =	stream.indirect_vreg.gather [hbm4b:s5+s4], $0x80, v63, vm0, $0xb8;
	[tilespmem:$0x1D200] =	vst v63  }
0x3c: {  	v0 =	vld [tilespmem:$0x5090];
	_ =	sdelay $0x6  }
0x3d: {  	s23 =	simm.s32 $0x9A00  }
0x3e: {  	[tilespmem:s23], [sflag:$0x6] =	stream.indirect_vreg.gather [hbm4b:s5+s4], $0x80, v0, vm0, $0xb8;
	[tilespmem:$0x1D200] =	vst v63  }
0x3f: {  	v0 =	vld [tilespmem:$0x50A0];
	_ =	sdelay $0x6  }
0x40: {  	s24 =	simm.s32 $0xA200  }
0x41: {  	[tilespmem:s24], [sflag:$0x6] =	stream.indirect_vreg.gather [hbm4b:s5+s4], $0x80, v0, vm0, $0xb8;
	[tilespmem:$0x1D200] =	vst v63  }
0x42: {  	v0 =	vld [tilespmem:$0x50B0];
	_ =	sdelay $0x6  }
0x43: {  	s25 =	simm.s32 $0xAA00  }
0x44: {  	[tilespmem:s25], [sflag:$0x6] =	stream.indirect_vreg.gather [hbm4b:s5+s4], $0x80, v0, vm0, $0xb8;
	[tilespmem:$0x1D200] =	vst v63  }
0x45: {  	v0 =	vld [tilespmem:$0x50C0];
	_ =	sdelay $0x6  }
0x46: {  	s26 =	simm.s32 $0xB200  }
0x47: {  	[tilespmem:s26], [sflag:$0x6] =	stream.indirect_vreg.gather [hbm4b:s5+s4], $0x80, v0, vm0, $0xb8;
	[tilespmem:$0x1D200] =	vst v63  }
0x48: {  	v0 =	vld [tilespmem:$0x50D0];
	_ =	sdelay $0x6  }
0x49: {  	s28 =	simm.s32 $0xBA00  }
0x4a: {  	[tilespmem:s28], [sflag:$0x6] =	stream.indirect_vreg.gather [hbm4b:s5+s4], $0x80, v0, vm0, $0xb8;
	[tilespmem:$0x1D200] =	vst v63  }
0x4b: {  	v0 =	vld [tilespmem:$0x50E0];
	_ =	sdelay $0x6  }
0x4c: {  	s30 =	simm.s32 $0xC200  }
0x4d: {  	[tilespmem:s30], [sflag:$0x6] =	stream.indirect_vreg.gather [hbm4b:s5+s4], $0x80, v0, vm0, $0xb8;
	[tilespmem:$0x1D200] =	vst v63  }
0x4e: {  	v0 =	vld [tilespmem:$0x50F0];
	_ =	sdelay $0x5  }
0x4f: {  	s31 =	simm.s32 $0xCA00;
	s22 =	simm.s32 $0x80;
	s23 =	simm.s32 $0x100  }
0x50: {  	s24 =	simm.s32 $0x180;
	s25 =	simm.s32 $0x0;
	s26 =	simm.s32 $0x0  }
0x51: {  	[tilespmem:s31], [sflag:$0x6] =	stream.indirect_vreg.gather [hbm4b:s5+s4], $0x80, v0, vm0, $0xb8;
	[tilespmem:$0x1D200] =	vst v63  }
.LBB2_2:
0x52: {  	_ =	swait.ge [sflag:s18], $0x800  }
0x53: {  	[sflag:s18] =	ssyncset.done $0x0  }
0x54: {  	[sflag:s18] =	ssyncadd.s32 $0xFFFFF800  }
0x55: {  	_ =	swait.ge [sflag:s18], $0x800  }
0x56: {  	[sflag:s18] =	ssyncset.done $0x0  }
0x57: {  	[sflag:s18] =	ssyncadd.s32 $0xFFFFF800  }
0x58: {  	_ =	swait.ge [sflag:s18], $0x800  }
0x59: {  	[sflag:s18] =	ssyncset.done $0x0  }
0x5a: {  	[sflag:s18] =	ssyncadd.s32 $0xFFFFF800  }
0x5b: {  	_ =	swait.ge [sflag:s18], $0x800  }
0x5c: {  	[sflag:s18] =	ssyncset.done $0x0  }
0x5d: {  	[sflag:s18] =	ssyncadd.s32 $0xFFFFF800  }
0x5e: {  	_ =	swait.ge [sflag:s18], $0x800  }
0x5f: {  	[sflag:s18] =	ssyncset.done $0x0  }
0x60: {  	[sflag:s18] =	ssyncadd.s32 $0xFFFFF800  }
0x61: {  	_ =	swait.ge [sflag:s18], $0x800  }
0x62: {  	[sflag:s18] =	ssyncset.done $0x0  }
0x63: {  	[sflag:s18] =	ssyncadd.s32 $0xFFFFF800  }
0x64: {  	_ =	swait.ge [sflag:s18], $0x800  }
0x65: {  	[sflag:s18] =	ssyncset.done $0x0  }
0x66: {  	[sflag:s18] =	ssyncadd.s32 $0xFFFFF800  }
0x67: {  	_ =	swait.ge [sflag:s18], $0x800  }
0x68: {  	[sflag:s18] =	ssyncset.done $0x0  }
0x69: {  	[sflag:s18] =	ssyncadd.s32 $0xFFFFF800  }
0x6a: {  	_ =	swait.ge [sflag:s20], $0x80  }
0x6b: {  	[sflag:s20] =	ssyncset.done $0x0  }
0x6c: {  	[sflag:s20] =	ssyncadd.s32 $0xFFFFFF80  }
0x6d: {  	v0 =	vld [tilespmem:$0x5100];
	_ =	sdelay $0x6  }
0x6e: {  	s3 =	simm.s32 $0xD200  }
0x6f: {  	[tilespmem:s3], [sflag:$0x7] =	stream.indirect_vreg.gather [hbm4b:s5+s4], $0x80, v0, vm0, $0xb8;
	[tilespmem:$0x1D200] =	vst v63  }
0x70: {  	v0 =	vld [tilespmem:$0x5110];
	_ =	sdelay $0x6  }
0x71: {  	s12 =	simm.s32 $0xDA00  }
0x72: {  	[tilespmem:s12], [sflag:$0x7] =	stream.indirect_vreg.gather [hbm4b:s5+s4], $0x80, v0, vm0, $0xb8;
	[tilespmem:$0x1D200] =	vst v63  }
0x73: {  	v0 =	vld [tilespmem:$0x5120];
	_ =	sdelay $0x6  }
0x74: {  	s13 =	simm.s32 $0xE200  }
0x75: {  	[tilespmem:s13], [sflag:$0x7] =	stream.indirect_vreg.gather [hbm4b:s5+s4], $0x80, v0, vm0, $0xb8;
	[tilespmem:$0x1D200] =	vst v63  }
0x76: {  	v0 =	vld [tilespmem:$0x5130];
	_ =	sdelay $0x6  }
0x77: {  	s15 =	simm.s32 $0xEA00  }
0x78: {  	[tilespmem:s15], [sflag:$0x7] =	stream.indirect_vreg.gather [hbm4b:s5+s4], $0x80, v0, vm0, $0xb8;
	[tilespmem:$0x1D200] =	vst v63  }
0x79: {  	v0 =	vld [tilespmem:$0x5140];
	_ =	sdelay $0x6  }
0x7a: {  	s16 =	simm.s32 $0xF200  }
0x7b: {  	[tilespmem:s16], [sflag:$0x7] =	stream.indirect_vreg.gather [hbm4b:s5+s4], $0x80, v0, vm0, $0xb8;
	[tilespmem:$0x1D200] =	vst v63  }
0x7c: {  	v0 =	vld [tilespmem:$0x5150];
	_ =	sdelay $0x6  }
0x7d: {  	s17 =	simm.s32 $0xFA00  }
0x7e: {  	[tilespmem:s17], [sflag:$0x7] =	stream.indirect_vreg.gather [hbm4b:s5+s4], $0x80, v0, vm0, $0xb8;
	[tilespmem:$0x1D200] =	vst v63  }
0x7f: {  	v0 =	vld [tilespmem:$0x5160];
	_ =	sdelay $0x6  }
0x80: {  	s28 =	simm.s32 $0x10200  }
0x81: {  	[tilespmem:s28], [sflag:$0x7] =	stream.indirect_vreg.gather [hbm4b:s5+s4], $0x80, v0, vm0, $0xb8;
	[tilespmem:$0x1D200] =	vst v63  }
0x82: {  	v0 =	vld [tilespmem:$0x5170];
	_ =	sdelay $0x2  }
0x83: {  	s30 =	sshll.u32 s26, $0x2;
	p0 =	seq.s32 s26, $0x31  }
0x84: {  	p1 =	seq.s32 @!p0 s26, $0x0;
	s3 =	sadd.s32 @!p0 $0x4, s30  }
0x85: {  	p1 =	por p0, !p1;
	s9 =	sadd.s32 @!p0 s8, s3;
	s3 =	sshll.u32 @!p0 s3, $0x4  }
.Ltmp0:
0x86: {  	s9 =	sshll.u32 @!p0 s9, $0x4;
	s3 =	sand.u32 @!p0 $0x40, s3;
	(pc) =	sbr.rel @!p1 .LBB2_3-.Ltmp0, $4  }
0x87: {  	s31 =	simm.s32 $0x10A00;
	s9 =	sand.u32 @!p0 $0xFFFFF80, s9;
	s3 =	sadd.s32 @!p0 s1, s3  }
0x88: {  	[tilespmem:s31], [sflag:$0x7] =	stream.indirect_vreg.gather [hbm4b:s5+s4], $0x80, v0, vm0, $0xb8;
	[tilespmem:$0x1D200] =	vst v63  }
0x89: {  	s10 =	simm.s32 @!p0 $0x5000;
	s3 =	sadd.s32 @!p0 s9, s3;
	s9 =	simm.s32 @!p0 $0x0  }
0x8a: {  	[tilespmem:s10], [sflag:$0x1] =	stream.linear.gather @!p0 [hbm4b:s3+s9], $0x80, $0x38;
	[tilespmem:$0x1D200] =	vst v63  }
.Ltmp1:
0x8b: {  	(pc) =	sbr.rel .LBB2_5-.Ltmp1, $4  }
0x8c: {  	_ = 	snop  }
0x8d: {  	_ =	swait.ge [sflag:s19], $0x4000  }
0x8e: {  	[sflag:s19] =	ssyncset.done $0x0  }
0x8f: {  	p1 =	por $0x0, $0x0;
	[sflag:s19] =	ssyncadd.s32 $0xFFFFC000  }
.LBB2_3:
0x90: {  	p1 =	por @!p0 $0x1, $0x1  }
.LBB2_5:
0x91: {  	s3 =	smulhi.u32 $0x51EB851F, s25;
	_ =	sdelay $0x1  }
0x92: {  	s3 =	sshrl.u32 s3, $0x6  }
0x93: {  	s3 =	smul.u32 $0xC8, s3;
	_ =	sdelay $0x1  }
0x94: {  	s3 =	ssub.s32 s25, s3  }
0x95: {  	s3 =	sshll.u32 s3, $0x6  }
0x96: {  	s17 =	simm.s32 $0x5400;
	s3 =	sand.u32 $0x3F80, s3  }
0x97: {  	v0 =	vld [tilespmem:s17+$0x100];
	s9 =	sadd.s32 $0x100, s3  }
0x98: {  	v1 =	vld [tilespmem:s9+$0x80];
	_ =	sdelay $0x2  }
0x99: {  	v2 =	vld [tilespmem:s17+$0xFFFFFF00]  }
0x9a: {  	v3 =	vld [tilespmem:s9+$0xFFFFFF80]  }
0x9b: {  	v4 =	vld [tilespmem:s9+$0xFFFFFF00];
	v0 =	vadd.f32 v1, v0  }
0x9c: {  	s11 =	simm.s32 $0x15400;
	v1 =	vld [tilespmem:s17+$0xFFFFFE00]  }
0x9d: {  	[tilespmem:s11+$0x100] =	vst v0  }
0x9e: {  	v0 =	vld [tilespmem:s17+$0x180]  }
0x9f: {  	v2 =	vadd.f32 v3, v2;
	v3 =	vld [tilespmem:s9+$0xC0]  }
0xa0: {  	v5 =	vld [tilespmem:s17+$0x0]  }
0xa1: {  	v6 =	vld [tilespmem:s9+$0x0];
	[tilespmem:s11+$0xFFFFFF00] =	vst v2;
	v1 =	vadd.f32 v4, v1  }
0xa2: {  	v2 =	vld [tilespmem:s17+$0xFFFFFF80]  }
0xa3: {  	v4 =	vld [tilespmem:s9+$0xFFFFFFC0];
	[tilespmem:s11+$0xFFFFFE00] =	vst v1  }
0xa4: {  	v1 =	vld [tilespmem:s17+$0xFFFFFE80];
	v0 =	vadd.f32 v3, v0  }
0xa5: {  	v3 =	vld [tilespmem:s9+$0xFFFFFF40]  }
0xa6: {  	v5 =	vadd.f32 v6, v5;
	[tilespmem:s11+$0x180] =	vst v0  }
0xa7: {  	v0 =	vld [tilespmem:s17+$0x110]  }
0xa8: {  	[tilespmem:s11+$0x0] =	vst v5;
	v2 =	vadd.f32 v4, v2;
	v4 =	vld [tilespmem:s9+$0x90]  }
0xa9: {  	v5 =	vld [tilespmem:s17+$0x80]  }
0xaa: {  	v6 =	vld [tilespmem:s9+$0x40];
	[tilespmem:s11+$0xFFFFFF80] =	vst v2;
	v1 =	vadd.f32 v3, v1  }
0xab: {  	v2 =	vld [tilespmem:s17+$0xFFFFFF10]  }
0xac: {  	v3 =	vld [tilespmem:s9+$0xFFFFFF90];
	[tilespmem:s11+$0xFFFFFE80] =	vst v1  }
0xad: {  	v1 =	vld [tilespmem:s17+$0xFFFFFE10];
	v0 =	vadd.f32 v4, v0  }
0xae: {  	v4 =	vld [tilespmem:s9+$0xFFFFFF10]  }
0xaf: {  	v5 =	vadd.f32 v6, v5;
	[tilespmem:s11+$0x110] =	vst v0  }
0xb0: {  	v0 =	vld [tilespmem:s17+$0x190]  }
0xb1: {  	[tilespmem:s11+$0x80] =	vst v5;
	v2 =	vadd.f32 v3, v2;
	v3 =	vld [tilespmem:s9+$0xD0]  }
0xb2: {  	v5 =	vld [tilespmem:s17+$0x10]  }
0xb3: {  	[tilespmem:s11+$0xFFFFFF10] =	vst v2;
	v2 =	vld [tilespmem:s9+$0x10];
	v1 =	vadd.f32 v4, v1  }
0xb4: {  	v4 =	vld [tilespmem:s17+$0xFFFFFF90]  }
0xb5: {  	v6 =	vld [tilespmem:s9+$0xFFFFFFD0];
	[tilespmem:s11+$0xFFFFFE10] =	vst v1  }
0xb6: {  	v1 =	vld [tilespmem:s17+$0xFFFFFE90];
	v0 =	vadd.f32 v3, v0  }
0xb7: {  	v3 =	vld [tilespmem:s9+$0xFFFFFF50]  }
0xb8: {  	v2 =	vadd.f32 v2, v5;
	[tilespmem:s11+$0x190] =	vst v0  }
0xb9: {  	v0 =	vld [tilespmem:s17+$0x120]  }
0xba: {  	v4 =	vadd.f32 v6, v4;
	[tilespmem:s11+$0x10] =	vst v2;
	v2 =	vld [tilespmem:s9+$0xA0]  }
0xbb: {  	v5 =	vld [tilespmem:s17+$0x90]  }
0xbc: {  	[tilespmem:s11+$0xFFFFFF90] =	vst v4;
	v1 =	vadd.f32 v3, v1;
	v3 =	vld [tilespmem:s9+$0x50]  }
0xbd: {  	v4 =	vld [tilespmem:s17+$0xFFFFFF20]  }
0xbe: {  	[tilespmem:s11+$0xFFFFFE90] =	vst v1;
	v1 =	vld [tilespmem:s9+$0xFFFFFFA0]  }
0xbf: {  	v6 =	vld [tilespmem:s17+$0xFFFFFE20];
	v0 =	vadd.f32 v2, v0  }
0xc0: {  	v2 =	vld [tilespmem:s9+$0xFFFFFF20]  }
0xc1: {  	v3 =	vadd.f32 v3, v5;
	[tilespmem:s11+$0x120] =	vst v0  }
0xc2: {  	v0 =	vld [tilespmem:s17+$0x1A0]  }
0xc3: {  	v1 =	vadd.f32 v1, v4;
	[tilespmem:s11+$0x90] =	vst v3;
	v3 =	vld [tilespmem:s9+$0xE0]  }
0xc4: {  	v4 =	vld [tilespmem:s17+$0x20]  }
0xc5: {  	v2 =	vadd.f32 v2, v6;
	[tilespmem:s11+$0xFFFFFF20] =	vst v1;
	v1 =	vld [tilespmem:s9+$0x20]  }
0xc6: {  	v5 =	vld [tilespmem:s17+$0xFFFFFFA0]  }
0xc7: {  	s10 =	smulhi.u32 $0x51EB851F, s23;
	[tilespmem:s11+$0xFFFFFE20] =	vst v2;
	v2 =	vld [tilespmem:s9+$0xFFFFFFE0]  }
0xc8: {  	s12 =	smulhi.u32 $0x51EB851F, s22;
	v6 =	vld [tilespmem:s17+$0xFFFFFEA0];
	v0 =	vadd.f32 v3, v0  }
0xc9: {  	s13 =	smulhi.u32 $0x51EB851F, s24;
	s10 =	sshrl.u32 s10, $0x6;
	v3 =	vld [tilespmem:s9+$0xFFFFFF60]  }
0xca: {  	s12 =	sshrl.u32 s12, $0x6;
	s10 =	smul.u32 $0xC8, s10;
	v1 =	vadd.f32 v1, v4;
	[tilespmem:s11+$0x1A0] =	vst v0  }
0xcb: {  	s12 =	smul.u32 $0xC8, s12;
	v7 =	vld [tilespmem:s17+$0x130]  }
0xcc: {  	s3 =	sshrl.u32 s13, $0x6;
	v2 =	vadd.f32 v2, v5;
	v5 =	vld [tilespmem:s9+$0xB0];
	[tilespmem:s11+$0x20] =	vst v1  }
0xcd: {  	s10 =	ssub.s32 s23, s10;
	s12 =	ssub.s32 s22, s12;
	s3 =	smul.u32 $0xC8, s3;
	v0 =	vld [tilespmem:s17+$0xA0]  }
0xce: {  	s31 =	simm.s32 $0x5800;
	s10 =	sshll.u32 s10, $0x6;
	s12 =	sshll.u32 s12, $0x6;
	v3 =	vadd.f32 v3, v6;
	[tilespmem:s11+$0xFFFFFFA0] =	vst v2;
	v2 =	vld [tilespmem:s9+$0x60]  }
0xcf: {  	s15 =	sand.u32 $0x3F80, s10;
	s16 =	sand.u32 $0x3F80, s12;
	s3 =	ssub.s32 s24, s3;
	v1 =	vld [tilespmem:s17+$0xFFFFFF30]  }
0xd0: {  	s12 =	simm.s32 $0x15400;
	s15 =	sadd.s32 $0x100, s15;
	s3 =	sshll.u32 s3, $0x6;
	[tilespmem:s11+$0xFFFFFEA0] =	vst v3;
	v3 =	vld [tilespmem:s9+$0xFFFFFFB0]  }
0xd1: {  	s16 =	sadd.s32 $0x100, s16;
	s13 =	simm.s32 $0x0;
	s3 =	sand.u32 $0x3F80, s3;
	v4 =	vld [tilespmem:s17+$0xFFFFFE30];
	v6 =	vadd.f32 v5, v7  }
0xd2: {  	s10 =	smov.u32 s9;
	s28 =	sadd.s32 $0x100, s3;
	s3 =	sshll.u32 s26, $0x9;
	v5 =	vld [tilespmem:s9+$0xFFFFFF30]  }
.LBB2_6:
0xd3: {  	v7 =	vld [tilespmem:s31+$0x100];
	v0 =	vadd.f32 v2, v0;
	[tilespmem:s11+$0x130] =	vst v6  }
0xd4: {  	v2 =	vld [tilespmem:s17+$0x1B0]  }
0xd5: {  	s10 =	sadd.s32 $0x200, s10;
	v1 =	vadd.f32 v3, v1;
	[tilespmem:s11+$0xA0] =	vst v0;
	v0 =	vld [tilespmem:s9+$0xF0]  }
0xd6: {  	v3 =	vld [tilespmem:s10+$0x80]  }
0xd7: {  	v6 =	vld [tilespmem:s10+$0xFFFFFF00];
	v4 =	vadd.f32 v5, v4;
	[tilespmem:s11+$0xFFFFFF30] =	vst v1  }
0xd8: {  	v1 =	vld [tilespmem:s31+$0xFFFFFF00]  }
0xd9: {  	v5 =	vld [tilespmem:s10+$0xFFFFFF80];
	[tilespmem:s11+$0xFFFFFE30] =	vst v4  }
0xda: {  	v4 =	vld [tilespmem:s31+$0x0];
	v0 =	vadd.f32 v0, v2  }
0xdb: {  	v2 =	vld [tilespmem:s10+$0x0];
	v3 =	vadd.f32 v3, v7  }
0xdc: {  	s11 =	sadd.s32 $0x400, s11;
	v7 =	vld [tilespmem:s31+$0xFFFFFE00];
	[tilespmem:s12+$0x1B0] =	vst v0  }
0xdd: {  	s13 =	sadd.s32 $0x4, s13;
	[tilespmem:s11+$0x100] =	vst v3;
	v0 =	vld [tilespmem:s17+$0x30]  }
0xde: {  	p2 =	slt.u32 s13, $0x3C;
	v1 =	vadd.f32 v5, v1;
	v3 =	vld [tilespmem:s31+$0x180]  }
0xdf: {  	v5 =	vld [tilespmem:s10+$0xC0]  }
0xe0: {  	[tilespmem:s11+$0xFFFFFF00] =	vst v1;
	v1 =	vadd.f32 v2, v4;
	v2 =	vld [tilespmem:s9+$0x30]  }
0xe1: {  	v4 =	vadd.f32 v6, v7;
	v6 =	vld [tilespmem:s31+$0xFFFFFF80]  }
0xe2: {  	v7 =	vld [tilespmem:s10+$0xFFFFFFC0];
	[tilespmem:s11+$0x0] =	vst v1  }
0xe3: {  	[tilespmem:s11+$0xFFFFFE00] =	vst v4;
	v1 =	vld [tilespmem:s31+$0x80]  }
0xe4: {  	v4 =	vld [tilespmem:s31+$0xFFFFFE80];
	v3 =	vadd.f32 v5, v3  }
0xe5: {  	v5 =	vld [tilespmem:s10+$0xFFFFFF40];
	v0 =	vadd.f32 v2, v0  }
0xe6: {  	v2 =	vld [tilespmem:s10+$0x40];
	[tilespmem:s11+$0x180] =	vst v3  }
0xe7: {  	v3 =	vadd.f32 v7, v6;
	v6 =	vld [tilespmem:s31+$0x110];
	[tilespmem:s12+$0x30] =	vst v0  }
0xe8: {  	v0 =	vld [tilespmem:s10+$0x90]  }
0xe9: {  	[tilespmem:s11+$0xFFFFFF80] =	vst v3;
	v3 =	vld [tilespmem:s17+$0xFFFFFEB0]  }
0xea: {  	v4 =	vadd.f32 v5, v4;
	v5 =	vld [tilespmem:s31+$0xFFFFFF10]  }
0xeb: {  	v7 =	vld [tilespmem:s10+$0xFFFFFF90];
	v1 =	vadd.f32 v2, v1  }
0xec: {  	[tilespmem:s11+$0xFFFFFE80] =	vst v4;
	v2 =	vld [tilespmem:s9+$0xFFFFFF70]  }
0xed: {  	v4 =	vld [tilespmem:s31+$0xFFFFFE10];
	[tilespmem:s11+$0x80] =	vst v1;
	v0 =	vadd.f32 v0, v6  }
0xee: {  	v1 =	vld [tilespmem:s10+$0xFFFFFF10]  }
0xef: {  	v6 =	vld [tilespmem:s31+$0x10];
	[tilespmem:s11+$0x110] =	vst v0  }
0xf0: {  	v0 =	vadd.f32 v7, v5;
	v5 =	vld [tilespmem:s31+$0x190]  }
0xf1: {  	v7 =	vld [tilespmem:s10+$0xD0];
	v2 =	vadd.f32 v2, v3  }
0xf2: {  	[tilespmem:s11+$0xFFFFFF10] =	vst v0;
	v0 =	vld [tilespmem:s10+$0x10]  }
0xf3: {  	v1 =	vadd.f32 v1, v4;
	v3 =	vld [tilespmem:s31+$0xFFFFFF90];
	[tilespmem:s12+$0xFFFFFEB0] =	vst v2  }
0xf4: {  	v2 =	vld [tilespmem:s10+$0xFFFFFFD0]  }
0xf5: {  	[tilespmem:s11+$0xFFFFFE10] =	vst v1;
	v1 =	vld [tilespmem:s17+$0xFFFFFFB0]  }
0xf6: {  	v4 =	vld [tilespmem:s31+$0xFFFFFE90];
	v5 =	vadd.f32 v7, v5  }
0xf7: {  	v7 =	vld [tilespmem:s10+$0xFFFFFF50];
	v0 =	vadd.f32 v0, v6  }
0xf8: {  	[tilespmem:s11+$0x190] =	vst v5;
	v5 =	vld [tilespmem:s9+$0xFFFFFFF0]  }
0xf9: {  	v2 =	vadd.f32 v2, v3;
	[tilespmem:s11+$0x10] =	vst v0;
	v0 =	vld [tilespmem:s31+$0x120]  }
0xfa: {  	v3 =	vld [tilespmem:s10+$0xA0]  }
0xfb: {  	[tilespmem:s11+$0xFFFFFF90] =	vst v2;
	v2 =	vld [tilespmem:s31+$0x90]  }
0xfc: {  	v4 =	vadd.f32 v7, v4;
	v6 =	vld [tilespmem:s10+$0x50]  }
0xfd: {  	v7 =	vld [tilespmem:s31+$0xFFFFFF20];
	v1 =	vadd.f32 v5, v1  }
0xfe: {  	[tilespmem:s11+$0xFFFFFE90] =	vst v4;
	v4 =	vld [tilespmem:s10+$0xFFFFFFA0]  }
0xff: {  	v5 =	vld [tilespmem:s31+$0xFFFFFE20];
	v0 =	vadd.f32 v3, v0;
	[tilespmem:s12+$0xFFFFFFB0] =	vst v1  }
0x100: {  	v1 =	vld [tilespmem:s10+$0xFFFFFF20]  }
0x101: {  	v2 =	vadd.f32 v6, v2;
	[tilespmem:s11+$0x120] =	vst v0;
	v3 =	vld [tilespmem:s17+$0xB0];
	s17 =	smov.u32 s31  }
0x102: {  	v0 =	vld [tilespmem:s31+$0x1A0]  }
0x103: {  	v4 =	vadd.f32 v4, v7;
	[tilespmem:s11+$0x90] =	vst v2;
	v2 =	vld [tilespmem:s10+$0xE0]  }
0x104: {  	v6 =	vld [tilespmem:s31+$0x20]  }
0x105: {  	v1 =	vadd.f32 v1, v5;
	[tilespmem:s11+$0xFFFFFF20] =	vst v4;
	v4 =	vld [tilespmem:s10+$0x20]  }
0x106: {  	v5 =	vld [tilespmem:s31+$0xFFFFFFA0]  }
0x107: {  	[tilespmem:s11+$0xFFFFFE20] =	vst v1;
	v1 =	vld [tilespmem:s10+$0xFFFFFFE0]  }
0x108: {  	v7 =	vld [tilespmem:s31+$0xFFFFFEA0];
	v0 =	vadd.f32 v2, v0  }
0x109: {  	v2 =	vld [tilespmem:s10+$0xFFFFFF60]  }
0x10a: {  	v4 =	vadd.f32 v4, v6;
	[tilespmem:s11+$0x1A0] =	vst v0;
	v6 =	vld [tilespmem:s9+$0x70];
	s9 =	smov.u32 s10  }
0x10b: {  	v8 =	vld [tilespmem:s31+$0x130]  }
0x10c: {  	v1 =	vadd.f32 v1, v5;
	[tilespmem:s11+$0x20] =	vst v4;
	v5 =	vld [tilespmem:s10+$0xB0]  }
0x10d: {  	v0 =	vld [tilespmem:s31+$0xA0]  }
.Ltmp2:
0x10e: {  	v4 =	vadd.f32 v2, v7;
	[tilespmem:s11+$0xFFFFFFA0] =	vst v1;
	v2 =	vld [tilespmem:s10+$0x60];
	(pc) =	sbr.rel @p2 .LBB2_6-.Ltmp2, $4  }
0x10f: {  	v1 =	vld [tilespmem:s31+$0xFFFFFF30];
	v7 =	vadd.f32 v6, v3  }
0x110: {  	[tilespmem:s11+$0xFFFFFEA0] =	vst v4;
	v3 =	vld [tilespmem:s10+$0xFFFFFFB0]  }
0x111: {  	v4 =	vld [tilespmem:s31+$0xFFFFFE30];
	v6 =	vadd.f32 v5, v8;
	[tilespmem:s12+$0xB0] =	vst v7;
	s12 =	smov.u32 s11  }
0x112: {  	s31 =	sadd.s32 $0x400, s31;
	v5 =	vld [tilespmem:s10+$0xFFFFFF30]  }
0x113: {  	v0 =	vadd.f32 v2, v0;
	_ =	sdelay $0x1  }
0x114: {  	[tilespmem:s11+$0xA0] =	vst v0  }
0x115: {  	v0 =	vld [tilespmem:s17+$0x30]  }
0x116: {  	v2 =	vld [tilespmem:s9+$0x30]  }
0x117: {  	[tilespmem:s11+$0x130] =	vst v6;
	v4 =	vadd.f32 v5, v4  }
0x118: {  	v1 =	vadd.f32 v3, v1;
	v3 =	vld [tilespmem:s9+$0xF0]  }
0x119: {  	v5 =	vld [tilespmem:s17+$0x1B0];
	[tilespmem:s11+$0xFFFFFE30] =	vst v4  }
0x11a: {  	v4 =	vld [tilespmem:s17+$0xFFFFFEB0]  }
0x11b: {  	[tilespmem:s11+$0xFFFFFF30] =	vst v1;
	v1 =	vld [tilespmem:s9+$0xFFFFFF70];
	v0 =	vadd.f32 v2, v0  }
0x11c: {  	v2 =	vld [tilespmem:s17+$0xFFFFFFB0]  }
0x11d: {  	[tilespmem:s12+$0x30] =	vst v0;
	v0 =	vld [tilespmem:s9+$0xFFFFFFF0]  }
0x11e: {  	v6 =	vld [tilespmem:s17+$0xB0]  }
0x11f: {  	v7 =	vld [tilespmem:s9+$0x70];
	_ =	sdelay $0x1  }
0x120: {  	v3 =	vadd.f32 v3, v5  }
0x121: {  	v1 =	vadd.f32 v1, v4  }
0x122: {  	[tilespmem:s12+$0x1B0] =	vst v3;
	v0 =	vadd.f32 v0, v2  }
0x123: {  	s11 =	sadd.s32 s7, s3;
	[tilespmem:s12+$0xFFFFFEB0] =	vst v1;
	v1 =	vadd.f32 v7, v6  }
0x124: {  	s9 =	sshll.u32 s11, $0x4;
	[tilespmem:s12+$0xFFFFFFB0] =	vst v0  }
0x125: {  	s10 =	simm.s32 $0x15200;
	s9 =	sadd.s32 s6, s9;
	[tilespmem:s12+$0xB0] =	vst v1  }
0x126: {  	[hbm4b:s9+s4] =	stream.linear.scatter [tilespmem:s10], [sflag:$0x9], $0x4000, $0x38;
	[tilespmem:$0x1D200] =	vst v63  }
0x127: {  	_ =	swait.ge [sflag:s0], $0x800  }
0x128: {  	[sflag:s0] =	ssyncset.done $0x0  }
0x129: {  	[sflag:s0] =	ssyncadd.s32 $0xFFFFF800  }
0x12a: {  	_ =	swait.ge [sflag:s0], $0x800  }
0x12b: {  	[sflag:s0] =	ssyncset.done $0x0  }
0x12c: {  	[sflag:s0] =	ssyncadd.s32 $0xFFFFF800  }
0x12d: {  	_ =	swait.ge [sflag:s0], $0x800  }
0x12e: {  	[sflag:s0] =	ssyncset.done $0x0  }
0x12f: {  	[sflag:s0] =	ssyncadd.s32 $0xFFFFF800  }
0x130: {  	_ =	swait.ge [sflag:s0], $0x800  }
0x131: {  	[sflag:s0] =	ssyncset.done $0x0  }
0x132: {  	[sflag:s0] =	ssyncadd.s32 $0xFFFFF800  }
0x133: {  	_ =	swait.ge [sflag:s0], $0x800  }
0x134: {  	[sflag:s0] =	ssyncset.done $0x0  }
0x135: {  	[sflag:s0] =	ssyncadd.s32 $0xFFFFF800  }
0x136: {  	_ =	swait.ge [sflag:s0], $0x800  }
0x137: {  	[sflag:s0] =	ssyncset.done $0x0  }
0x138: {  	[sflag:s0] =	ssyncadd.s32 $0xFFFFF800  }
0x139: {  	_ =	swait.ge [sflag:s0], $0x800  }
0x13a: {  	[sflag:s0] =	ssyncset.done $0x0  }
0x13b: {  	[sflag:s0] =	ssyncadd.s32 $0xFFFFF800  }
0x13c: {  	_ =	swait.ge [sflag:s0], $0x800  }
0x13d: {  	[sflag:s0] =	ssyncset.done $0x0  }
0x13e: {  	[sflag:s0] =	ssyncadd.s32 $0xFFFFF800  }
0x13f: {  	_ =	swait.ge [sflag:s2], $0x80  }
0x140: {  	[sflag:s2] =	ssyncset.done $0x0  }
0x141: {  	[sflag:s2] =	ssyncadd.s32 $0xFFFFFF80  }
0x142: {  	v0 =	vld [tilespmem:$0x5180];
	_ =	sdelay $0x6  }
0x143: {  	s12 =	simm.s32 $0x11200  }
0x144: {  	[tilespmem:s12], [sflag:$0x8] =	stream.indirect_vreg.gather [hbm4b:s5+s4], $0x80, v0, vm0, $0xb8;
	[tilespmem:$0x1D200] =	vst v63  }
0x145: {  	v0 =	vld [tilespmem:$0x5190];
	_ =	sdelay $0x6  }
0x146: {  	s13 =	simm.s32 $0x11A00  }
0x147: {  	[tilespmem:s13], [sflag:$0x8] =	stream.indirect_vreg.gather [hbm4b:s5+s4], $0x80, v0, vm0, $0xb8;
	[tilespmem:$0x1D200] =	vst v63  }
0x148: {  	v0 =	vld [tilespmem:$0x51A0];
	_ =	sdelay $0x6  }
0x149: {  	s17 =	simm.s32 $0x12200  }
0x14a: {  	[tilespmem:s17], [sflag:$0x8] =	stream.indirect_vreg.gather [hbm4b:s5+s4], $0x80, v0, vm0, $0xb8;
	[tilespmem:$0x1D200] =	vst v63  }
0x14b: {  	v0 =	vld [tilespmem:$0x51B0];
	_ =	sdelay $0x6  }
0x14c: {  	s10 =	simm.s32 $0x12A00  }
0x14d: {  	[tilespmem:s10], [sflag:$0x8] =	stream.indirect_vreg.gather [hbm4b:s5+s4], $0x80, v0, vm0, $0xb8;
	[tilespmem:$0x1D200] =	vst v63  }
0x14e: {  	v0 =	vld [tilespmem:$0x51C0];
	_ =	sdelay $0x6  }
0x14f: {  	s11 =	simm.s32 $0x13200  }
0x150: {  	[tilespmem:s11], [sflag:$0x8] =	stream.indirect_vreg.gather [hbm4b:s5+s4], $0x80, v0, vm0, $0xb8;
	[tilespmem:$0x1D200] =	vst v63  }
0x151: {  	v0 =	vld [tilespmem:$0x51D0];
	_ =	sdelay $0x6  }
0x152: {  	s12 =	simm.s32 $0x13A00  }
0x153: {  	[tilespmem:s12], [sflag:$0x8] =	stream.indirect_vreg.gather [hbm4b:s5+s4], $0x80, v0, vm0, $0xb8;
	[tilespmem:$0x1D200] =	vst v63  }
0x154: {  	v0 =	vld [tilespmem:$0x51E0];
	_ =	sdelay $0x6  }
0x155: {  	s13 =	simm.s32 $0x14200  }
0x156: {  	[tilespmem:s13], [sflag:$0x8] =	stream.indirect_vreg.gather [hbm4b:s5+s4], $0x80, v0, vm0, $0xb8;
	[tilespmem:$0x1D200] =	vst v63  }
0x157: {  	v0 =	vld [tilespmem:$0x51F0];
	_ =	sdelay $0x3  }
0x158: {  	s9 =	sadd.s32 @!p0 $0x5, s30  }
0x159: {  	s10 =	sadd.s32 @!p0 s8, s9;
	s9 =	sshll.u32 @!p0 s9, $0x4  }
0x15a: {  	s10 =	sshll.u32 @!p0 s10, $0x4;
	s9 =	sand.u32 @!p0 $0x50, s9  }
0x15b: {  	s17 =	simm.s32 $0x14A00;
	s10 =	sand.u32 @!p0 $0xFFFFF80, s10;
	s9 =	sadd.s32 @!p0 s1, s9  }
0x15c: {  	[tilespmem:s17], [sflag:$0x8] =	stream.indirect_vreg.gather [hbm4b:s5+s4], $0x80, v0, vm0, $0xb8;
	[tilespmem:$0x1D200] =	vst v63  }
0x15d: {  	s9 =	sadd.s32 @!p0 s10, s9;
	s10 =	simm.s32 @!p0 $0x0;
	s11 =	simm.s32 @!p0 $0x5080  }
0x15e: {  	[tilespmem:s11], [sflag:$0x2] =	stream.linear.gather @!p0 [hbm4b:s9+s10], $0x80, $0x38;
	[tilespmem:$0x1D200] =	vst v63  }
0x15f: {  	s9 =	simm.s32 @!p1 $0xA  }
0x160: {  	_ =	swait.ge @!p1 [sflag:s9], $0x4000  }
0x161: {  	[sflag:s9] =	ssyncset.done @!p1 $0x0  }
0x162: {  	s10 =	simm.s32 $0x9400;
	[sflag:s9] =	ssyncadd.s32 @!p1 $0xFFFFC000  }
0x163: {  	v0 =	vld [tilespmem:s10+$0x100]  }
0x164: {  	v1 =	vld [tilespmem:s16+$0x80];
	_ =	sdelay $0x2  }
0x165: {  	v2 =	vld [tilespmem:s10+$0xFFFFFF00]  }
0x166: {  	v3 =	vld [tilespmem:s16+$0xFFFFFF80]  }
0x167: {  	v4 =	vld [tilespmem:s16+$0xFFFFFF00];
	v0 =	vadd.f32 v1, v0  }
0x168: {  	s11 =	simm.s32 $0x19400;
	v1 =	vld [tilespmem:s10+$0xFFFFFE00]  }
0x169: {  	[tilespmem:s11+$0x100] =	vst v0  }
0x16a: {  	v0 =	vld [tilespmem:s10+$0x180]  }
0x16b: {  	v2 =	vadd.f32 v3, v2;
	v3 =	vld [tilespmem:s16+$0xC0]  }
0x16c: {  	v5 =	vld [tilespmem:s10+$0x0]  }
0x16d: {  	v6 =	vld [tilespmem:s16+$0x0];
	[tilespmem:s11+$0xFFFFFF00] =	vst v2;
	v1 =	vadd.f32 v4, v1  }
0x16e: {  	v2 =	vld [tilespmem:s10+$0xFFFFFF80]  }
0x16f: {  	v4 =	vld [tilespmem:s16+$0xFFFFFFC0];
	[tilespmem:s11+$0xFFFFFE00] =	vst v1  }
0x170: {  	v1 =	vld [tilespmem:s10+$0xFFFFFE80];
	v0 =	vadd.f32 v3, v0  }
0x171: {  	v3 =	vld [tilespmem:s16+$0xFFFFFF40]  }
0x172: {  	v5 =	vadd.f32 v6, v5;
	[tilespmem:s11+$0x180] =	vst v0  }
0x173: {  	v0 =	vld [tilespmem:s10+$0x110]  }
0x174: {  	[tilespmem:s11+$0x0] =	vst v5;
	v2 =	vadd.f32 v4, v2;
	v4 =	vld [tilespmem:s16+$0x90]  }
0x175: {  	v5 =	vld [tilespmem:s10+$0x80]  }
0x176: {  	v6 =	vld [tilespmem:s16+$0x40];
	[tilespmem:s11+$0xFFFFFF80] =	vst v2;
	v1 =	vadd.f32 v3, v1  }
0x177: {  	v2 =	vld [tilespmem:s10+$0xFFFFFF10]  }
0x178: {  	v3 =	vld [tilespmem:s16+$0xFFFFFF90];
	[tilespmem:s11+$0xFFFFFE80] =	vst v1  }
0x179: {  	v1 =	vld [tilespmem:s10+$0xFFFFFE10];
	v0 =	vadd.f32 v4, v0  }
0x17a: {  	v4 =	vld [tilespmem:s16+$0xFFFFFF10]  }
0x17b: {  	v5 =	vadd.f32 v6, v5;
	[tilespmem:s11+$0x110] =	vst v0  }
0x17c: {  	v0 =	vld [tilespmem:s10+$0x190]  }
0x17d: {  	[tilespmem:s11+$0x80] =	vst v5;
	v2 =	vadd.f32 v3, v2;
	v3 =	vld [tilespmem:s16+$0xD0]  }
0x17e: {  	v5 =	vld [tilespmem:s10+$0x10]  }
0x17f: {  	[tilespmem:s11+$0xFFFFFF10] =	vst v2;
	v2 =	vld [tilespmem:s16+$0x10];
	v1 =	vadd.f32 v4, v1  }
0x180: {  	v4 =	vld [tilespmem:s10+$0xFFFFFF90]  }
0x181: {  	v6 =	vld [tilespmem:s16+$0xFFFFFFD0];
	[tilespmem:s11+$0xFFFFFE10] =	vst v1  }
0x182: {  	v1 =	vld [tilespmem:s10+$0xFFFFFE90];
	v0 =	vadd.f32 v3, v0  }
0x183: {  	v3 =	vld [tilespmem:s16+$0xFFFFFF50]  }
0x184: {  	v2 =	vadd.f32 v2, v5;
	[tilespmem:s11+$0x190] =	vst v0  }
0x185: {  	v0 =	vld [tilespmem:s10+$0x120]  }
0x186: {  	v4 =	vadd.f32 v6, v4;
	[tilespmem:s11+$0x10] =	vst v2;
	v2 =	vld [tilespmem:s16+$0xA0]  }
0x187: {  	v5 =	vld [tilespmem:s10+$0x90]  }
0x188: {  	[tilespmem:s11+$0xFFFFFF90] =	vst v4;
	v1 =	vadd.f32 v3, v1;
	v3 =	vld [tilespmem:s16+$0x50]  }
0x189: {  	v4 =	vld [tilespmem:s10+$0xFFFFFF20]  }
0x18a: {  	[tilespmem:s11+$0xFFFFFE90] =	vst v1;
	v1 =	vld [tilespmem:s16+$0xFFFFFFA0]  }
0x18b: {  	v6 =	vld [tilespmem:s10+$0xFFFFFE20];
	v0 =	vadd.f32 v2, v0  }
0x18c: {  	v2 =	vld [tilespmem:s16+$0xFFFFFF20]  }
0x18d: {  	v3 =	vadd.f32 v3, v5;
	[tilespmem:s11+$0x120] =	vst v0  }
0x18e: {  	v0 =	vld [tilespmem:s10+$0x1A0]  }
0x18f: {  	v1 =	vadd.f32 v1, v4;
	[tilespmem:s11+$0x90] =	vst v3;
	v3 =	vld [tilespmem:s16+$0xE0]  }
0x190: {  	v4 =	vld [tilespmem:s10+$0x20]  }
0x191: {  	v2 =	vadd.f32 v2, v6;
	[tilespmem:s11+$0xFFFFFF20] =	vst v1;
	v1 =	vld [tilespmem:s16+$0x20]  }
0x192: {  	v5 =	vld [tilespmem:s10+$0xFFFFFFA0]  }
0x193: {  	[tilespmem:s11+$0xFFFFFE20] =	vst v2;
	v2 =	vld [tilespmem:s16+$0xFFFFFFE0]  }
0x194: {  	v6 =	vld [tilespmem:s10+$0xFFFFFEA0];
	v0 =	vadd.f32 v3, v0  }
0x195: {  	v3 =	vld [tilespmem:s16+$0xFFFFFF60]  }
0x196: {  	v1 =	vadd.f32 v1, v4;
	[tilespmem:s11+$0x1A0] =	vst v0  }
0x197: {  	v7 =	vld [tilespmem:s10+$0x130]  }
0x198: {  	v0 =	vadd.f32 v2, v5;
	v5 =	vld [tilespmem:s16+$0xB0];
	[tilespmem:s11+$0x20] =	vst v1  }
0x199: {  	v1 =	vld [tilespmem:s10+$0xA0]  }
0x19a: {  	v2 =	vadd.f32 v3, v6;
	[tilespmem:s11+$0xFFFFFFA0] =	vst v0;
	v4 =	vld [tilespmem:s16+$0x60]  }
0x19b: {  	v0 =	vld [tilespmem:s10+$0xFFFFFF30]  }
0x19c: {  	v3 =	vld [tilespmem:s16+$0xFFFFFFB0];
	[tilespmem:s11+$0xFFFFFEA0] =	vst v2  }
0x19d: {  	s31 =	simm.s32 $0x9800;
	s12 =	simm.s32 $0x19400;
	v2 =	vld [tilespmem:s10+$0xFFFFFE30];
	v6 =	vadd.f32 v5, v7  }
0x19e: {  	s13 =	simm.s32 $0x0;
	s17 =	sor.u32 $0x80, s3;
	s9 =	smov.u32 s16;
	v5 =	vld [tilespmem:s16+$0xFFFFFF30]  }
.LBB2_8:
0x19f: {  	v7 =	vld [tilespmem:s31+$0x100];
	v1 =	vadd.f32 v4, v1;
	[tilespmem:s11+$0x130] =	vst v6  }
0x1a0: {  	v4 =	vld [tilespmem:s10+$0x1B0]  }
0x1a1: {  	s9 =	sadd.s32 $0x200, s9;
	v0 =	vadd.f32 v3, v0;
	[tilespmem:s11+$0xA0] =	vst v1;
	v1 =	vld [tilespmem:s16+$0xF0]  }
0x1a2: {  	v3 =	vld [tilespmem:s9+$0x80]  }
0x1a3: {  	v6 =	vld [tilespmem:s9+$0xFFFFFF00];
	v2 =	vadd.f32 v5, v2;
	[tilespmem:s11+$0xFFFFFF30] =	vst v0  }
0x1a4: {  	v0 =	vld [tilespmem:s31+$0xFFFFFF00]  }
0x1a5: {  	v5 =	vld [tilespmem:s9+$0xFFFFFF80];
	[tilespmem:s11+$0xFFFFFE30] =	vst v2  }
0x1a6: {  	v2 =	vld [tilespmem:s31+$0x0];
	v1 =	vadd.f32 v1, v4  }
0x1a7: {  	v4 =	vld [tilespmem:s9+$0x0];
	v3 =	vadd.f32 v3, v7  }
0x1a8: {  	s11 =	sadd.s32 $0x400, s11;
	v7 =	vld [tilespmem:s31+$0xFFFFFE00];
	[tilespmem:s12+$0x1B0] =	vst v1  }
0x1a9: {  	s13 =	sadd.s32 $0x4, s13;
	[tilespmem:s11+$0x100] =	vst v3;
	v1 =	vld [tilespmem:s10+$0x30]  }
0x1aa: {  	p1 =	slt.u32 s13, $0x3C;
	v0 =	vadd.f32 v5, v0;
	v3 =	vld [tilespmem:s31+$0x180]  }
0x1ab: {  	v5 =	vld [tilespmem:s9+$0xC0]  }
0x1ac: {  	[tilespmem:s11+$0xFFFFFF00] =	vst v0;
	v0 =	vadd.f32 v4, v2;
	v2 =	vld [tilespmem:s16+$0x30]  }
0x1ad: {  	v4 =	vadd.f32 v6, v7;
	v6 =	vld [tilespmem:s31+$0xFFFFFF80]  }
0x1ae: {  	v7 =	vld [tilespmem:s9+$0xFFFFFFC0];
	[tilespmem:s11+$0x0] =	vst v0  }
0x1af: {  	[tilespmem:s11+$0xFFFFFE00] =	vst v4;
	v0 =	vld [tilespmem:s31+$0x80]  }
0x1b0: {  	v4 =	vld [tilespmem:s31+$0xFFFFFE80];
	v3 =	vadd.f32 v5, v3  }
0x1b1: {  	v5 =	vld [tilespmem:s9+$0xFFFFFF40];
	v1 =	vadd.f32 v2, v1  }
0x1b2: {  	v2 =	vld [tilespmem:s9+$0x40];
	[tilespmem:s11+$0x180] =	vst v3  }
0x1b3: {  	v3 =	vadd.f32 v7, v6;
	v6 =	vld [tilespmem:s31+$0x110];
	[tilespmem:s12+$0x30] =	vst v1  }
0x1b4: {  	v1 =	vld [tilespmem:s9+$0x90]  }
0x1b5: {  	[tilespmem:s11+$0xFFFFFF80] =	vst v3;
	v3 =	vld [tilespmem:s10+$0xFFFFFEB0]  }
0x1b6: {  	v4 =	vadd.f32 v5, v4;
	v5 =	vld [tilespmem:s31+$0xFFFFFF10]  }
0x1b7: {  	v7 =	vld [tilespmem:s9+$0xFFFFFF90];
	v0 =	vadd.f32 v2, v0  }
0x1b8: {  	[tilespmem:s11+$0xFFFFFE80] =	vst v4;
	v2 =	vld [tilespmem:s16+$0xFFFFFF70]  }
0x1b9: {  	v4 =	vld [tilespmem:s31+$0xFFFFFE10];
	[tilespmem:s11+$0x80] =	vst v0;
	v0 =	vadd.f32 v1, v6  }
0x1ba: {  	v1 =	vld [tilespmem:s9+$0xFFFFFF10]  }
0x1bb: {  	v6 =	vld [tilespmem:s31+$0x10];
	[tilespmem:s11+$0x110] =	vst v0  }
0x1bc: {  	v0 =	vadd.f32 v7, v5;
	v5 =	vld [tilespmem:s31+$0x190]  }
0x1bd: {  	v7 =	vld [tilespmem:s9+$0xD0];
	v2 =	vadd.f32 v2, v3  }
0x1be: {  	[tilespmem:s11+$0xFFFFFF10] =	vst v0;
	v0 =	vld [tilespmem:s9+$0x10]  }
0x1bf: {  	v1 =	vadd.f32 v1, v4;
	v3 =	vld [tilespmem:s31+$0xFFFFFF90];
	[tilespmem:s12+$0xFFFFFEB0] =	vst v2  }
0x1c0: {  	v2 =	vld [tilespmem:s9+$0xFFFFFFD0]  }
0x1c1: {  	[tilespmem:s11+$0xFFFFFE10] =	vst v1;
	v1 =	vld [tilespmem:s10+$0xFFFFFFB0]  }
0x1c2: {  	v4 =	vld [tilespmem:s31+$0xFFFFFE90];
	v5 =	vadd.f32 v7, v5  }
0x1c3: {  	v7 =	vld [tilespmem:s9+$0xFFFFFF50];
	v0 =	vadd.f32 v0, v6  }
0x1c4: {  	[tilespmem:s11+$0x190] =	vst v5;
	v5 =	vld [tilespmem:s16+$0xFFFFFFF0]  }
0x1c5: {  	v2 =	vadd.f32 v2, v3;
	[tilespmem:s11+$0x10] =	vst v0;
	v0 =	vld [tilespmem:s31+$0x120]  }
0x1c6: {  	v3 =	vld [tilespmem:s9+$0xA0]  }
0x1c7: {  	[tilespmem:s11+$0xFFFFFF90] =	vst v2;
	v2 =	vld [tilespmem:s31+$0x90]  }
0x1c8: {  	v4 =	vadd.f32 v7, v4;
	v6 =	vld [tilespmem:s9+$0x50]  }
0x1c9: {  	v7 =	vld [tilespmem:s31+$0xFFFFFF20];
	v1 =	vadd.f32 v5, v1  }
0x1ca: {  	[tilespmem:s11+$0xFFFFFE90] =	vst v4;
	v4 =	vld [tilespmem:s9+$0xFFFFFFA0]  }
0x1cb: {  	v5 =	vld [tilespmem:s31+$0xFFFFFE20];
	v0 =	vadd.f32 v3, v0;
	[tilespmem:s12+$0xFFFFFFB0] =	vst v1  }
0x1cc: {  	v1 =	vld [tilespmem:s9+$0xFFFFFF20]  }
0x1cd: {  	v2 =	vadd.f32 v6, v2;
	[tilespmem:s11+$0x120] =	vst v0;
	v3 =	vld [tilespmem:s10+$0xB0];
	s10 =	smov.u32 s31  }
0x1ce: {  	v0 =	vld [tilespmem:s31+$0x1A0]  }
0x1cf: {  	v4 =	vadd.f32 v4, v7;
	[tilespmem:s11+$0x90] =	vst v2;
	v2 =	vld [tilespmem:s9+$0xE0]  }
0x1d0: {  	v6 =	vld [tilespmem:s31+$0x20]  }
0x1d1: {  	v1 =	vadd.f32 v1, v5;
	[tilespmem:s11+$0xFFFFFF20] =	vst v4;
	v4 =	vld [tilespmem:s9+$0x20]  }
0x1d2: {  	v5 =	vld [tilespmem:s31+$0xFFFFFFA0]  }
0x1d3: {  	[tilespmem:s11+$0xFFFFFE20] =	vst v1;
	v1 =	vld [tilespmem:s9+$0xFFFFFFE0]  }
0x1d4: {  	v7 =	vld [tilespmem:s31+$0xFFFFFEA0];
	v0 =	vadd.f32 v2, v0  }
0x1d5: {  	v2 =	vld [tilespmem:s9+$0xFFFFFF60]  }
0x1d6: {  	v4 =	vadd.f32 v4, v6;
	[tilespmem:s11+$0x1A0] =	vst v0;
	v6 =	vld [tilespmem:s16+$0x70];
	s16 =	smov.u32 s9  }
0x1d7: {  	v8 =	vld [tilespmem:s31+$0x130]  }
0x1d8: {  	v0 =	vadd.f32 v1, v5;
	[tilespmem:s11+$0x20] =	vst v4;
	v5 =	vld [tilespmem:s9+$0xB0]  }
0x1d9: {  	v1 =	vld [tilespmem:s31+$0xA0]  }
.Ltmp3:
0x1da: {  	v2 =	vadd.f32 v2, v7;
	[tilespmem:s11+$0xFFFFFFA0] =	vst v0;
	v4 =	vld [tilespmem:s9+$0x60];
	(pc) =	sbr.rel @p1 .LBB2_8-.Ltmp3, $4  }
0x1db: {  	v0 =	vld [tilespmem:s31+$0xFFFFFF30];
	v7 =	vadd.f32 v6, v3  }
0x1dc: {  	[tilespmem:s11+$0xFFFFFEA0] =	vst v2;
	v3 =	vld [tilespmem:s9+$0xFFFFFFB0]  }
0x1dd: {  	v2 =	vld [tilespmem:s31+$0xFFFFFE30];
	v6 =	vadd.f32 v5, v8;
	[tilespmem:s12+$0xB0] =	vst v7;
	s12 =	smov.u32 s11  }
0x1de: {  	s31 =	sadd.s32 $0x400, s31;
	v5 =	vld [tilespmem:s9+$0xFFFFFF30]  }
0x1df: {  	v1 =	vadd.f32 v4, v1;
	_ =	sdelay $0x1  }
0x1e0: {  	[tilespmem:s11+$0xA0] =	vst v1  }
0x1e1: {  	v1 =	vld [tilespmem:s10+$0x30]  }
0x1e2: {  	v4 =	vld [tilespmem:s16+$0x30]  }
0x1e3: {  	[tilespmem:s11+$0x130] =	vst v6;
	v2 =	vadd.f32 v5, v2  }
0x1e4: {  	v0 =	vadd.f32 v3, v0;
	v3 =	vld [tilespmem:s16+$0xF0]  }
0x1e5: {  	v5 =	vld [tilespmem:s10+$0x1B0];
	[tilespmem:s11+$0xFFFFFE30] =	vst v2  }
0x1e6: {  	v2 =	vld [tilespmem:s10+$0xFFFFFEB0]  }
0x1e7: {  	[tilespmem:s11+$0xFFFFFF30] =	vst v0;
	v0 =	vadd.f32 v4, v1;
	v1 =	vld [tilespmem:s16+$0xFFFFFF70]  }
0x1e8: {  	v4 =	vld [tilespmem:s10+$0xFFFFFFB0]  }
0x1e9: {  	[tilespmem:s12+$0x30] =	vst v0;
	v0 =	vld [tilespmem:s16+$0xFFFFFFF0]  }
0x1ea: {  	v6 =	vld [tilespmem:s10+$0xB0]  }
0x1eb: {  	v7 =	vld [tilespmem:s16+$0x70];
	_ =	sdelay $0x1  }
0x1ec: {  	v3 =	vadd.f32 v3, v5  }
0x1ed: {  	v1 =	vadd.f32 v1, v2  }
0x1ee: {  	[tilespmem:s12+$0x1B0] =	vst v3;
	v0 =	vadd.f32 v0, v4  }
0x1ef: {  	s9 =	sadd.s32 s7, s17;
	[tilespmem:s12+$0xFFFFFEB0] =	vst v1;
	v1 =	vadd.f32 v7, v6  }
0x1f0: {  	s9 =	sshll.u32 s9, $0x4;
	[tilespmem:s12+$0xFFFFFFB0] =	vst v0  }
0x1f1: {  	s31 =	simm.s32 $0x19200;
	s9 =	sadd.s32 s6, s9;
	[tilespmem:s12+$0xB0] =	vst v1  }
0x1f2: {  	[hbm4b:s9+s4] =	stream.linear.scatter [tilespmem:s31], [sflag:$0xA], $0x4000, $0x38;
	[tilespmem:$0x1D200] =	vst v63  }
0x1f3: {  	_ =	swait.ge [sflag:s14], $0x800  }
0x1f4: {  	[sflag:s14] =	ssyncset.done $0x0  }
0x1f5: {  	[sflag:s14] =	ssyncadd.s32 $0xFFFFF800  }
0x1f6: {  	_ =	swait.ge [sflag:s14], $0x800  }
0x1f7: {  	[sflag:s14] =	ssyncset.done $0x0  }
0x1f8: {  	[sflag:s14] =	ssyncadd.s32 $0xFFFFF800  }
0x1f9: {  	_ =	swait.ge [sflag:s14], $0x800  }
0x1fa: {  	[sflag:s14] =	ssyncset.done $0x0  }
0x1fb: {  	[sflag:s14] =	ssyncadd.s32 $0xFFFFF800  }
0x1fc: {  	_ =	swait.ge [sflag:s14], $0x800  }
0x1fd: {  	[sflag:s14] =	ssyncset.done $0x0  }
0x1fe: {  	[sflag:s14] =	ssyncadd.s32 $0xFFFFF800  }
0x1ff: {  	_ =	swait.ge [sflag:s14], $0x800  }
0x200: {  	[sflag:s14] =	ssyncset.done $0x0  }
0x201: {  	[sflag:s14] =	ssyncadd.s32 $0xFFFFF800  }
0x202: {  	_ =	swait.ge [sflag:s14], $0x800  }
0x203: {  	[sflag:s14] =	ssyncset.done $0x0  }
0x204: {  	[sflag:s14] =	ssyncadd.s32 $0xFFFFF800  }
0x205: {  	_ =	swait.ge [sflag:s14], $0x800  }
0x206: {  	[sflag:s14] =	ssyncset.done $0x0  }
0x207: {  	[sflag:s14] =	ssyncadd.s32 $0xFFFFF800  }
0x208: {  	_ =	swait.ge [sflag:s14], $0x800  }
0x209: {  	[sflag:s14] =	ssyncset.done $0x0  }
0x20a: {  	s9 =	simm.s32 @!p0 $0x1;
	[sflag:s14] =	ssyncadd.s32 $0xFFFFF800  }
0x20b: {  	_ =	swait.ge @!p0 [sflag:s9], $0x80  }
0x20c: {  	[sflag:s9] =	ssyncset.done @!p0 $0x0  }
0x20d: {  	[sflag:s9] =	ssyncadd.s32 @!p0 $0xFFFFFF80  }
0x20e: {  	v0 =	vld @!p0 [tilespmem:$0x5000];
	_ =	sdelay $0x6  }
0x20f: {  	vm1 =	vmmov @!p0 $0xffff;
	s10 =	simm.s32 @!p0 $0x5200;
	s9 =	simm.s32 @!p0 $0x0  }
0x210: {  	[tilespmem:s10], [sflag:$0x5] =	stream.indirect_vreg.gather @!p0 [hbm4b:s5+s9], $0x80, v0, vm1, $0xb8;
	[tilespmem:$0x1D200] =	vst v63  }
0x211: {  	v0 =	vld @!p0 [tilespmem:$0x5010];
	_ =	sdelay $0x6  }
0x212: {  	s10 =	simm.s32 @!p0 $0x5A00  }
0x213: {  	[tilespmem:s10], [sflag:$0x5] =	stream.indirect_vreg.gather @!p0 [hbm4b:s5+s9], $0x80, v0, vm1, $0xb8;
	[tilespmem:$0x1D200] =	vst v63  }
0x214: {  	v0 =	vld @!p0 [tilespmem:$0x5020];
	_ =	sdelay $0x6  }
0x215: {  	s10 =	simm.s32 @!p0 $0x6200  }
0x216: {  	[tilespmem:s10], [sflag:$0x5] =	stream.indirect_vreg.gather @!p0 [hbm4b:s5+s9], $0x80, v0, vm1, $0xb8;
	[tilespmem:$0x1D200] =	vst v63  }
0x217: {  	v0 =	vld @!p0 [tilespmem:$0x5030];
	_ =	sdelay $0x6  }
0x218: {  	s10 =	simm.s32 @!p0 $0x6A00  }
0x219: {  	[tilespmem:s10], [sflag:$0x5] =	stream.indirect_vreg.gather @!p0 [hbm4b:s5+s9], $0x80, v0, vm1, $0xb8;
	[tilespmem:$0x1D200] =	vst v63  }
0x21a: {  	v0 =	vld @!p0 [tilespmem:$0x5040];
	_ =	sdelay $0x6  }
0x21b: {  	s10 =	simm.s32 @!p0 $0x7200  }
0x21c: {  	[tilespmem:s10], [sflag:$0x5] =	stream.indirect_vreg.gather @!p0 [hbm4b:s5+s9], $0x80, v0, vm1, $0xb8;
	[tilespmem:$0x1D200] =	vst v63  }
0x21d: {  	v0 =	vld @!p0 [tilespmem:$0x5050];
	_ =	sdelay $0x6  }
0x21e: {  	s10 =	simm.s32 @!p0 $0x7A00  }
0x21f: {  	[tilespmem:s10], [sflag:$0x5] =	stream.indirect_vreg.gather @!p0 [hbm4b:s5+s9], $0x80, v0, vm1, $0xb8;
	[tilespmem:$0x1D200] =	vst v63  }
0x220: {  	v0 =	vld @!p0 [tilespmem:$0x5060];
	_ =	sdelay $0x6  }
0x221: {  	s10 =	simm.s32 @!p0 $0x8200  }
0x222: {  	[tilespmem:s10], [sflag:$0x5] =	stream.indirect_vreg.gather @!p0 [hbm4b:s5+s9], $0x80, v0, vm1, $0xb8;
	[tilespmem:$0x1D200] =	vst v63  }
0x223: {  	v0 =	vld @!p0 [tilespmem:$0x5070];
	_ =	sdelay $0x6  }
0x224: {  	s10 =	simm.s32 @!p0 $0x8A00  }
0x225: {  	[tilespmem:s10], [sflag:$0x5] =	stream.indirect_vreg.gather @!p0 [hbm4b:s5+s9], $0x80, v0, vm1, $0xb8;
	[tilespmem:$0x1D200] =	vst v63  }
0x226: {  	s10 =	sadd.s32 @!p0 $0x6, s30  }
0x227: {  	s11 =	sadd.s32 @!p0 s8, s10;
	s10 =	sshll.u32 @!p0 s10, $0x4  }
0x228: {  	s11 =	sshll.u32 @!p0 s11, $0x4;
	s10 =	sand.u32 @!p0 $0x60, s10  }
0x229: {  	s11 =	sand.u32 @!p0 $0xFFFFF80, s11;
	s10 =	sadd.s32 @!p0 s1, s10  }
0x22a: {  	s10 =	sadd.s32 @!p0 s11, s10;
	s11 =	simm.s32 @!p0 $0x5100  }
0x22b: {  	[tilespmem:s11], [sflag:$0x3] =	stream.linear.gather @!p0 [hbm4b:s10+s9], $0x80, $0x38;
	[tilespmem:$0x1D200] =	vst v63  }
0x22c: {  	_ =	swait.ge [sflag:s19], $0x4000  }
0x22d: {  	[sflag:s19] =	ssyncset.done $0x0  }
0x22e: {  	s10 =	simm.s32 $0xD400;
	[sflag:s19] =	ssyncadd.s32 $0xFFFFC000  }
0x22f: {  	v0 =	vld [tilespmem:s10+$0x100]  }
0x230: {  	v1 =	vld [tilespmem:s15+$0x80];
	_ =	sdelay $0x2  }
0x231: {  	v2 =	vld [tilespmem:s10+$0xFFFFFF00]  }
0x232: {  	v3 =	vld [tilespmem:s15+$0xFFFFFF80]  }
0x233: {  	v4 =	vld [tilespmem:s15+$0xFFFFFF00];
	v0 =	vadd.f32 v1, v0  }
0x234: {  	s11 =	simm.s32 $0x15400;
	v1 =	vld [tilespmem:s10+$0xFFFFFE00]  }
0x235: {  	[tilespmem:s11+$0x100] =	vst v0  }
0x236: {  	v0 =	vld [tilespmem:s10+$0x180]  }
0x237: {  	v2 =	vadd.f32 v3, v2;
	v3 =	vld [tilespmem:s15+$0xC0]  }
0x238: {  	v5 =	vld [tilespmem:s10+$0x0]  }
0x239: {  	v6 =	vld [tilespmem:s15+$0x0];
	[tilespmem:s11+$0xFFFFFF00] =	vst v2;
	v1 =	vadd.f32 v4, v1  }
0x23a: {  	v2 =	vld [tilespmem:s10+$0xFFFFFF80]  }
0x23b: {  	v4 =	vld [tilespmem:s15+$0xFFFFFFC0];
	[tilespmem:s11+$0xFFFFFE00] =	vst v1  }
0x23c: {  	v1 =	vld [tilespmem:s10+$0xFFFFFE80];
	v0 =	vadd.f32 v3, v0  }
0x23d: {  	v3 =	vld [tilespmem:s15+$0xFFFFFF40]  }
0x23e: {  	v5 =	vadd.f32 v6, v5;
	[tilespmem:s11+$0x180] =	vst v0  }
0x23f: {  	v0 =	vld [tilespmem:s10+$0x110]  }
0x240: {  	[tilespmem:s11+$0x0] =	vst v5;
	v2 =	vadd.f32 v4, v2;
	v4 =	vld [tilespmem:s15+$0x90]  }
0x241: {  	v5 =	vld [tilespmem:s10+$0x80]  }
0x242: {  	v6 =	vld [tilespmem:s15+$0x40];
	[tilespmem:s11+$0xFFFFFF80] =	vst v2;
	v1 =	vadd.f32 v3, v1  }
0x243: {  	v2 =	vld [tilespmem:s10+$0xFFFFFF10]  }
0x244: {  	v3 =	vld [tilespmem:s15+$0xFFFFFF90];
	[tilespmem:s11+$0xFFFFFE80] =	vst v1  }
0x245: {  	v1 =	vld [tilespmem:s10+$0xFFFFFE10];
	v0 =	vadd.f32 v4, v0  }
0x246: {  	v4 =	vld [tilespmem:s15+$0xFFFFFF10]  }
0x247: {  	v5 =	vadd.f32 v6, v5;
	[tilespmem:s11+$0x110] =	vst v0  }
0x248: {  	v0 =	vld [tilespmem:s10+$0x190]  }
0x249: {  	[tilespmem:s11+$0x80] =	vst v5;
	v2 =	vadd.f32 v3, v2;
	v3 =	vld [tilespmem:s15+$0xD0]  }
0x24a: {  	v5 =	vld [tilespmem:s10+$0x10]  }
0x24b: {  	[tilespmem:s11+$0xFFFFFF10] =	vst v2;
	v2 =	vld [tilespmem:s15+$0x10];
	v1 =	vadd.f32 v4, v1  }
0x24c: {  	v4 =	vld [tilespmem:s10+$0xFFFFFF90]  }
0x24d: {  	v6 =	vld [tilespmem:s15+$0xFFFFFFD0];
	[tilespmem:s11+$0xFFFFFE10] =	vst v1  }
0x24e: {  	v1 =	vld [tilespmem:s10+$0xFFFFFE90];
	v0 =	vadd.f32 v3, v0  }
0x24f: {  	v3 =	vld [tilespmem:s15+$0xFFFFFF50]  }
0x250: {  	v2 =	vadd.f32 v2, v5;
	[tilespmem:s11+$0x190] =	vst v0  }
0x251: {  	v0 =	vld [tilespmem:s10+$0x120]  }
0x252: {  	v4 =	vadd.f32 v6, v4;
	[tilespmem:s11+$0x10] =	vst v2;
	v2 =	vld [tilespmem:s15+$0xA0]  }
0x253: {  	v5 =	vld [tilespmem:s10+$0x90]  }
0x254: {  	[tilespmem:s11+$0xFFFFFF90] =	vst v4;
	v1 =	vadd.f32 v3, v1;
	v3 =	vld [tilespmem:s15+$0x50]  }
0x255: {  	v4 =	vld [tilespmem:s10+$0xFFFFFF20]  }
0x256: {  	[tilespmem:s11+$0xFFFFFE90] =	vst v1;
	v1 =	vld [tilespmem:s15+$0xFFFFFFA0]  }
0x257: {  	v6 =	vld [tilespmem:s10+$0xFFFFFE20];
	v0 =	vadd.f32 v2, v0  }
0x258: {  	v2 =	vld [tilespmem:s15+$0xFFFFFF20]  }
0x259: {  	v3 =	vadd.f32 v3, v5;
	[tilespmem:s11+$0x120] =	vst v0  }
0x25a: {  	v0 =	vld [tilespmem:s10+$0x1A0]  }
0x25b: {  	v1 =	vadd.f32 v1, v4;
	[tilespmem:s11+$0x90] =	vst v3;
	v3 =	vld [tilespmem:s15+$0xE0]  }
0x25c: {  	v4 =	vld [tilespmem:s10+$0x20]  }
0x25d: {  	v2 =	vadd.f32 v2, v6;
	[tilespmem:s11+$0xFFFFFF20] =	vst v1;
	v1 =	vld [tilespmem:s15+$0x20]  }
0x25e: {  	v5 =	vld [tilespmem:s10+$0xFFFFFFA0]  }
0x25f: {  	[tilespmem:s11+$0xFFFFFE20] =	vst v2;
	v2 =	vld [tilespmem:s15+$0xFFFFFFE0]  }
0x260: {  	v6 =	vld [tilespmem:s10+$0xFFFFFEA0];
	v0 =	vadd.f32 v3, v0  }
0x261: {  	v3 =	vld [tilespmem:s15+$0xFFFFFF60]  }
0x262: {  	v1 =	vadd.f32 v1, v4;
	[tilespmem:s11+$0x1A0] =	vst v0  }
0x263: {  	v7 =	vld [tilespmem:s10+$0x130]  }
0x264: {  	v0 =	vadd.f32 v2, v5;
	v5 =	vld [tilespmem:s15+$0xB0];
	[tilespmem:s11+$0x20] =	vst v1  }
0x265: {  	v1 =	vld [tilespmem:s10+$0xA0]  }
0x266: {  	v2 =	vadd.f32 v3, v6;
	[tilespmem:s11+$0xFFFFFFA0] =	vst v0;
	v4 =	vld [tilespmem:s15+$0x60]  }
0x267: {  	v0 =	vld [tilespmem:s10+$0xFFFFFF30]  }
0x268: {  	v3 =	vld [tilespmem:s15+$0xFFFFFFB0];
	[tilespmem:s11+$0xFFFFFEA0] =	vst v2  }
0x269: {  	s13 =	simm.s32 $0x0;
	s17 =	simm.s32 $0xD800;
	v2 =	vld [tilespmem:s10+$0xFFFFFE30];
	v6 =	vadd.f32 v5, v7  }
0x26a: {  	s16 =	sor.u32 $0x100, s3;
	s12 =	simm.s32 $0x15400;
	s9 =	smov.u32 s15;
	v5 =	vld [tilespmem:s15+$0xFFFFFF30]  }
.LBB2_10:
0x26b: {  	v7 =	vld [tilespmem:s17+$0x100];
	v1 =	vadd.f32 v4, v1;
	[tilespmem:s11+$0x130] =	vst v6  }
0x26c: {  	v4 =	vld [tilespmem:s10+$0x1B0]  }
0x26d: {  	s9 =	sadd.s32 $0x200, s9;
	v0 =	vadd.f32 v3, v0;
	[tilespmem:s11+$0xA0] =	vst v1;
	v1 =	vld [tilespmem:s15+$0xF0]  }
0x26e: {  	v3 =	vld [tilespmem:s9+$0x80]  }
0x26f: {  	v6 =	vld [tilespmem:s9+$0xFFFFFF00];
	v2 =	vadd.f32 v5, v2;
	[tilespmem:s11+$0xFFFFFF30] =	vst v0  }
0x270: {  	v0 =	vld [tilespmem:s17+$0xFFFFFF00]  }
0x271: {  	v5 =	vld [tilespmem:s9+$0xFFFFFF80];
	[tilespmem:s11+$0xFFFFFE30] =	vst v2  }
0x272: {  	v2 =	vld [tilespmem:s17+$0x0];
	v1 =	vadd.f32 v1, v4  }
0x273: {  	v4 =	vld [tilespmem:s9+$0x0];
	v3 =	vadd.f32 v3, v7  }
0x274: {  	s11 =	sadd.s32 $0x400, s11;
	v7 =	vld [tilespmem:s17+$0xFFFFFE00];
	[tilespmem:s12+$0x1B0] =	vst v1  }
0x275: {  	s13 =	sadd.s32 $0x4, s13;
	[tilespmem:s11+$0x100] =	vst v3;
	v1 =	vld [tilespmem:s10+$0x30]  }
0x276: {  	p1 =	slt.u32 s13, $0x3C;
	v0 =	vadd.f32 v5, v0;
	v3 =	vld [tilespmem:s17+$0x180]  }
0x277: {  	v5 =	vld [tilespmem:s9+$0xC0]  }
0x278: {  	[tilespmem:s11+$0xFFFFFF00] =	vst v0;
	v0 =	vadd.f32 v4, v2;
	v2 =	vld [tilespmem:s15+$0x30]  }
0x279: {  	v4 =	vadd.f32 v6, v7;
	v6 =	vld [tilespmem:s17+$0xFFFFFF80]  }
0x27a: {  	v7 =	vld [tilespmem:s9+$0xFFFFFFC0];
	[tilespmem:s11+$0x0] =	vst v0  }
0x27b: {  	[tilespmem:s11+$0xFFFFFE00] =	vst v4;
	v0 =	vld [tilespmem:s17+$0x80]  }
0x27c: {  	v4 =	vld [tilespmem:s17+$0xFFFFFE80];
	v3 =	vadd.f32 v5, v3  }
0x27d: {  	v5 =	vld [tilespmem:s9+$0xFFFFFF40];
	v1 =	vadd.f32 v2, v1  }
0x27e: {  	v2 =	vld [tilespmem:s9+$0x40];
	[tilespmem:s11+$0x180] =	vst v3  }
0x27f: {  	v3 =	vadd.f32 v7, v6;
	v6 =	vld [tilespmem:s17+$0x110];
	[tilespmem:s12+$0x30] =	vst v1  }
0x280: {  	v1 =	vld [tilespmem:s9+$0x90]  }
0x281: {  	[tilespmem:s11+$0xFFFFFF80] =	vst v3;
	v3 =	vld [tilespmem:s10+$0xFFFFFEB0]  }
0x282: {  	v4 =	vadd.f32 v5, v4;
	v5 =	vld [tilespmem:s17+$0xFFFFFF10]  }
0x283: {  	v7 =	vld [tilespmem:s9+$0xFFFFFF90];
	v0 =	vadd.f32 v2, v0  }
0x284: {  	[tilespmem:s11+$0xFFFFFE80] =	vst v4;
	v2 =	vld [tilespmem:s15+$0xFFFFFF70]  }
0x285: {  	v4 =	vld [tilespmem:s17+$0xFFFFFE10];
	[tilespmem:s11+$0x80] =	vst v0;
	v0 =	vadd.f32 v1, v6  }
0x286: {  	v1 =	vld [tilespmem:s9+$0xFFFFFF10]  }
0x287: {  	v6 =	vld [tilespmem:s17+$0x10];
	[tilespmem:s11+$0x110] =	vst v0  }
0x288: {  	v0 =	vadd.f32 v7, v5;
	v5 =	vld [tilespmem:s17+$0x190]  }
0x289: {  	v7 =	vld [tilespmem:s9+$0xD0];
	v2 =	vadd.f32 v2, v3  }
0x28a: {  	[tilespmem:s11+$0xFFFFFF10] =	vst v0;
	v0 =	vld [tilespmem:s9+$0x10]  }
0x28b: {  	v1 =	vadd.f32 v1, v4;
	v3 =	vld [tilespmem:s17+$0xFFFFFF90];
	[tilespmem:s12+$0xFFFFFEB0] =	vst v2  }
0x28c: {  	v2 =	vld [tilespmem:s9+$0xFFFFFFD0]  }
0x28d: {  	[tilespmem:s11+$0xFFFFFE10] =	vst v1;
	v1 =	vld [tilespmem:s10+$0xFFFFFFB0]  }
0x28e: {  	v4 =	vld [tilespmem:s17+$0xFFFFFE90];
	v5 =	vadd.f32 v7, v5  }
0x28f: {  	v7 =	vld [tilespmem:s9+$0xFFFFFF50];
	v0 =	vadd.f32 v0, v6  }
0x290: {  	[tilespmem:s11+$0x190] =	vst v5;
	v5 =	vld [tilespmem:s15+$0xFFFFFFF0]  }
0x291: {  	v2 =	vadd.f32 v2, v3;
	[tilespmem:s11+$0x10] =	vst v0;
	v0 =	vld [tilespmem:s17+$0x120]  }
0x292: {  	v3 =	vld [tilespmem:s9+$0xA0]  }
0x293: {  	[tilespmem:s11+$0xFFFFFF90] =	vst v2;
	v2 =	vld [tilespmem:s17+$0x90]  }
0x294: {  	v4 =	vadd.f32 v7, v4;
	v6 =	vld [tilespmem:s9+$0x50]  }
0x295: {  	v7 =	vld [tilespmem:s17+$0xFFFFFF20];
	v1 =	vadd.f32 v5, v1  }
0x296: {  	[tilespmem:s11+$0xFFFFFE90] =	vst v4;
	v4 =	vld [tilespmem:s9+$0xFFFFFFA0]  }
0x297: {  	v5 =	vld [tilespmem:s17+$0xFFFFFE20];
	v0 =	vadd.f32 v3, v0;
	[tilespmem:s12+$0xFFFFFFB0] =	vst v1  }
0x298: {  	v1 =	vld [tilespmem:s9+$0xFFFFFF20]  }
0x299: {  	v2 =	vadd.f32 v6, v2;
	[tilespmem:s11+$0x120] =	vst v0;
	v3 =	vld [tilespmem:s10+$0xB0];
	s10 =	smov.u32 s17  }
0x29a: {  	v0 =	vld [tilespmem:s17+$0x1A0]  }
0x29b: {  	v4 =	vadd.f32 v4, v7;
	[tilespmem:s11+$0x90] =	vst v2;
	v2 =	vld [tilespmem:s9+$0xE0]  }
0x29c: {  	v6 =	vld [tilespmem:s17+$0x20]  }
0x29d: {  	v1 =	vadd.f32 v1, v5;
	[tilespmem:s11+$0xFFFFFF20] =	vst v4;
	v4 =	vld [tilespmem:s9+$0x20]  }
0x29e: {  	v5 =	vld [tilespmem:s17+$0xFFFFFFA0]  }
0x29f: {  	[tilespmem:s11+$0xFFFFFE20] =	vst v1;
	v1 =	vld [tilespmem:s9+$0xFFFFFFE0]  }
0x2a0: {  	v7 =	vld [tilespmem:s17+$0xFFFFFEA0];
	v0 =	vadd.f32 v2, v0  }
0x2a1: {  	v2 =	vld [tilespmem:s9+$0xFFFFFF60]  }
0x2a2: {  	v4 =	vadd.f32 v4, v6;
	[tilespmem:s11+$0x1A0] =	vst v0;
	v6 =	vld [tilespmem:s15+$0x70];
	s15 =	smov.u32 s9  }
0x2a3: {  	v8 =	vld [tilespmem:s17+$0x130]  }
0x2a4: {  	v0 =	vadd.f32 v1, v5;
	[tilespmem:s11+$0x20] =	vst v4;
	v5 =	vld [tilespmem:s9+$0xB0]  }
0x2a5: {  	v1 =	vld [tilespmem:s17+$0xA0]  }
.Ltmp4:
0x2a6: {  	v2 =	vadd.f32 v2, v7;
	[tilespmem:s11+$0xFFFFFFA0] =	vst v0;
	v4 =	vld [tilespmem:s9+$0x60];
	(pc) =	sbr.rel @p1 .LBB2_10-.Ltmp4, $4  }
0x2a7: {  	v0 =	vld [tilespmem:s17+$0xFFFFFF30];
	v7 =	vadd.f32 v6, v3  }
0x2a8: {  	[tilespmem:s11+$0xFFFFFEA0] =	vst v2;
	v3 =	vld [tilespmem:s9+$0xFFFFFFB0]  }
0x2a9: {  	v2 =	vld [tilespmem:s17+$0xFFFFFE30];
	v6 =	vadd.f32 v5, v8;
	[tilespmem:s12+$0xB0] =	vst v7;
	s12 =	smov.u32 s11  }
0x2aa: {  	s17 =	sadd.s32 $0x400, s17;
	v5 =	vld [tilespmem:s9+$0xFFFFFF30]  }
0x2ab: {  	v1 =	vadd.f32 v4, v1;
	_ =	sdelay $0x1  }
0x2ac: {  	[tilespmem:s11+$0xA0] =	vst v1  }
0x2ad: {  	v1 =	vld [tilespmem:s10+$0x30]  }
0x2ae: {  	v4 =	vld [tilespmem:s15+$0x30]  }
0x2af: {  	[tilespmem:s11+$0x130] =	vst v6;
	v2 =	vadd.f32 v5, v2  }
0x2b0: {  	v0 =	vadd.f32 v3, v0;
	v3 =	vld [tilespmem:s15+$0xF0]  }
0x2b1: {  	v5 =	vld [tilespmem:s10+$0x1B0];
	[tilespmem:s11+$0xFFFFFE30] =	vst v2  }
0x2b2: {  	v2 =	vld [tilespmem:s10+$0xFFFFFEB0]  }
0x2b3: {  	[tilespmem:s11+$0xFFFFFF30] =	vst v0;
	v0 =	vadd.f32 v4, v1;
	v1 =	vld [tilespmem:s15+$0xFFFFFF70]  }
0x2b4: {  	v4 =	vld [tilespmem:s10+$0xFFFFFFB0]  }
0x2b5: {  	[tilespmem:s12+$0x30] =	vst v0;
	v0 =	vld [tilespmem:s15+$0xFFFFFFF0]  }
0x2b6: {  	v6 =	vld [tilespmem:s10+$0xB0]  }
0x2b7: {  	v7 =	vld [tilespmem:s15+$0x70];
	_ =	sdelay $0x1  }
0x2b8: {  	v3 =	vadd.f32 v3, v5  }
0x2b9: {  	v1 =	vadd.f32 v1, v2  }
0x2ba: {  	[tilespmem:s12+$0x1B0] =	vst v3;
	v0 =	vadd.f32 v0, v4  }
0x2bb: {  	s9 =	sadd.s32 s7, s16;
	[tilespmem:s12+$0xFFFFFEB0] =	vst v1;
	v1 =	vadd.f32 v7, v6  }
0x2bc: {  	s9 =	sshll.u32 s9, $0x4;
	[tilespmem:s12+$0xFFFFFFB0] =	vst v0  }
0x2bd: {  	s17 =	simm.s32 $0x15200;
	s9 =	sadd.s32 s6, s9;
	[tilespmem:s12+$0xB0] =	vst v1  }
0x2be: {  	[hbm4b:s9+s4] =	stream.linear.scatter [tilespmem:s17], [sflag:$0x9], $0x4000, $0x38;
	[tilespmem:$0x1D200] =	vst v63  }
0x2bf: {  	_ =	swait.ge [sflag:s29], $0x800  }
0x2c0: {  	[sflag:s29] =	ssyncset.done $0x0  }
0x2c1: {  	[sflag:s29] =	ssyncadd.s32 $0xFFFFF800  }
0x2c2: {  	_ =	swait.ge [sflag:s29], $0x800  }
0x2c3: {  	[sflag:s29] =	ssyncset.done $0x0  }
0x2c4: {  	[sflag:s29] =	ssyncadd.s32 $0xFFFFF800  }
0x2c5: {  	_ =	swait.ge [sflag:s29], $0x800  }
0x2c6: {  	[sflag:s29] =	ssyncset.done $0x0  }
0x2c7: {  	[sflag:s29] =	ssyncadd.s32 $0xFFFFF800  }
0x2c8: {  	_ =	swait.ge [sflag:s29], $0x800  }
0x2c9: {  	[sflag:s29] =	ssyncset.done $0x0  }
0x2ca: {  	[sflag:s29] =	ssyncadd.s32 $0xFFFFF800  }
0x2cb: {  	_ =	swait.ge [sflag:s29], $0x800  }
0x2cc: {  	[sflag:s29] =	ssyncset.done $0x0  }
0x2cd: {  	[sflag:s29] =	ssyncadd.s32 $0xFFFFF800  }
0x2ce: {  	_ =	swait.ge [sflag:s29], $0x800  }
0x2cf: {  	[sflag:s29] =	ssyncset.done $0x0  }
0x2d0: {  	[sflag:s29] =	ssyncadd.s32 $0xFFFFF800  }
0x2d1: {  	_ =	swait.ge [sflag:s29], $0x800  }
0x2d2: {  	[sflag:s29] =	ssyncset.done $0x0  }
0x2d3: {  	[sflag:s29] =	ssyncadd.s32 $0xFFFFF800  }
0x2d4: {  	_ =	swait.ge [sflag:s29], $0x800  }
0x2d5: {  	[sflag:s29] =	ssyncset.done $0x0  }
0x2d6: {  	s9 =	simm.s32 @!p0 $0x2;
	[sflag:s29] =	ssyncadd.s32 $0xFFFFF800  }
0x2d7: {  	_ =	swait.ge @!p0 [sflag:s9], $0x80  }
0x2d8: {  	[sflag:s9] =	ssyncset.done @!p0 $0x0  }
0x2d9: {  	[sflag:s9] =	ssyncadd.s32 @!p0 $0xFFFFFF80  }
0x2da: {  	v0 =	vld @!p0 [tilespmem:$0x5080];
	_ =	sdelay $0x6  }
0x2db: {  	s10 =	simm.s32 @!p0 $0x9200;
	s9 =	simm.s32 @!p0 $0x0  }
0x2dc: {  	[tilespmem:s10], [sflag:$0x6] =	stream.indirect_vreg.gather @!p0 [hbm4b:s5+s9], $0x80, v0, vm1, $0xb8;
	[tilespmem:$0x1D200] =	vst v63  }
0x2dd: {  	v0 =	vld @!p0 [tilespmem:$0x5090];
	_ =	sdelay $0x6  }
0x2de: {  	s10 =	simm.s32 @!p0 $0x9A00  }
0x2df: {  	[tilespmem:s10], [sflag:$0x6] =	stream.indirect_vreg.gather @!p0 [hbm4b:s5+s9], $0x80, v0, vm1, $0xb8;
	[tilespmem:$0x1D200] =	vst v63  }
0x2e0: {  	v0 =	vld @!p0 [tilespmem:$0x50A0];
	_ =	sdelay $0x6  }
0x2e1: {  	s10 =	simm.s32 @!p0 $0xA200  }
0x2e2: {  	[tilespmem:s10], [sflag:$0x6] =	stream.indirect_vreg.gather @!p0 [hbm4b:s5+s9], $0x80, v0, vm1, $0xb8;
	[tilespmem:$0x1D200] =	vst v63  }
0x2e3: {  	v0 =	vld @!p0 [tilespmem:$0x50B0];
	_ =	sdelay $0x6  }
0x2e4: {  	s10 =	simm.s32 @!p0 $0xAA00  }
0x2e5: {  	[tilespmem:s10], [sflag:$0x6] =	stream.indirect_vreg.gather @!p0 [hbm4b:s5+s9], $0x80, v0, vm1, $0xb8;
	[tilespmem:$0x1D200] =	vst v63  }
0x2e6: {  	v0 =	vld @!p0 [tilespmem:$0x50C0];
	_ =	sdelay $0x6  }
0x2e7: {  	s10 =	simm.s32 @!p0 $0xB200  }
0x2e8: {  	[tilespmem:s10], [sflag:$0x6] =	stream.indirect_vreg.gather @!p0 [hbm4b:s5+s9], $0x80, v0, vm1, $0xb8;
	[tilespmem:$0x1D200] =	vst v63  }
0x2e9: {  	v0 =	vld @!p0 [tilespmem:$0x50D0];
	_ =	sdelay $0x6  }
0x2ea: {  	s10 =	simm.s32 @!p0 $0xBA00  }
0x2eb: {  	[tilespmem:s10], [sflag:$0x6] =	stream.indirect_vreg.gather @!p0 [hbm4b:s5+s9], $0x80, v0, vm1, $0xb8;
	[tilespmem:$0x1D200] =	vst v63  }
0x2ec: {  	v0 =	vld @!p0 [tilespmem:$0x50E0];
	_ =	sdelay $0x6  }
0x2ed: {  	s10 =	simm.s32 @!p0 $0xC200  }
0x2ee: {  	[tilespmem:s10], [sflag:$0x6] =	stream.indirect_vreg.gather @!p0 [hbm4b:s5+s9], $0x80, v0, vm1, $0xb8;
	[tilespmem:$0x1D200] =	vst v63  }
0x2ef: {  	v0 =	vld @!p0 [tilespmem:$0x50F0];
	_ =	sdelay $0x6  }
0x2f0: {  	s10 =	simm.s32 @!p0 $0xCA00  }
0x2f1: {  	[tilespmem:s10], [sflag:$0x6] =	stream.indirect_vreg.gather @!p0 [hbm4b:s5+s9], $0x80, v0, vm1, $0xb8;
	[tilespmem:$0x1D200] =	vst v63  }
0x2f2: {  	s10 =	sadd.s32 @!p0 $0x7, s30  }
0x2f3: {  	s11 =	sadd.s32 @!p0 s8, s10;
	s10 =	sshll.u32 @!p0 s10, $0x4  }
0x2f4: {  	s11 =	sshll.u32 @!p0 s11, $0x4;
	s10 =	sand.u32 @!p0 $0x70, s10  }
0x2f5: {  	s11 =	sand.u32 @!p0 $0xFFFFF80, s11;
	s10 =	sadd.s32 @!p0 s1, s10  }
0x2f6: {  	s10 =	sadd.s32 @!p0 s11, s10;
	s11 =	simm.s32 @!p0 $0x5180  }
0x2f7: {  	[tilespmem:s11], [sflag:$0x4] =	stream.linear.gather @!p0 [hbm4b:s10+s9], $0x80, $0x38;
	[tilespmem:$0x1D200] =	vst v63  }
0x2f8: {  	_ =	swait.ge [sflag:s21], $0x4000  }
0x2f9: {  	[sflag:s21] =	ssyncset.done $0x0  }
0x2fa: {  	s10 =	simm.s32 $0x11400;
	[sflag:s21] =	ssyncadd.s32 $0xFFFFC000  }
0x2fb: {  	v0 =	vld [tilespmem:s10+$0x100]  }
0x2fc: {  	v1 =	vld [tilespmem:s28+$0x80];
	_ =	sdelay $0x2  }
0x2fd: {  	v2 =	vld [tilespmem:s10+$0xFFFFFF00]  }
0x2fe: {  	v3 =	vld [tilespmem:s28+$0xFFFFFF80]  }
0x2ff: {  	v4 =	vld [tilespmem:s28+$0xFFFFFF00];
	v0 =	vadd.f32 v1, v0  }
0x300: {  	s11 =	simm.s32 $0x19400;
	v1 =	vld [tilespmem:s10+$0xFFFFFE00]  }
0x301: {  	[tilespmem:s11+$0x100] =	vst v0  }
0x302: {  	v0 =	vld [tilespmem:s10+$0x180]  }
0x303: {  	v2 =	vadd.f32 v3, v2;
	v3 =	vld [tilespmem:s28+$0xC0]  }
0x304: {  	v5 =	vld [tilespmem:s10+$0x0]  }
0x305: {  	v6 =	vld [tilespmem:s28+$0x0];
	[tilespmem:s11+$0xFFFFFF00] =	vst v2;
	v1 =	vadd.f32 v4, v1  }
0x306: {  	v2 =	vld [tilespmem:s10+$0xFFFFFF80]  }
0x307: {  	v4 =	vld [tilespmem:s28+$0xFFFFFFC0];
	[tilespmem:s11+$0xFFFFFE00] =	vst v1  }
0x308: {  	v1 =	vld [tilespmem:s10+$0xFFFFFE80];
	v0 =	vadd.f32 v3, v0  }
0x309: {  	v3 =	vld [tilespmem:s28+$0xFFFFFF40]  }
0x30a: {  	v5 =	vadd.f32 v6, v5;
	[tilespmem:s11+$0x180] =	vst v0  }
0x30b: {  	v0 =	vld [tilespmem:s10+$0x110]  }
0x30c: {  	[tilespmem:s11+$0x0] =	vst v5;
	v2 =	vadd.f32 v4, v2;
	v4 =	vld [tilespmem:s28+$0x90]  }
0x30d: {  	v5 =	vld [tilespmem:s10+$0x80]  }
0x30e: {  	v6 =	vld [tilespmem:s28+$0x40];
	[tilespmem:s11+$0xFFFFFF80] =	vst v2;
	v1 =	vadd.f32 v3, v1  }
0x30f: {  	v2 =	vld [tilespmem:s10+$0xFFFFFF10]  }
0x310: {  	v3 =	vld [tilespmem:s28+$0xFFFFFF90];
	[tilespmem:s11+$0xFFFFFE80] =	vst v1  }
0x311: {  	v1 =	vld [tilespmem:s10+$0xFFFFFE10];
	v0 =	vadd.f32 v4, v0  }
0x312: {  	v4 =	vld [tilespmem:s28+$0xFFFFFF10]  }
0x313: {  	v5 =	vadd.f32 v6, v5;
	[tilespmem:s11+$0x110] =	vst v0  }
0x314: {  	v0 =	vld [tilespmem:s10+$0x190]  }
0x315: {  	[tilespmem:s11+$0x80] =	vst v5;
	v2 =	vadd.f32 v3, v2;
	v3 =	vld [tilespmem:s28+$0xD0]  }
0x316: {  	v5 =	vld [tilespmem:s10+$0x10]  }
0x317: {  	[tilespmem:s11+$0xFFFFFF10] =	vst v2;
	v2 =	vld [tilespmem:s28+$0x10];
	v1 =	vadd.f32 v4, v1  }
0x318: {  	v4 =	vld [tilespmem:s10+$0xFFFFFF90]  }
0x319: {  	v6 =	vld [tilespmem:s28+$0xFFFFFFD0];
	[tilespmem:s11+$0xFFFFFE10] =	vst v1  }
0x31a: {  	v1 =	vld [tilespmem:s10+$0xFFFFFE90];
	v0 =	vadd.f32 v3, v0  }
0x31b: {  	v3 =	vld [tilespmem:s28+$0xFFFFFF50]  }
0x31c: {  	v2 =	vadd.f32 v2, v5;
	[tilespmem:s11+$0x190] =	vst v0  }
0x31d: {  	v0 =	vld [tilespmem:s10+$0x120]  }
0x31e: {  	v4 =	vadd.f32 v6, v4;
	[tilespmem:s11+$0x10] =	vst v2;
	v2 =	vld [tilespmem:s28+$0xA0]  }
0x31f: {  	v5 =	vld [tilespmem:s10+$0x90]  }
0x320: {  	[tilespmem:s11+$0xFFFFFF90] =	vst v4;
	v1 =	vadd.f32 v3, v1;
	v3 =	vld [tilespmem:s28+$0x50]  }
0x321: {  	v4 =	vld [tilespmem:s10+$0xFFFFFF20]  }
0x322: {  	[tilespmem:s11+$0xFFFFFE90] =	vst v1;
	v1 =	vld [tilespmem:s28+$0xFFFFFFA0]  }
0x323: {  	v6 =	vld [tilespmem:s10+$0xFFFFFE20];
	v0 =	vadd.f32 v2, v0  }
0x324: {  	v2 =	vld [tilespmem:s28+$0xFFFFFF20]  }
0x325: {  	v3 =	vadd.f32 v3, v5;
	[tilespmem:s11+$0x120] =	vst v0  }
0x326: {  	v0 =	vld [tilespmem:s10+$0x1A0]  }
0x327: {  	v1 =	vadd.f32 v1, v4;
	[tilespmem:s11+$0x90] =	vst v3;
	v3 =	vld [tilespmem:s28+$0xE0]  }
0x328: {  	v4 =	vld [tilespmem:s10+$0x20]  }
0x329: {  	v2 =	vadd.f32 v2, v6;
	[tilespmem:s11+$0xFFFFFF20] =	vst v1;
	v1 =	vld [tilespmem:s28+$0x20]  }
0x32a: {  	v5 =	vld [tilespmem:s10+$0xFFFFFFA0]  }
0x32b: {  	[tilespmem:s11+$0xFFFFFE20] =	vst v2;
	v2 =	vld [tilespmem:s28+$0xFFFFFFE0]  }
0x32c: {  	v6 =	vld [tilespmem:s10+$0xFFFFFEA0];
	v0 =	vadd.f32 v3, v0  }
0x32d: {  	v3 =	vld [tilespmem:s28+$0xFFFFFF60]  }
0x32e: {  	v1 =	vadd.f32 v1, v4;
	[tilespmem:s11+$0x1A0] =	vst v0  }
0x32f: {  	v7 =	vld [tilespmem:s10+$0x130]  }
0x330: {  	v0 =	vadd.f32 v2, v5;
	v5 =	vld [tilespmem:s28+$0xB0];
	[tilespmem:s11+$0x20] =	vst v1  }
0x331: {  	v1 =	vld [tilespmem:s10+$0xA0]  }
0x332: {  	v2 =	vadd.f32 v3, v6;
	[tilespmem:s11+$0xFFFFFFA0] =	vst v0;
	v4 =	vld [tilespmem:s28+$0x60]  }
0x333: {  	v0 =	vld [tilespmem:s10+$0xFFFFFF30]  }
0x334: {  	v3 =	vld [tilespmem:s28+$0xFFFFFFB0];
	[tilespmem:s11+$0xFFFFFEA0] =	vst v2  }
0x335: {  	s3 =	sor.u32 $0x180, s3;
	s13 =	simm.s32 $0x0;
	v2 =	vld [tilespmem:s10+$0xFFFFFE30];
	v6 =	vadd.f32 v5, v7  }
0x336: {  	s15 =	simm.s32 $0x11800;
	s12 =	simm.s32 $0x19400;
	s9 =	smov.u32 s28;
	v5 =	vld [tilespmem:s28+$0xFFFFFF30]  }
.LBB2_12:
0x337: {  	v7 =	vld [tilespmem:s15+$0x100];
	v1 =	vadd.f32 v4, v1;
	[tilespmem:s11+$0x130] =	vst v6  }
0x338: {  	v4 =	vld [tilespmem:s10+$0x1B0]  }
0x339: {  	s9 =	sadd.s32 $0x200, s9;
	v0 =	vadd.f32 v3, v0;
	[tilespmem:s11+$0xA0] =	vst v1;
	v1 =	vld [tilespmem:s28+$0xF0]  }
0x33a: {  	v3 =	vld [tilespmem:s9+$0x80]  }
0x33b: {  	v6 =	vld [tilespmem:s9+$0xFFFFFF00];
	v2 =	vadd.f32 v5, v2;
	[tilespmem:s11+$0xFFFFFF30] =	vst v0  }
0x33c: {  	v0 =	vld [tilespmem:s15+$0xFFFFFF00]  }
0x33d: {  	v5 =	vld [tilespmem:s9+$0xFFFFFF80];
	[tilespmem:s11+$0xFFFFFE30] =	vst v2  }
0x33e: {  	v2 =	vld [tilespmem:s15+$0x0];
	v1 =	vadd.f32 v1, v4  }
0x33f: {  	v4 =	vld [tilespmem:s9+$0x0];
	v3 =	vadd.f32 v3, v7  }
0x340: {  	s11 =	sadd.s32 $0x400, s11;
	v7 =	vld [tilespmem:s15+$0xFFFFFE00];
	[tilespmem:s12+$0x1B0] =	vst v1  }
0x341: {  	s13 =	sadd.s32 $0x4, s13;
	[tilespmem:s11+$0x100] =	vst v3;
	v1 =	vld [tilespmem:s10+$0x30]  }
0x342: {  	p0 =	slt.u32 s13, $0x3C;
	v0 =	vadd.f32 v5, v0;
	v3 =	vld [tilespmem:s15+$0x180]  }
0x343: {  	v5 =	vld [tilespmem:s9+$0xC0]  }
0x344: {  	[tilespmem:s11+$0xFFFFFF00] =	vst v0;
	v0 =	vadd.f32 v4, v2;
	v2 =	vld [tilespmem:s28+$0x30]  }
0x345: {  	v4 =	vadd.f32 v6, v7;
	v6 =	vld [tilespmem:s15+$0xFFFFFF80]  }
0x346: {  	v7 =	vld [tilespmem:s9+$0xFFFFFFC0];
	[tilespmem:s11+$0x0] =	vst v0  }
0x347: {  	[tilespmem:s11+$0xFFFFFE00] =	vst v4;
	v0 =	vld [tilespmem:s15+$0x80]  }
0x348: {  	v4 =	vld [tilespmem:s15+$0xFFFFFE80];
	v3 =	vadd.f32 v5, v3  }
0x349: {  	v5 =	vld [tilespmem:s9+$0xFFFFFF40];
	v1 =	vadd.f32 v2, v1  }
0x34a: {  	v2 =	vld [tilespmem:s9+$0x40];
	[tilespmem:s11+$0x180] =	vst v3  }
0x34b: {  	v3 =	vadd.f32 v7, v6;
	v6 =	vld [tilespmem:s15+$0x110];
	[tilespmem:s12+$0x30] =	vst v1  }
0x34c: {  	v1 =	vld [tilespmem:s9+$0x90]  }
0x34d: {  	[tilespmem:s11+$0xFFFFFF80] =	vst v3;
	v3 =	vld [tilespmem:s10+$0xFFFFFEB0]  }
0x34e: {  	v4 =	vadd.f32 v5, v4;
	v5 =	vld [tilespmem:s15+$0xFFFFFF10]  }
0x34f: {  	v7 =	vld [tilespmem:s9+$0xFFFFFF90];
	v0 =	vadd.f32 v2, v0  }
0x350: {  	[tilespmem:s11+$0xFFFFFE80] =	vst v4;
	v2 =	vld [tilespmem:s28+$0xFFFFFF70]  }
0x351: {  	v4 =	vld [tilespmem:s15+$0xFFFFFE10];
	[tilespmem:s11+$0x80] =	vst v0;
	v0 =	vadd.f32 v1, v6  }
0x352: {  	v1 =	vld [tilespmem:s9+$0xFFFFFF10]  }
0x353: {  	v6 =	vld [tilespmem:s15+$0x10];
	[tilespmem:s11+$0x110] =	vst v0  }
0x354: {  	v0 =	vadd.f32 v7, v5;
	v5 =	vld [tilespmem:s15+$0x190]  }
0x355: {  	v7 =	vld [tilespmem:s9+$0xD0];
	v2 =	vadd.f32 v2, v3  }
0x356: {  	[tilespmem:s11+$0xFFFFFF10] =	vst v0;
	v0 =	vld [tilespmem:s9+$0x10]  }
0x357: {  	v1 =	vadd.f32 v1, v4;
	v3 =	vld [tilespmem:s15+$0xFFFFFF90];
	[tilespmem:s12+$0xFFFFFEB0] =	vst v2  }
0x358: {  	v2 =	vld [tilespmem:s9+$0xFFFFFFD0]  }
0x359: {  	[tilespmem:s11+$0xFFFFFE10] =	vst v1;
	v1 =	vld [tilespmem:s10+$0xFFFFFFB0]  }
0x35a: {  	v4 =	vld [tilespmem:s15+$0xFFFFFE90];
	v5 =	vadd.f32 v7, v5  }
0x35b: {  	v7 =	vld [tilespmem:s9+$0xFFFFFF50];
	v0 =	vadd.f32 v0, v6  }
0x35c: {  	[tilespmem:s11+$0x190] =	vst v5;
	v5 =	vld [tilespmem:s28+$0xFFFFFFF0]  }
0x35d: {  	v2 =	vadd.f32 v2, v3;
	[tilespmem:s11+$0x10] =	vst v0;
	v0 =	vld [tilespmem:s15+$0x120]  }
0x35e: {  	v3 =	vld [tilespmem:s9+$0xA0]  }
0x35f: {  	[tilespmem:s11+$0xFFFFFF90] =	vst v2;
	v2 =	vld [tilespmem:s15+$0x90]  }
0x360: {  	v4 =	vadd.f32 v7, v4;
	v6 =	vld [tilespmem:s9+$0x50]  }
0x361: {  	v7 =	vld [tilespmem:s15+$0xFFFFFF20];
	v1 =	vadd.f32 v5, v1  }
0x362: {  	[tilespmem:s11+$0xFFFFFE90] =	vst v4;
	v4 =	vld [tilespmem:s9+$0xFFFFFFA0]  }
0x363: {  	v5 =	vld [tilespmem:s15+$0xFFFFFE20];
	v0 =	vadd.f32 v3, v0;
	[tilespmem:s12+$0xFFFFFFB0] =	vst v1  }
0x364: {  	v1 =	vld [tilespmem:s9+$0xFFFFFF20]  }
0x365: {  	v2 =	vadd.f32 v6, v2;
	[tilespmem:s11+$0x120] =	vst v0;
	v3 =	vld [tilespmem:s10+$0xB0];
	s10 =	smov.u32 s15  }
0x366: {  	v0 =	vld [tilespmem:s15+$0x1A0]  }
0x367: {  	v4 =	vadd.f32 v4, v7;
	[tilespmem:s11+$0x90] =	vst v2;
	v2 =	vld [tilespmem:s9+$0xE0]  }
0x368: {  	v6 =	vld [tilespmem:s15+$0x20]  }
0x369: {  	v1 =	vadd.f32 v1, v5;
	[tilespmem:s11+$0xFFFFFF20] =	vst v4;
	v4 =	vld [tilespmem:s9+$0x20]  }
0x36a: {  	v5 =	vld [tilespmem:s15+$0xFFFFFFA0]  }
0x36b: {  	[tilespmem:s11+$0xFFFFFE20] =	vst v1;
	v1 =	vld [tilespmem:s9+$0xFFFFFFE0]  }
0x36c: {  	v7 =	vld [tilespmem:s15+$0xFFFFFEA0];
	v0 =	vadd.f32 v2, v0  }
0x36d: {  	v2 =	vld [tilespmem:s9+$0xFFFFFF60]  }
0x36e: {  	v4 =	vadd.f32 v4, v6;
	[tilespmem:s11+$0x1A0] =	vst v0;
	v6 =	vld [tilespmem:s28+$0x70];
	s28 =	smov.u32 s9  }
0x36f: {  	v8 =	vld [tilespmem:s15+$0x130]  }
0x370: {  	v0 =	vadd.f32 v1, v5;
	[tilespmem:s11+$0x20] =	vst v4;
	v5 =	vld [tilespmem:s9+$0xB0]  }
0x371: {  	v1 =	vld [tilespmem:s15+$0xA0]  }
.Ltmp5:
0x372: {  	v2 =	vadd.f32 v2, v7;
	[tilespmem:s11+$0xFFFFFFA0] =	vst v0;
	v4 =	vld [tilespmem:s9+$0x60];
	(pc) =	sbr.rel @p0 .LBB2_12-.Ltmp5, $4  }
0x373: {  	v0 =	vld [tilespmem:s15+$0xFFFFFF30];
	v7 =	vadd.f32 v6, v3  }
0x374: {  	[tilespmem:s11+$0xFFFFFEA0] =	vst v2;
	v3 =	vld [tilespmem:s9+$0xFFFFFFB0]  }
0x375: {  	v2 =	vld [tilespmem:s15+$0xFFFFFE30];
	v6 =	vadd.f32 v5, v8;
	[tilespmem:s12+$0xB0] =	vst v7;
	s12 =	smov.u32 s11  }
0x376: {  	s15 =	sadd.s32 $0x400, s15;
	v5 =	vld [tilespmem:s9+$0xFFFFFF30]  }
0x377: {  	v1 =	vadd.f32 v4, v1;
	_ =	sdelay $0x1  }
0x378: {  	[tilespmem:s11+$0xA0] =	vst v1  }
0x379: {  	v1 =	vld [tilespmem:s10+$0x30]  }
0x37a: {  	v55 =	vld [tilespmem:s28+$0x30]  }
0x37b: {  	[tilespmem:s11+$0x130] =	vst v6;
	v0 =	vadd.f32 v3, v0  }
0x37c: {  	v56 =	vld [tilespmem:s10+$0x1B0]  }
0x37d: {  	v57 =	vld [tilespmem:s28+$0xF0];
	v2 =	vadd.f32 v5, v2;
	[tilespmem:s11+$0xFFFFFF30] =	vst v0  }
0x37e: {  	v60 =	vld [tilespmem:s10+$0xFFFFFFB0]  }
0x37f: {  	v61 =	vld [tilespmem:s28+$0xFFFFFFF0];
	[tilespmem:s11+$0xFFFFFE30] =	vst v2;
	v58 =	vadd.f32 v55, v1  }
0x380: {  	v2 =	vld [tilespmem:s10+$0xFFFFFEB0]  }
0x381: {  	v59 =	vld [tilespmem:s28+$0xFFFFFF70];
	[tilespmem:s12+$0x30] =	vst v58  }
0x382: {  	v62 =	vld [tilespmem:s10+$0xB0]  }
0x383: {  	v7 =	vld [tilespmem:s28+$0x70];
	_ =	sdelay $0x1  }
0x384: {  	s26 =	sadd.s32 $0x1, s26;
	v3 =	vadd.f32 v57, v56  }
0x385: {  	p0 =	sne.s32 s26, $0x32;
	v0 =	vadd.f32 v61, v60  }
.Ltmp6:
0x386: {  	[tilespmem:s12+$0x1B0] =	vst v3;
	v1 =	vadd.f32 v59, v2;
	(pc) =	sbr.rel @p0 .LBB2_2-.Ltmp6, $4  }
0x387: {  	s3 =	sadd.s32 s7, s3;
	[tilespmem:s12+$0xFFFFFFB0] =	vst v0;
	v63 =	vadd.f32 v7, v62  }
0x388: {  	s25 =	sadd.s32 $0x200, s25;
	s22 =	sadd.s32 $0x200, s22;
	s3 =	sshll.u32 s3, $0x4;
	[tilespmem:s12+$0xFFFFFEB0] =	vst v1  }
0x389: {  	s23 =	sadd.s32 $0x200, s23;
	s24 =	sadd.s32 $0x200, s24;
	s3 =	sadd.s32 s6, s3;
	[tilespmem:s12+$0xB0] =	vst v63  }
0x38a: {  	[hbm4b:s3+s4] =	stream.linear.scatter [tilespmem:s31], [sflag:$0xA], $0x4000, $0x38;
	[tilespmem:$0x1D200] =	vst v63  }
0x38b: {  	_ =	swait.ge [sflag:s19], $0x4000  }
0x38c: {  	[sflag:s19] =	ssyncset.done $0x0  }
0x38d: {  	[sflag:s19] =	ssyncadd.s32 $0xFFFFC000  }
0x38e: {  	_ =	swait.ge [sflag:s21], $0x4000  }
0x38f: {  	s9 =	rddreg [dreg:$0x9]  }
0x390: {  	s3 =	rddreg [dreg:$0x8];
	s9 =	sadd.s32 $0x1, s9  }
0x391: {  	p0 =	sne.s32 s9, s3  }
.Ltmp7:
0x392: {  	_ = 	snop;
	(pc) =	sbr.rel @p0 .LBB2_1-.Ltmp7, $3  }
0x393: {  	_ =	sdelay $0x1  }
0x394: {  	[sflag:s21] =	ssyncset.done $0x0  }
0x395: {  	[sflag:s21] =	ssyncadd.s32 $0xFFFFC000  }
0x396: {  	_ =	sfence.sel $0x180000  }
0x397: {  	[bflag:$0x0] =	sbarrier.arrive $0xFFFF  }
0x398: {  	_ =	strace $0x90000047  }
0x399: {  	s0 =	stileid.u32;
	[bflag:$0x2] =	sbarrier.arrive $0xFFFF  }
0x39a: {  	p0 =	sne.s32 s0, $0x0;
	s0 =	rddreg [dreg:$0x3]  }
0x39b: {  	s0 =	sadd.s32 @!p0 $0x100000, s0  }
0x39c: {  	[sflag:s0] =	ssyncadd.tile.s32 @!p0 $0x1;
	_ =	shalt  }
.Lfunc_end2:
_tile_overlayer_lowered:
.L_overlay_start_2:
0x39d: {  	(tag) =	ssettag $0x2  }
0x39e: {  	s0 =	rddreg [dreg:$0x0];
	s2 =	stileid.u32  }
0x39f: {  	s1 =	rddreg [dreg:$0x1];
	p0 =	sne.s32 s2, $0x0  }
0x3a0: {  	s3 =	rddreg [dreg:$0x2];
	[bflag:$0x3] =	sbarrier.arrive $0xFFFF;
	s2 =	simm.s32 @!p0 $0x1C0B  }
0x3a1: {  	[timem:s3], [sflag:s2] =	dma.local @!p0 [hbm:s0], s1  }
0x3a2: {  	s0 =	simm.s32 @!p0 $0xB  }
0x3a3: {  	_ =	swait.ge @!p0 [sflag:s0], s1  }
0x3a4: {  	s1 =	ssub.s32 @!p0 $0x0, s1;
	[sflag:s0] =	ssyncset.done @!p0 $0x0  }
0x3a5: {  	[sflag:s0] =	ssyncadd.s32 @!p0 s1  }
0x3a6: {  	[bflag:$0x3] =	sbarrier.arrive $0xFFFF  }
0x3a7: {  	_ =	shalt  }

// kernel: sparse-core-data-format-call.cloned.1.call-start
scs
called_computation_lowered:
.L_overlay_start_0:
0x0: {  	s2 =	sld [smem:$0x3FD9]  }
0x1: {  	s3 =	sld [smem:$0x3FFE];
	_ =	sdelay $0x1  }
0x2: {  	s1 =	srdreg.scid  }
0x3: {  	s0 =	sand.u32 $0x1, s1  }
0x4: {  	s18 =	sshll.u32 s0, $0xA;
	s2 =	sadd.s32 s3, s2  }
0x5: {  	s2 =	sadd.s32 s2, s18  }
0x6: {  	[smem:$0x3FC5] =	sst s2  }
0x7: {  	_ = 	snop  }
0x8: {  	s2 =	sld [smem:$0x3FD0];
	(tm) =	ssettm $0x1  }
0x9: {  	s19 =	sld [smem:$0x3FFB];
	_ =	sdelay $0x3  }
0xa: {  	_ =	strace s19  }
0xb: {  	s3 =	sld [smem:$0x3FFC];
	_ =	sdelay $0x3  }
0xc: {  	_ =	strace s3  }
0xd: {  	s3 =	sld [smem:$0x3FFD];
	_ =	sdelay $0x3  }
0xe: {  	_ =	strace s3  }
0xf: {  	_ =	strace $0x8FFFFFFF  }
0x10: {  	s20 =	sld [smem:$0x3FDB];
	_ =	sdelay $0x1  }
0x11: {  	s4 =	simm.s32 $_scs_section_size  }
0x12: {  	s5 =	simm.s32 $_size__tile_overlayer_lowered;
	s6 =	simm.s32 $_tile_overlayer_lowered  }
0x13: {  	s23 =	simm.s32 $0x1BFF;
	s22 =	sshll.u32 s6, $0x1;
	s3 =	sadd.s32 s4, s20  }
0x14: {  	s7 =	simm.s32 $0x0;
	s21 =	sshll.u32 s5, $0x1;
	s5 =	sadd.s32 s22, s3  }
0x15: {  	[timem:s7], [sflag:s23] =	dma.local [hbm:s5], s21  }
0x16: {  	_ =	swait.ge [sflag:s23], s21  }
0x17: {  	s4 =	ssub.s32 $0x0, s21;
	[sflag:s23] =	ssyncset.done $0x0  }
0x18: {  	[sflag:s23] =	ssyncadd.s32 s4;
	_ =	sdelay $0x1  }
0x19: {  	s24 =	simm.s32 $0x1B8B  }
0x1a: {  	_ =	swait.ge [sflag:s24], $0x1  }
0x1b: {  	[sflag:s24] =	ssyncset.done $0x0  }
0x1c: {  	s26 =	simm.s32 $0x1B8E;
	s25 =	sld [smem:$0x3FFE];
	[sflag:s24] =	ssyncadd.s32 $0xFFFFFFFF  }
0x1d: {  	s27 =	simm.s32 $execute0_lowered;
	[smem:$0x3FD2] =	sst s26  }
0x1e: {  	s5 =	sshll.u32 s27, $0x1;
	_ =	strace $0x80000049;
	[dreg:$0x1] =	wrdreg $0xFFFFFFFF  }
0x1f: {  	s28 =	simm.s32 $_size_execute0_lowered;
	s3 =	sadd.s32 s3, s5;
	[dreg:$0x0] =	wrdreg $0x0  }
0x20: {  	s5 =	sshll.u32 s28, $0x1;
	[dreg:$0x2] =	wrdreg s3  }
0x21: {  	[dreg:$0x3] =	wrdreg s5  }
0x22: {  	[dreg:$0x4] =	wrdreg $0xC0  }
0x23: {  	_ =	task [dreg:s7], $0x5FFFF  }
0x24: {  	[dreg:$0x1] =	wrdreg $0xFFFFFFFF  }
0x25: {  	[dreg:$0x0] =	wrdreg $0x60  }
0x26: {  	[dreg:$0x2] =	wrdreg s25  }
0x27: {  	[dreg:$0x3] =	wrdreg s2  }
0x28: {  	[dreg:$0x4] =	wrdreg $0x9  }
0x29: {  	_ =	task.clear_ibuf [dreg:s7], $0x5FFFF;
	_ =	strace $0x90000049  }
0x2a: {  	s29 =	simm.s32 $0x9;
	_ =	strace $0x8000004B  }
0x2b: {  	_ =	swait.ge [sflag:s29], $0x1  }
0x2c: {  	[sflag:s29] =	ssyncadd.s32 $0xFFFFFFFF  }
0x2d: {  	_ =	strace $0x9000004B  }
0x2e: {  	_ =	sfence  }
0x2f: {  	s30 =	sld [smem:$0x0];
	_ =	sdelay $0x2  }
0x30: {  	s31 =	sshll.u32 s1, $0xD;
	s1 =	sshrl.u32 s1, $0x2  }
0x31: {  	s3 =	sand.u32 $0x4000, s31;
	s1 =	sadd.s32 s1, s30  }
0x32: {  	s0 =	sor.u32 s3, s0;
	s1 =	sshll.u32 s1, $0x11  }
0x33: {  	s0 =	sor.u32 s1, s0  }
0x34: {  	s0 =	sadd.s32 $0x8F2B, s0  }
0x35: {  	[sflag:s0] =	ssyncadd.remote.s32 $0x1  }
0x36: {  	_ =	sfence.sel $0xFFFF  }
0x37: {  	[dreg:$0x0] =	wrdreg $0xFFFFFFFF;
	(pc) =	sbr.abs _section_cstart, $3  }
0x38: {  	[dreg:$0x1] =	wrdreg $0xFFFFFFFF  }
0x39: {  	_ =	task.clear_ibuf [dreg:s7], $0x2FFFF;
	_ =	strace $0x9FFFFFFF  }
0x3a: {  	(tm) =	ssettm $0x7FFFFFFF  }
0x3b: {  	_ =	shalt  }
tec
execute0_lowered:
.L_overlay_start_1:
0x0: {  	(tag) =	ssettag $0x1  }
0x1: {  	s0 =	srdreg.scid  }
0x2: {  	s1 =	sshll.u32 s0, $0x4  }
0x3: {  	s0 =	stileid.u32;
	s1 =	sand.u32 $0x10, s1  }
0x4: {  	s1 =	sor.u32 s0, s1  }
0x5: {  	s6 =	rddreg [dreg:$0x0];
	s4 =	simm.s32 $0x1;
	s2 =	sshll.u32 s1, $0x7  }
0x6: {  	s7 =	simm.s32 $0x2;
	s12 =	simm.s32 $0x0;
	s1 =	ssub.s32 $0x1000, s2  }
0x7: {  	s8 =	simm.s32 $0x8000;
	s13 =	simm.s32 $0x0;
	s3 =	sand.u32 $0xF80, s1  }
0x8: {  	s9 =	simm.s32 $0x0;
	s5 =	sshrl.u32 s1, $0xC;
	p0 =	sne.s32 s3, $0x0  }
.Ltmp0:
0x9: {  	s1 =	rddreg [dreg:$0x2];
	s4 =	simm.s32 @!p0 $0x0;
	(pc) =	sbr.rel .LBB1_1-.Ltmp0, $4  }
0xa: {  	s11 =	simm.s32 $0x0;
	s3 =	rddreg [dreg:$0x1];
	s5 =	sadd.s32 s4, s5  }
0xb: {  	_ =	strace $0x8000004A;
	s4 =	simm.s32 $0x1;
	s5 =	smul.u32 $0xC8, s5  }
0xc: {  	s6 =	sadd.s32 $0xA00, s6;
	s10 =	smov.u32 s2;
	[sflag:s4] =	ssyncpa.u1 $0x0  }
0xd: {  	p0 =	por $0x0, $0x0;
	[sflag:s7] =	ssyncpa.u1 $0x0;
	s7 =	sor.u32 $0x1, s5  }
.LBB1_4:
0xe: {  	s16 =	sshll.u32 s13, $0x3;
	s17 =	sand.u32 $0x78, s13  }
0xf: {  	s30 =	sand.u32 $0x7E00, s13;
	s12 =	sshll.u32 s12, $0xF;
	s16 =	sand.u32 $0xC00, s16  }
0x10: {  	[tilespmem:s15+$0x810 ss:$0x81] =	vst.msk $0xffff, v2;
	s31 =	sand.u32 $0x7, s13;
	s16 =	sor.u32 s17, s16;
	s17 =	sadd.s32 s3, s30  }
0x11: {  	[tilespmem:s15+$0x1020 ss:$0x81] =	vst.msk $0xffff, v0;
	s13 =	sshll.u32 s31, $0x12;
	s12 =	sadd.s32 s12, s17;
	s16 =	sshrl.u32 s16, $0x3  }
0x12: {  	[tilespmem:s15+$0x0 ss:$0x81] =	vst.msk $0xffff, v1;
	s13 =	sor.u32 $0x400, s13;
	s12 =	sadd.s32 s16, s12  }
0x13: {  	[hbm4b:s12+s13] =	stream.strided.scatter [tilespmem:s14], [sflag:$0x2], $0x2000, s8, s13, $0x20;
	[tilespmem:$0x8080] =	vst v63  }
.LBB1_5:
0x14: {  	s14 =	sadd.s32 $0x1, s9  }
0x15: {  	s12 =	sadd.s32 $0x1000, s10;
	s16 =	smov.u32 s10;
	p2 =	sgt.s32 s14, $0xC7  }
0x16: {  	s16 =	smov.u32 @p2 s12  }
0x17: {  	s14 =	simm.s32 @p2 $0x0;
	p2 =	sgt.s32 s16, $0xFFF  }
0x18: {  	s16 =	smov.u32 @p2 s2;
	p2 =	sne.s32 s11, s7  }
.Ltmp1:
0x19: {  	p1 =	slt.u32 s11, $0x2;
	(pc) =	sbr.rel @!p2 .LBB1_6-.Ltmp1, $4  }
0x1a: {  	s15 =	simm.s32 @!p1 $0x2  }
0x1b: {  	s13 =	smov.u32 s10;
	p0 =	por !p0, !p0;
	_ =	swait.ge @!p1 [sflag:s15], $0x2000  }
0x1c: {  	s12 =	smov.u32 s9;
	[sflag:s15] =	ssyncset.done @!p1 $0x0;
	s9 =	smov.u32 s14  }
0x1d: {  	s11 =	sadd.s32 $0x1, s11;
	[sflag:s15] =	ssyncadd.s32 @!p1 $0xFFFFE000;
	s10 =	smov.u32 s16  }
.LBB1_1:
0x1e: {  	p1 =	sge.u32 s11, s5  }
0x1f: {  	s14 =	sand.u32 @!p1 $0x1FFFFFF, s9  }
0x20: {  	s15 =	smulhi.u32 @!p1 $0x147AE15, s14;
	_ =	sdelay $0x1  }
0x21: {  	s15 =	smul.u32 @!p1 $0xC8, s15  }
0x22: {  	s16 =	sxor.u32 @!p1 $0xFFFFFFFF, s11;
	s17 =	smul.u32 @!p1 $0xC80, s10  }
0x23: {  	s31 =	sadd.s32 $0xFFFFFFFF, s11;
	s16 =	sshll.u32 @!p1 s16, $0xD;
	s14 =	ssub.s32 @!p1 s14, s15  }
0x24: {  	s15 =	sand.u32 @!p1 $0x2000, s16;
	s16 =	sadd.s32 @!p1 s6, s17;
	s14 =	sshll.u32 @!p1 s14, $0x4  }
0x25: {  	s17 =	simm.s32 @!p1 $0x6400;
	s14 =	sadd.s32 @!p1 s14, s16;
	s16 =	simm.s32 @!p1 $0x40  }
0x26: {  	[tilespmem:s15], [sflag:$0x1] =	stream.strided.gather @!p1 [hbm4b:s14+s16], $0x2000, s17, s16, $0x38;
	[tilespmem:$0x8080] =	vst v63  }
0x27: {  	p1 =	sge.u32 s31, s5  }
.Ltmp2:
0x28: {  	_ = 	snop;
	(pc) =	sbr.rel @p1 .LBB1_5-.Ltmp2, $1  }
0x29: {  	_ =	sdelay $0x3  }
0x2a: {  	s14 =	simm.s32 $0x1  }
0x2b: {  	_ =	swait.ge [sflag:s4], $0x2000;
	s14 =	simm.s32 @!p0 $0x0  }
0x2c: {  	[sflag:s4] =	ssyncset.done $0x0;
	s15 =	sshll.u32 s14, $0xD  }
0x2d: {  	[sflag:s4] =	ssyncadd.s32 $0xFFFFE000;
	s18 =	sor.u32 $0x20, s15  }
0x2e: {  	s14 =	smul.u32 $0x8100, s14;
	v3 =	vld [tilespmem:s18+$0x10]  }
0x2f: {  	s30 =	sand.u32 $0x1, s11;
	v2 =	vld [tilespmem:s18+$0xFFFFFFF0]  }
0x30: {  	s15 =	smul.u32 $0x8100, s30;
	s14 =	sshrl.u32 s14, $0x2;
	v0 =	vld [tilespmem:s18+$0x0]  }
0x31: {  	v1 =	vld [tilespmem:s18+$0xFFFFFFE0];
	s16 =	sor.u32 $0x4000, s14  }
0x32: {  	s31 =	sshrl.u32 s15, $0x2;
	s15 =	sadd.s32 $0x0, s16  }
0x33: {  	s17 =	simm.s32 $0x4;
	s18 =	sadd.s32 $0x40, s18;
	s14 =	sor.u32 $0x4000, s31;
	[tilespmem:s15+$0x1830 ss:$0x81] =	vst.msk $0xffff, v3  }
.LBB1_3:
0x34: {  	v3 =	vld [tilespmem:s18+$0x10];
	p1 =	sne.s32 s17, $0x1FC;
	[tilespmem:s15+$0x810 ss:$0x81] =	vst.msk $0xffff, v2;
	s19 =	smov.u32 s17;
	s17 =	sadd.s32 $0x4, s17  }
.Ltmp3:
0x35: {  	v2 =	vld [tilespmem:s18+$0xFFFFFFF0];
	[tilespmem:s15+$0x1020 ss:$0x81] =	vst.msk $0xffff, v0;
	(pc) =	sbr.rel @p1 .LBB1_3-.Ltmp3, $4  }
0x36: {  	v0 =	vld [tilespmem:s18+$0x0];
	[tilespmem:s15+$0x0 ss:$0x81] =	vst.msk $0xffff, v1  }
0x37: {  	s15 =	sshra.s32 s19, $0x2;
	v1 =	vld [tilespmem:s18+$0xFFFFFFE0]  }
0x38: {  	s15 =	sadd.s32 s15, s16  }
0x39: {  	s18 =	sadd.s32 $0x40, s18;
	[tilespmem:s15+$0x1830 ss:$0x81] =	vst.msk $0xffff, v3  }
.Ltmp4:
0x3a: {  	_ = 	snop;
	(pc) =	sbr.rel .LBB1_4-.Ltmp4, $1  }
0x3b: {  	_ =	sdelay $0x3  }
.LBB1_6:
0x3c: {  	_ =	sfence.sel $0x180000  }
0x3d: {  	s2 =	simm.s32 $0x1;
	[bflag:$0x0] =	sbarrier.arrive $0xFFFF  }
0x3e: {  	s31 =	simm.s32 $0x2;
	[sflag:s2] =	ssyncpa.u1 $0x1  }
0x3f: {  	[sflag:s31] =	ssyncpa.u1 $0x1  }
0x40: {  	p0 =	sne.s32 s0, $0x0;
	_ =	strace $0x9000004A  }
0x41: {  	s0 =	sadd.s32 @!p0 $0x100000, s1;
	[bflag:$0x2] =	sbarrier.arrive $0xFFFF  }
0x42: {  	[sflag:s0] =	ssyncadd.tile.s32 @!p0 $0x1;
	_ =	shalt  }
.Lfunc_end1:
_tile_overlayer_lowered:
.L_overlay_start_2:
0x43: {  	(tag) =	ssettag $0x2  }
0x44: {  	s0 =	rddreg [dreg:$0x0];
	s2 =	stileid.u32  }
0x45: {  	s1 =	rddreg [dreg:$0x1];
	p0 =	sne.s32 s2, $0x0  }
0x46: {  	s3 =	rddreg [dreg:$0x2];
	[bflag:$0x3] =	sbarrier.arrive $0xFFFF;
	s2 =	simm.s32 @!p0 $0x1C01  }
0x47: {  	[timem:s3], [sflag:s2] =	dma.local @!p0 [hbm:s0], s1  }
0x48: {  	s0 =	simm.s32 @!p0 $0x1  }
0x49: {  	_ =	swait.ge @!p0 [sflag:s0], s1  }
0x4a: {  	s1 =	ssub.s32 @!p0 $0x0, s1;
	[sflag:s0] =	ssyncset.done @!p0 $0x0  }
0x4b: {  	[sflag:s0] =	ssyncadd.s32 @!p0 s1  }
0x4c: {  	[bflag:$0x3] =	sbarrier.arrive $0xFFFF  }
0x4d: {  	_ =	shalt  }

</sc_bundles>
